<compile_context>
chip_gen: v7x
topology: tpu7x:2x2x1
jax: 0.10.2.dev20260603
libtpu: 0.0.44.dev20260713+nightly
codegen_flags: <defaults>
</compile_context>

<pallas_src>
import functools

import jax
import jax.numpy as jnp
from jax import lax
from jax.experimental import pallas as pl
from jax.experimental.pallas import tpu as pltpu
from jax.experimental.pallas import tpu_sc as plsc

_VOCAB = 1000000
_EMB = 16
_B = 16384
_NF = 9
_NC_FEAT = 3
_LANES = 16

_info = plsc.get_sparse_core_info()
_NW = _info.num_cores * _info.num_subcores
_BPW = _B // _NW
_CHUNKS = _BPW // _LANES

_mesh = plsc.VectorSubcoreMesh(core_axis_name="c", subcore_axis_name="s")


@functools.partial(
    pl.kernel,
    mesh=_mesh,
    out_type=jax.ShapeDtypeStruct((_B,), jnp.float32),
    compiler_params=pltpu.CompilerParams(
        needs_layout_passes=False, use_tc_tiling_on_sc=False),
    scratch_types=(
        [pltpu.VMEM((_BPW,), jnp.int32) for _ in range(_NF)]
        + [pltpu.VMEM((_NF, _BPW, _EMB), jnp.float32)]
        + [pltpu.VMEM((_BPW,), jnp.float32) for _ in range(_NF)]
        + [pltpu.VMEM((_BPW,), jnp.float32) for _ in range(_NC_FEAT)]
        + [
            pltpu.VMEM((_BPW,), jnp.float32),
            pltpu.VMEM((_LANES,), jnp.float32),
            pltpu.VMEM((_LANES, _LANES), jnp.float32),
            pltpu.SemaphoreType.DMA,
        ]
    ),
)
def _fm_sc(idx_hbm, cont_hbm, w_hbm, l_hbm, bias_hbm, out_hbm, *scratch):
    idx_vs = scratch[:_NF]
    rows_v = scratch[_NF]
    lrows_vs = scratch[_NF + 1:2 * _NF + 1]
    cont_vs = scratch[2 * _NF + 1:2 * _NF + 1 + _NC_FEAT]
    out_v, bias_v, tbuf, sem = scratch[2 * _NF + 1 + _NC_FEAT:]

    wid = lax.axis_index("s") * _info.num_cores + lax.axis_index("c")
    base = wid * _BPW

    stage = []
    for j in range(_NF):
        stage.append(pltpu.async_copy(
            idx_hbm.at[pl.ds(j * _B + base, _BPW)], idx_vs[j], sem))
    for k in range(_NC_FEAT):
        stage.append(pltpu.async_copy(
            cont_hbm.at[pl.ds(k * _B + base, _BPW)], cont_vs[k], sem))
    stage.append(pltpu.async_copy(bias_hbm, bias_v, sem))
    for c in stage:
        c.wait()

    copies = []
    l_view = l_hbm.at[0]
    for j in range(_NF):
        copies.append(pltpu.async_copy(w_hbm.at[idx_vs[j]], rows_v.at[j], sem))
        copies.append(pltpu.async_copy(l_view.at[idx_vs[j]], lrows_vs[j], sem))
    for c in copies:
        c.wait()

    lane = lax.iota(jnp.int32, _LANES)
    bias_vec = bias_v[...]

    def chunk_body(c, _):
        row0 = c * _LANES
        for r in range(_LANES):
            row = row0 + r
            e = rows_v[0, row]
            s = e
            ss = e * e
            for j in range(1, _NF):
                e = rows_v[j, row]
                s = s + e
                ss = ss + e * e
            tbuf[r] = s * s - ss
        res = jnp.zeros((_LANES,), jnp.float32)
        for dd in range(_LANES):
            col = plsc.load_gather(
                tbuf, [lane, jnp.full((_LANES,), dd, jnp.int32)])
            res = res + col
        lin = bias_vec
        for j in range(_NF - _NC_FEAT):
            lin = lin + lrows_vs[j][pl.ds(row0, _LANES)]
        for k in range(_NC_FEAT):
            lin = lin + (lrows_vs[_NF - _NC_FEAT + k][pl.ds(row0, _LANES)]
                         * cont_vs[k][pl.ds(row0, _LANES)])
        z = lin + 0.5 * res
        out_v[pl.ds(row0, _LANES)] = 1.0 / (1.0 + jnp.exp(-z))
        return ()

    lax.fori_loop(0, _CHUNKS, chunk_body, (), unroll=False)

    pltpu.sync_copy(out_v, out_hbm.at[pl.ds(base, _BPW)])


def kernel(x, W, L, bias):
    idx = x[:, :_NF].astype(jnp.int32).T.reshape(_NF * _B)
    cont = x[:, _NF:].T.reshape(_NC_FEAT * _B)
    l_pad = jnp.pad(L.T, ((0, 0), (0, 64)))
    bias16 = jnp.broadcast_to(bias, (_LANES,))
    return _fm_sc(idx, cont, W, l_pad, bias16)

# --- scband reference (transcript-rebuilt; emitter-appended) ---
"""Pipeline reference for scband-fm-35510789603947 (READ-ONLY COPY).

The authoritative reference and input builder live on the scoring server;
editing this copy changes nothing except your own understanding.
"""

import jax, jax.numpy as jnp
import numpy as np

VOCAB = 1000000
EMB = 16
B = 16384

def setup_inputs(seed: int = 0) -> dict:
    key = jax.random.key(seed)
    k1, k2, k3 = jax.random.split(key, 3)
    # 12 columns: first 9 are categorical indices (stored as float, cast to int in forward),
    # last 3 are continuous features.
    x = jax.random.randint(k1, (B, 12), 0, VOCAB).astype(jnp.float32)
    # Embedding table with xavier_uniform init (fan_in=VOCAB, fan_out=EMB)
    limit_w = float(np.sqrt(6.0 / (VOCAB + EMB)))
    W = jax.random.uniform(k2, (VOCAB, EMB), minval=-limit_w, maxval=limit_w, dtype=jnp.float32)
    # Linear (first-order) embedding table, output_dim=1 (default torch init is normal; keep small uniform)
    limit_l = float(np.sqrt(6.0 / (VOCAB + 1)))
    L = jax.random.uniform(k3, (VOCAB, 1), minval=-limit_l, maxval=limit_l, dtype=jnp.float32)
    bias = jnp.zeros((1,), dtype=jnp.float32)
    return {"x": x, "W": W, "L": L, "bias": bias}

def reference(x, W, L, bias):
    idx = jax.lax.stop_gradient(x[:, :9]).astype(jnp.int32)  # [B, 9]
    cont = x[:, 9:]  # [B, 3]
    # FeaturesLinear
    ev = jnp.take(L, idx, axis=0)  # [B, 9, 1]
    ev = jnp.concatenate([ev[:, :-3, :], ev[:, -3:, :] * cont[:, :, None]], axis=1)
    linear_result = jnp.sum(ev, axis=1) + bias  # [B, 1]
    # FeaturesEmbedding
    E = jnp.take(W, idx, axis=0)  # [B, 9, EMB]
    # FactorizationMachine (reduced_sum=True)
    square_of_sum = jnp.sum(E, axis=1) ** 2  # [B, EMB]
    sum_of_square = jnp.sum(E ** 2, axis=1)  # [B, EMB]
    ix = jnp.sum(square_of_sum - sum_of_square, axis=1, keepdims=True)  # [B, 1]
    interaction_result = 0.5 * ix
    result_sum = linear_result + interaction_result  # [B, 1]
    out = jax.nn.sigmoid(jnp.squeeze(result_sum, axis=1))  # [B]
    return out

if __name__ == "__main__":
    import jax
    _d = setup_inputs()
    print(jax.jit(kernel)(*tuple(_d.values())))

</pallas_src>

<mosaic_0001>
#map = affine_map<(d0, d1) -> (0)>
#map1 = affine_map<(d0, d1) -> (0, 0)>
module attributes {stable_mosaic.version = 14 : i64} {
  func.func @_fm_sc(%arg0: i32, %arg1: i32, %arg2: memref<147456xi32, #tpu.memory_space<hbm>>, %arg3: memref<49152xf32, #tpu.memory_space<hbm>>, %arg4: memref<1000000x16xf32, #tpu.memory_space<hbm>>, %arg5: memref<1x1000064xf32, #tpu.memory_space<hbm>>, %arg6: memref<16xf32, #tpu.memory_space<hbm>>, %arg7: memref<16384xf32, #tpu.memory_space<hbm>>, %arg8: memref<512xi32, #tpu.memory_space<vmem>>, %arg9: memref<512xi32, #tpu.memory_space<vmem>>, %arg10: memref<512xi32, #tpu.memory_space<vmem>>, %arg11: memref<512xi32, #tpu.memory_space<vmem>>, %arg12: memref<512xi32, #tpu.memory_space<vmem>>, %arg13: memref<512xi32, #tpu.memory_space<vmem>>, %arg14: memref<512xi32, #tpu.memory_space<vmem>>, %arg15: memref<512xi32, #tpu.memory_space<vmem>>, %arg16: memref<512xi32, #tpu.memory_space<vmem>>, %arg17: memref<9x512x16xf32, #tpu.memory_space<vmem>>, %arg18: memref<512xf32, #tpu.memory_space<vmem>>, %arg19: memref<512xf32, #tpu.memory_space<vmem>>, %arg20: memref<512xf32, #tpu.memory_space<vmem>>, %arg21: memref<512xf32, #tpu.memory_space<vmem>>, %arg22: memref<512xf32, #tpu.memory_space<vmem>>, %arg23: memref<512xf32, #tpu.memory_space<vmem>>, %arg24: memref<512xf32, #tpu.memory_space<vmem>>, %arg25: memref<512xf32, #tpu.memory_space<vmem>>, %arg26: memref<512xf32, #tpu.memory_space<vmem>>, %arg27: memref<512xf32, #tpu.memory_space<vmem>>, %arg28: memref<512xf32, #tpu.memory_space<vmem>>, %arg29: memref<512xf32, #tpu.memory_space<vmem>>, %arg30: memref<512xf32, #tpu.memory_space<vmem>>, %arg31: memref<16xf32, #tpu.memory_space<vmem>>, %arg32: memref<16x16xf32, #tpu.memory_space<vmem>>, %arg33: memref<!tpu.dma_semaphore, #tpu.memory_space<semaphore_mem>>) attributes {dimension_semantics = [#tpu.dimension_semantics<core_parallel>, #tpu.dimension_semantics<subcore_parallel>], iteration_bounds = array<i64: 2, 16>, scalar_prefetch = 0 : i64, scratch_operands = 26 : i64, tpu.core_type = #tpu.core_type<sc_vector_subcore>, window_params = [{transform_indices = #map}, {transform_indices = #map}, {transform_indices = #map1}, {transform_indices = #map1}, {transform_indices = #map}, {transform_indices = #map}]} {
    %mul3A = arith.constant 2 : i32
    %mul3A_0 = arith.muli %arg1, %mul3A : i32
    %add3A = arith.addi %mul3A_0, %arg0 : i32
    %mul3A_1 = arith.constant 512 : i32
    %mul3A_2 = arith.muli %add3A, %mul3A_1 : i32
    %add3A_3 = arith.constant 0 : i32
    %add3A_4 = arith.addi %add3A_3, %mul3A_2 : i32
    %dma_start3A = tpu.memref_slice %arg2[%add3A_4] : memref<147456xi32, #tpu.memory_space<hbm>> -> memref<512xi32, #tpu.memory_space<hbm>>
    %dma_start3A_5 = tpu.memref_slice %arg2[%add3A_4] : memref<147456xi32, #tpu.memory_space<hbm>> -> memref<512xi32, #tpu.memory_space<hbm>>
    tpu.enqueue_dma source(%dma_start3A_5 : memref<512xi32, #tpu.memory_space<hbm>>) target(%arg8 : memref<512xi32, #tpu.memory_space<vmem>>) target_semaphore(%arg33 : memref<!tpu.dma_semaphore, #tpu.memory_space<semaphore_mem>>)
    %add3A_6 = arith.constant 16384 : i32
    %add3A_7 = arith.addi %add3A_6, %mul3A_2 : i32
    %dma_start3A_8 = tpu.memref_slice %arg2[%add3A_7] : memref<147456xi32, #tpu.memory_space<hbm>> -> memref<512xi32, #tpu.memory_space<hbm>>
    %dma_start3A_9 = tpu.memref_slice %arg2[%add3A_7] : memref<147456xi32, #tpu.memory_space<hbm>> -> memref<512xi32, #tpu.memory_space<hbm>>
    tpu.enqueue_dma source(%dma_start3A_9 : memref<512xi32, #tpu.memory_space<hbm>>) target(%arg9 : memref<512xi32, #tpu.memory_space<vmem>>) target_semaphore(%arg33 : memref<!tpu.dma_semaphore, #tpu.memory_space<semaphore_mem>>)
    %add3A_10 = arith.constant 32768 : i32
    %add3A_11 = arith.addi %add3A_10, %mul3A_2 : i32
    %dma_start3A_12 = tpu.memref_slice %arg2[%add3A_11] : memref<147456xi32, #tpu.memory_space<hbm>> -> memref<512xi32, #tpu.memory_space<hbm>>
    %dma_start3A_13 = tpu.memref_slice %arg2[%add3A_11] : memref<147456xi32, #tpu.memory_space<hbm>> -> memref<512xi32, #tpu.memory_space<hbm>>
    tpu.enqueue_dma source(%dma_start3A_13 : memref<512xi32, #tpu.memory_space<hbm>>) target(%arg10 : memref<512xi32, #tpu.memory_space<vmem>>) target_semaphore(%arg33 : memref<!tpu.dma_semaphore, #tpu.memory_space<semaphore_mem>>)
    %add3A_14 = arith.constant 49152 : i32
    %add3A_15 = arith.addi %add3A_14, %mul3A_2 : i32
    %dma_start3A_16 = tpu.memref_slice %arg2[%add3A_15] : memref<147456xi32, #tpu.memory_space<hbm>> -> memref<512xi32, #tpu.memory_space<hbm>>
    %dma_start3A_17 = tpu.memref_slice %arg2[%add3A_15] : memref<147456xi32, #tpu.memory_space<hbm>> -> memref<512xi32, #tpu.memory_space<hbm>>
    tpu.enqueue_dma source(%dma_start3A_17 : memref<512xi32, #tpu.memory_space<hbm>>) target(%arg11 : memref<512xi32, #tpu.memory_space<vmem>>) target_semaphore(%arg33 : memref<!tpu.dma_semaphore, #tpu.memory_space<semaphore_mem>>)
    %add3A_18 = arith.constant 65536 : i32
    %add3A_19 = arith.addi %add3A_18, %mul3A_2 : i32
    %dma_start3A_20 = tpu.memref_slice %arg2[%add3A_19] : memref<147456xi32, #tpu.memory_space<hbm>> -> memref<512xi32, #tpu.memory_space<hbm>>
    %dma_start3A_21 = tpu.memref_slice %arg2[%add3A_19] : memref<147456xi32, #tpu.memory_space<hbm>> -> memref<512xi32, #tpu.memory_space<hbm>>
    tpu.enqueue_dma source(%dma_start3A_21 : memref<512xi32, #tpu.memory_space<hbm>>) target(%arg12 : memref<512xi32, #tpu.memory_space<vmem>>) target_semaphore(%arg33 : memref<!tpu.dma_semaphore, #tpu.memory_space<semaphore_mem>>)
    %add3A_22 = arith.constant 81920 : i32
    %add3A_23 = arith.addi %add3A_22, %mul3A_2 : i32
    %dma_start3A_24 = tpu.memref_slice %arg2[%add3A_23] : memref<147456xi32, #tpu.memory_space<hbm>> -> memref<512xi32, #tpu.memory_space<hbm>>
    %dma_start3A_25 = tpu.memref_slice %arg2[%add3A_23] : memref<147456xi32, #tpu.memory_space<hbm>> -> memref<512xi32, #tpu.memory_space<hbm>>
    tpu.enqueue_dma source(%dma_start3A_25 : memref<512xi32, #tpu.memory_space<hbm>>) target(%arg13 : memref<512xi32, #tpu.memory_space<vmem>>) target_semaphore(%arg33 : memref<!tpu.dma_semaphore, #tpu.memory_space<semaphore_mem>>)
    %add3A_26 = arith.constant 98304 : i32
    %add3A_27 = arith.addi %add3A_26, %mul3A_2 : i32
    %dma_start3A_28 = tpu.memref_slice %arg2[%add3A_27] : memref<147456xi32, #tpu.memory_space<hbm>> -> memref<512xi32, #tpu.memory_space<hbm>>
    %dma_start3A_29 = tpu.memref_slice %arg2[%add3A_27] : memref<147456xi32, #tpu.memory_space<hbm>> -> memref<512xi32, #tpu.memory_space<hbm>>
    tpu.enqueue_dma source(%dma_start3A_29 : memref<512xi32, #tpu.memory_space<hbm>>) target(%arg14 : memref<512xi32, #tpu.memory_space<vmem>>) target_semaphore(%arg33 : memref<!tpu.dma_semaphore, #tpu.memory_space<semaphore_mem>>)
    %add3A_30 = arith.constant 114688 : i32
    %add3A_31 = arith.addi %add3A_30, %mul3A_2 : i32
    %dma_start3A_32 = tpu.memref_slice %arg2[%add3A_31] : memref<147456xi32, #tpu.memory_space<hbm>> -> memref<512xi32, #tpu.memory_space<hbm>>
    %dma_start3A_33 = tpu.memref_slice %arg2[%add3A_31] : memref<147456xi32, #tpu.memory_space<hbm>> -> memref<512xi32, #tpu.memory_space<hbm>>
    tpu.enqueue_dma source(%dma_start3A_33 : memref<512xi32, #tpu.memory_space<hbm>>) target(%arg15 : memref<512xi32, #tpu.memory_space<vmem>>) target_semaphore(%arg33 : memref<!tpu.dma_semaphore, #tpu.memory_space<semaphore_mem>>)
    %add3A_34 = arith.constant 131072 : i32
    %add3A_35 = arith.addi %add3A_34, %mul3A_2 : i32
    %dma_start3A_36 = tpu.memref_slice %arg2[%add3A_35] : memref<147456xi32, #tpu.memory_space<hbm>> -> memref<512xi32, #tpu.memory_space<hbm>>
    %dma_start3A_37 = tpu.memref_slice %arg2[%add3A_35] : memref<147456xi32, #tpu.memory_space<hbm>> -> memref<512xi32, #tpu.memory_space<hbm>>
    tpu.enqueue_dma source(%dma_start3A_37 : memref<512xi32, #tpu.memory_space<hbm>>) target(%arg16 : memref<512xi32, #tpu.memory_space<vmem>>) target_semaphore(%arg33 : memref<!tpu.dma_semaphore, #tpu.memory_space<semaphore_mem>>)
    %add3A_38 = arith.constant 0 : i32
    %add3A_39 = arith.addi %add3A_38, %mul3A_2 : i32
    %dma_start3A_40 = tpu.memref_slice %arg3[%add3A_39] : memref<49152xf32, #tpu.memory_space<hbm>> -> memref<512xf32, #tpu.memory_space<hbm>>
    %dma_start3A_41 = tpu.memref_slice %arg3[%add3A_39] : memref<49152xf32, #tpu.memory_space<hbm>> -> memref<512xf32, #tpu.memory_space<hbm>>
    tpu.enqueue_dma source(%dma_start3A_41 : memref<512xf32, #tpu.memory_space<hbm>>) target(%arg27 : memref<512xf32, #tpu.memory_space<vmem>>) target_semaphore(%arg33 : memref<!tpu.dma_semaphore, #tpu.memory_space<semaphore_mem>>)
    %add3A_42 = arith.constant 16384 : i32
    %add3A_43 = arith.addi %add3A_42, %mul3A_2 : i32
    %dma_start3A_44 = tpu.memref_slice %arg3[%add3A_43] : memref<49152xf32, #tpu.memory_space<hbm>> -> memref<512xf32, #tpu.memory_space<hbm>>
    %dma_start3A_45 = tpu.memref_slice %arg3[%add3A_43] : memref<49152xf32, #tpu.memory_space<hbm>> -> memref<512xf32, #tpu.memory_space<hbm>>
    tpu.enqueue_dma source(%dma_start3A_45 : memref<512xf32, #tpu.memory_space<hbm>>) target(%arg28 : memref<512xf32, #tpu.memory_space<vmem>>) target_semaphore(%arg33 : memref<!tpu.dma_semaphore, #tpu.memory_space<semaphore_mem>>)
    %add3A_46 = arith.constant 32768 : i32
    %add3A_47 = arith.addi %add3A_46, %mul3A_2 : i32
    %dma_start3A_48 = tpu.memref_slice %arg3[%add3A_47] : memref<49152xf32, #tpu.memory_space<hbm>> -> memref<512xf32, #tpu.memory_space<hbm>>
    %dma_start3A_49 = tpu.memref_slice %arg3[%add3A_47] : memref<49152xf32, #tpu.memory_space<hbm>> -> memref<512xf32, #tpu.memory_space<hbm>>
    tpu.enqueue_dma source(%dma_start3A_49 : memref<512xf32, #tpu.memory_space<hbm>>) target(%arg29 : memref<512xf32, #tpu.memory_space<vmem>>) target_semaphore(%arg33 : memref<!tpu.dma_semaphore, #tpu.memory_space<semaphore_mem>>)
    tpu.enqueue_dma source(%arg6 : memref<16xf32, #tpu.memory_space<hbm>>) target(%arg31 : memref<16xf32, #tpu.memory_space<vmem>>) target_semaphore(%arg33 : memref<!tpu.dma_semaphore, #tpu.memory_space<semaphore_mem>>)
    %dma_wait3A = tpu.memref_slice %arg2[%add3A_4] : memref<147456xi32, #tpu.memory_space<hbm>> -> memref<512xi32, #tpu.memory_space<hbm>>
    %dma_wait3A_50 = tpu.memref_slice %arg2[%add3A_4] : memref<147456xi32, #tpu.memory_space<hbm>> -> memref<512xi32, #tpu.memory_space<hbm>>
    tpu.wait_dma2 semaphore(%arg33 : memref<!tpu.dma_semaphore, #tpu.memory_space<semaphore_mem>>) src(%dma_wait3A_50 : memref<512xi32, #tpu.memory_space<hbm>>) dst(%arg8 : memref<512xi32, #tpu.memory_space<vmem>>)
    %dma_wait3A_51 = tpu.memref_slice %arg2[%add3A_7] : memref<147456xi32, #tpu.memory_space<hbm>> -> memref<512xi32, #tpu.memory_space<hbm>>
    %dma_wait3A_52 = tpu.memref_slice %arg2[%add3A_7] : memref<147456xi32, #tpu.memory_space<hbm>> -> memref<512xi32, #tpu.memory_space<hbm>>
    tpu.wait_dma2 semaphore(%arg33 : memref<!tpu.dma_semaphore, #tpu.memory_space<semaphore_mem>>) src(%dma_wait3A_52 : memref<512xi32, #tpu.memory_space<hbm>>) dst(%arg9 : memref<512xi32, #tpu.memory_space<vmem>>)
    %dma_wait3A_53 = tpu.memref_slice %arg2[%add3A_11] : memref<147456xi32, #tpu.memory_space<hbm>> -> memref<512xi32, #tpu.memory_space<hbm>>
    %dma_wait3A_54 = tpu.memref_slice %arg2[%add3A_11] : memref<147456xi32, #tpu.memory_space<hbm>> -> memref<512xi32, #tpu.memory_space<hbm>>
    tpu.wait_dma2 semaphore(%arg33 : memref<!tpu.dma_semaphore, #tpu.memory_space<semaphore_mem>>) src(%dma_wait3A_54 : memref<512xi32, #tpu.memory_space<hbm>>) dst(%arg10 : memref<512xi32, #tpu.memory_space<vmem>>)
    %dma_wait3A_55 = tpu.memref_slice %arg2[%add3A_15] : memref<147456xi32, #tpu.memory_space<hbm>> -> memref<512xi32, #tpu.memory_space<hbm>>
    %dma_wait3A_56 = tpu.memref_slice %arg2[%add3A_15] : memref<147456xi32, #tpu.memory_space<hbm>> -> memref<512xi32, #tpu.memory_space<hbm>>
    tpu.wait_dma2 semaphore(%arg33 : memref<!tpu.dma_semaphore, #tpu.memory_space<semaphore_mem>>) src(%dma_wait3A_56 : memref<512xi32, #tpu.memory_space<hbm>>) dst(%arg11 : memref<512xi32, #tpu.memory_space<vmem>>)
    %dma_wait3A_57 = tpu.memref_slice %arg2[%add3A_19] : memref<147456xi32, #tpu.memory_space<hbm>> -> memref<512xi32, #tpu.memory_space<hbm>>
    %dma_wait3A_58 = tpu.memref_slice %arg2[%add3A_19] : memref<147456xi32, #tpu.memory_space<hbm>> -> memref<512xi32, #tpu.memory_space<hbm>>
    tpu.wait_dma2 semaphore(%arg33 : memref<!tpu.dma_semaphore, #tpu.memory_space<semaphore_mem>>) src(%dma_wait3A_58 : memref<512xi32, #tpu.memory_space<hbm>>) dst(%arg12 : memref<512xi32, #tpu.memory_space<vmem>>)
    %dma_wait3A_59 = tpu.memref_slice %arg2[%add3A_23] : memref<147456xi32, #tpu.memory_space<hbm>> -> memref<512xi32, #tpu.memory_space<hbm>>
    %dma_wait3A_60 = tpu.memref_slice %arg2[%add3A_23] : memref<147456xi32, #tpu.memory_space<hbm>> -> memref<512xi32, #tpu.memory_space<hbm>>
    tpu.wait_dma2 semaphore(%arg33 : memref<!tpu.dma_semaphore, #tpu.memory_space<semaphore_mem>>) src(%dma_wait3A_60 : memref<512xi32, #tpu.memory_space<hbm>>) dst(%arg13 : memref<512xi32, #tpu.memory_space<vmem>>)
    %dma_wait3A_61 = tpu.memref_slice %arg2[%add3A_27] : memref<147456xi32, #tpu.memory_space<hbm>> -> memref<512xi32, #tpu.memory_space<hbm>>
    %dma_wait3A_62 = tpu.memref_slice %arg2[%add3A_27] : memref<147456xi32, #tpu.memory_space<hbm>> -> memref<512xi32, #tpu.memory_space<hbm>>
    tpu.wait_dma2 semaphore(%arg33 : memref<!tpu.dma_semaphore, #tpu.memory_space<semaphore_mem>>) src(%dma_wait3A_62 : memref<512xi32, #tpu.memory_space<hbm>>) dst(%arg14 : memref<512xi32, #tpu.memory_space<vmem>>)
    %dma_wait3A_63 = tpu.memref_slice %arg2[%add3A_31] : memref<147456xi32, #tpu.memory_space<hbm>> -> memref<512xi32, #tpu.memory_space<hbm>>
    %dma_wait3A_64 = tpu.memref_slice %arg2[%add3A_31] : memref<147456xi32, #tpu.memory_space<hbm>> -> memref<512xi32, #tpu.memory_space<hbm>>
    tpu.wait_dma2 semaphore(%arg33 : memref<!tpu.dma_semaphore, #tpu.memory_space<semaphore_mem>>) src(%dma_wait3A_64 : memref<512xi32, #tpu.memory_space<hbm>>) dst(%arg15 : memref<512xi32, #tpu.memory_space<vmem>>)
    %dma_wait3A_65 = tpu.memref_slice %arg2[%add3A_35] : memref<147456xi32, #tpu.memory_space<hbm>> -> memref<512xi32, #tpu.memory_space<hbm>>
    %dma_wait3A_66 = tpu.memref_slice %arg2[%add3A_35] : memref<147456xi32, #tpu.memory_space<hbm>> -> memref<512xi32, #tpu.memory_space<hbm>>
    tpu.wait_dma2 semaphore(%arg33 : memref<!tpu.dma_semaphore, #tpu.memory_space<semaphore_mem>>) src(%dma_wait3A_66 : memref<512xi32, #tpu.memory_space<hbm>>) dst(%arg16 : memref<512xi32, #tpu.memory_space<vmem>>)
    %dma_wait3A_67 = tpu.memref_slice %arg3[%add3A_39] : memref<49152xf32, #tpu.memory_space<hbm>> -> memref<512xf32, #tpu.memory_space<hbm>>
    %dma_wait3A_68 = tpu.memref_slice %arg3[%add3A_39] : memref<49152xf32, #tpu.memory_space<hbm>> -> memref<512xf32, #tpu.memory_space<hbm>>
    tpu.wait_dma2 semaphore(%arg33 : memref<!tpu.dma_semaphore, #tpu.memory_space<semaphore_mem>>) src(%dma_wait3A_68 : memref<512xf32, #tpu.memory_space<hbm>>) dst(%arg27 : memref<512xf32, #tpu.memory_space<vmem>>)
    %dma_wait3A_69 = tpu.memref_slice %arg3[%add3A_43] : memref<49152xf32, #tpu.memory_space<hbm>> -> memref<512xf32, #tpu.memory_space<hbm>>
    %dma_wait3A_70 = tpu.memref_slice %arg3[%add3A_43] : memref<49152xf32, #tpu.memory_space<hbm>> -> memref<512xf32, #tpu.memory_space<hbm>>
    tpu.wait_dma2 semaphore(%arg33 : memref<!tpu.dma_semaphore, #tpu.memory_space<semaphore_mem>>) src(%dma_wait3A_70 : memref<512xf32, #tpu.memory_space<hbm>>) dst(%arg28 : memref<512xf32, #tpu.memory_space<vmem>>)
    %dma_wait3A_71 = tpu.memref_slice %arg3[%add3A_47] : memref<49152xf32, #tpu.memory_space<hbm>> -> memref<512xf32, #tpu.memory_space<hbm>>
    %dma_wait3A_72 = tpu.memref_slice %arg3[%add3A_47] : memref<49152xf32, #tpu.memory_space<hbm>> -> memref<512xf32, #tpu.memory_space<hbm>>
    tpu.wait_dma2 semaphore(%arg33 : memref<!tpu.dma_semaphore, #tpu.memory_space<semaphore_mem>>) src(%dma_wait3A_72 : memref<512xf32, #tpu.memory_space<hbm>>) dst(%arg29 : memref<512xf32, #tpu.memory_space<vmem>>)
    tpu.wait_dma2 semaphore(%arg33 : memref<!tpu.dma_semaphore, #tpu.memory_space<semaphore_mem>>) src(%arg6 : memref<16xf32, #tpu.memory_space<hbm>>) dst(%arg31 : memref<16xf32, #tpu.memory_space<vmem>>)
    %dma_start3A_73 = arith.constant 0 : i32
    %dma_start3A_74 = arith.constant 0 : i32
    %dma_start3A_75 = arith.constant 0 : i32
    %dma_start3A_76 = tpu.memref_slice %arg17[%dma_start3A_73, %dma_start3A_74, %dma_start3A_75] : memref<9x512x16xf32, #tpu.memory_space<vmem>> -> memref<1x512x16xf32, #tpu.memory_space<vmem>>
    %dma_start3A_77 = tpu.memref_squeeze %dma_start3A_76 : memref<1x512x16xf32, #tpu.memory_space<vmem>> -> memref<512x16xf32, #tpu.memory_space<vmem>>
    %dma_start3A_78 = arith.constant 0 : i32
    %dma_start3A_79 = arith.constant 0 : i32
    %dma_start3A_80 = tpu.memref_slice %arg4[%dma_start3A_78, %dma_start3A_79] : memref<1000000x16xf32, #tpu.memory_space<hbm>> -> memref<1000000x16xf32, #tpu.memory_space<hbm>>
    tpu.enqueue_indirect_dma source(%dma_start3A_80 : memref<1000000x16xf32, #tpu.memory_space<hbm>>) target(%dma_start3A_77 : memref<512x16xf32, #tpu.memory_space<vmem>>) offsets(%arg8 : memref<512xi32, #tpu.memory_space<vmem>>) semaphore(%arg33 : memref<!tpu.dma_semaphore, #tpu.memory_space<semaphore_mem>>)
    %dma_start3A_81 = arith.constant 0 : i32
    %dma_start3A_82 = arith.constant 0 : i32
    %dma_start3A_83 = tpu.memref_slice %arg5[%dma_start3A_81, %dma_start3A_82] : memref<1x1000064xf32, #tpu.memory_space<hbm>> -> memref<1x1000064xf32, #tpu.memory_space<hbm>>
    %dma_start3A_84 = tpu.memref_squeeze %dma_start3A_83 : memref<1x1000064xf32, #tpu.memory_space<hbm>> -> memref<1000064xf32, #tpu.memory_space<hbm>>
    %dma_start3A_85 = arith.constant 0 : i32
    %dma_start3A_86 = tpu.memref_slice %dma_start3A_84[%dma_start3A_85] : memref<1000064xf32, #tpu.memory_space<hbm>> -> memref<1000064xf32, #tpu.memory_space<hbm>>
    tpu.enqueue_indirect_dma source(%dma_start3A_86 : memref<1000064xf32, #tpu.memory_space<hbm>>) target(%arg18 : memref<512xf32, #tpu.memory_space<vmem>>) offsets(%arg8 : memref<512xi32, #tpu.memory_space<vmem>>) semaphore(%arg33 : memref<!tpu.dma_semaphore, #tpu.memory_space<semaphore_mem>>)
    %dma_start3A_87 = arith.constant 1 : i32
    %dma_start3A_88 = arith.constant 0 : i32
    %dma_start3A_89 = arith.constant 0 : i32
    %dma_start3A_90 = tpu.memref_slice %arg17[%dma_start3A_87, %dma_start3A_88, %dma_start3A_89] : memref<9x512x16xf32, #tpu.memory_space<vmem>> -> memref<1x512x16xf32, #tpu.memory_space<vmem>>
    %dma_start3A_91 = tpu.memref_squeeze %dma_start3A_90 : memref<1x512x16xf32, #tpu.memory_space<vmem>> -> memref<512x16xf32, #tpu.memory_space<vmem>>
    %dma_start3A_92 = arith.constant 0 : i32
    %dma_start3A_93 = arith.constant 0 : i32
    %dma_start3A_94 = tpu.memref_slice %arg4[%dma_start3A_92, %dma_start3A_93] : memref<1000000x16xf32, #tpu.memory_space<hbm>> -> memref<1000000x16xf32, #tpu.memory_space<hbm>>
    tpu.enqueue_indirect_dma source(%dma_start3A_94 : memref<1000000x16xf32, #tpu.memory_space<hbm>>) target(%dma_start3A_91 : memref<512x16xf32, #tpu.memory_space<vmem>>) offsets(%arg9 : memref<512xi32, #tpu.memory_space<vmem>>) semaphore(%arg33 : memref<!tpu.dma_semaphore, #tpu.memory_space<semaphore_mem>>)
    %dma_start3A_95 = arith.constant 0 : i32
    %dma_start3A_96 = arith.constant 0 : i32
    %dma_start3A_97 = tpu.memref_slice %arg5[%dma_start3A_95, %dma_start3A_96] : memref<1x1000064xf32, #tpu.memory_space<hbm>> -> memref<1x1000064xf32, #tpu.memory_space<hbm>>
    %dma_start3A_98 = tpu.memref_squeeze %dma_start3A_97 : memref<1x1000064xf32, #tpu.memory_space<hbm>> -> memref<1000064xf32, #tpu.memory_space<hbm>>
    %dma_start3A_99 = arith.constant 0 : i32
    %dma_start3A_100 = tpu.memref_slice %dma_start3A_98[%dma_start3A_99] : memref<1000064xf32, #tpu.memory_space<hbm>> -> memref<1000064xf32, #tpu.memory_space<hbm>>
    tpu.enqueue_indirect_dma source(%dma_start3A_100 : memref<1000064xf32, #tpu.memory_space<hbm>>) target(%arg19 : memref<512xf32, #tpu.memory_space<vmem>>) offsets(%arg9 : memref<512xi32, #tpu.memory_space<vmem>>) semaphore(%arg33 : memref<!tpu.dma_semaphore, #tpu.memory_space<semaphore_mem>>)
    %dma_start3A_101 = arith.constant 2 : i32
    %dma_start3A_102 = arith.constant 0 : i32
    %dma_start3A_103 = arith.constant 0 : i32
    %dma_start3A_104 = tpu.memref_slice %arg17[%dma_start3A_101, %dma_start3A_102, %dma_start3A_103] : memref<9x512x16xf32, #tpu.memory_space<vmem>> -> memref<1x512x16xf32, #tpu.memory_space<vmem>>
    %dma_start3A_105 = tpu.memref_squeeze %dma_start3A_104 : memref<1x512x16xf32, #tpu.memory_space<vmem>> -> memref<512x16xf32, #tpu.memory_space<vmem>>
    %dma_start3A_106 = arith.constant 0 : i32
    %dma_start3A_107 = arith.constant 0 : i32
    %dma_start3A_108 = tpu.memref_slice %arg4[%dma_start3A_106, %dma_start3A_107] : memref<1000000x16xf32, #tpu.memory_space<hbm>> -> memref<1000000x16xf32, #tpu.memory_space<hbm>>
    tpu.enqueue_indirect_dma source(%dma_start3A_108 : memref<1000000x16xf32, #tpu.memory_space<hbm>>) target(%dma_start3A_105 : memref<512x16xf32, #tpu.memory_space<vmem>>) offsets(%arg10 : memref<512xi32, #tpu.memory_space<vmem>>) semaphore(%arg33 : memref<!tpu.dma_semaphore, #tpu.memory_space<semaphore_mem>>)
    %dma_start3A_109 = arith.constant 0 : i32
    %dma_start3A_110 = arith.constant 0 : i32
    %dma_start3A_111 = tpu.memref_slice %arg5[%dma_start3A_109, %dma_start3A_110] : memref<1x1000064xf32, #tpu.memory_space<hbm>> -> memref<1x1000064xf32, #tpu.memory_space<hbm>>
    %dma_start3A_112 = tpu.memref_squeeze %dma_start3A_111 : memref<1x1000064xf32, #tpu.memory_space<hbm>> -> memref<1000064xf32, #tpu.memory_space<hbm>>
    %dma_start3A_113 = arith.constant 0 : i32
    %dma_start3A_114 = tpu.memref_slice %dma_start3A_112[%dma_start3A_113] : memref<1000064xf32, #tpu.memory_space<hbm>> -> memref<1000064xf32, #tpu.memory_space<hbm>>
    tpu.enqueue_indirect_dma source(%dma_start3A_114 : memref<1000064xf32, #tpu.memory_space<hbm>>) target(%arg20 : memref<512xf32, #tpu.memory_space<vmem>>) offsets(%arg10 : memref<512xi32, #tpu.memory_space<vmem>>) semaphore(%arg33 : memref<!tpu.dma_semaphore, #tpu.memory_space<semaphore_mem>>)
    %dma_start3A_115 = arith.constant 3 : i32
    %dma_start3A_116 = arith.constant 0 : i32
    %dma_start3A_117 = arith.constant 0 : i32
    %dma_start3A_118 = tpu.memref_slice %arg17[%dma_start3A_115, %dma_start3A_116, %dma_start3A_117] : memref<9x512x16xf32, #tpu.memory_space<vmem>> -> memref<1x512x16xf32, #tpu.memory_space<vmem>>
    %dma_start3A_119 = tpu.memref_squeeze %dma_start3A_118 : memref<1x512x16xf32, #tpu.memory_space<vmem>> -> memref<512x16xf32, #tpu.memory_space<vmem>>
    %dma_start3A_120 = arith.constant 0 : i32
    %dma_start3A_121 = arith.constant 0 : i32
    %dma_start3A_122 = tpu.memref_slice %arg4[%dma_start3A_120, %dma_start3A_121] : memref<1000000x16xf32, #tpu.memory_space<hbm>> -> memref<1000000x16xf32, #tpu.memory_space<hbm>>
    tpu.enqueue_indirect_dma source(%dma_start3A_122 : memref<1000000x16xf32, #tpu.memory_space<hbm>>) target(%dma_start3A_119 : memref<512x16xf32, #tpu.memory_space<vmem>>) offsets(%arg11 : memref<512xi32, #tpu.memory_space<vmem>>) semaphore(%arg33 : memref<!tpu.dma_semaphore, #tpu.memory_space<semaphore_mem>>)
    %dma_start3A_123 = arith.constant 0 : i32
    %dma_start3A_124 = arith.constant 0 : i32
    %dma_start3A_125 = tpu.memref_slice %arg5[%dma_start3A_123, %dma_start3A_124] : memref<1x1000064xf32, #tpu.memory_space<hbm>> -> memref<1x1000064xf32, #tpu.memory_space<hbm>>
    %dma_start3A_126 = tpu.memref_squeeze %dma_start3A_125 : memref<1x1000064xf32, #tpu.memory_space<hbm>> -> memref<1000064xf32, #tpu.memory_space<hbm>>
    %dma_start3A_127 = arith.constant 0 : i32
    %dma_start3A_128 = tpu.memref_slice %dma_start3A_126[%dma_start3A_127] : memref<1000064xf32, #tpu.memory_space<hbm>> -> memref<1000064xf32, #tpu.memory_space<hbm>>
    tpu.enqueue_indirect_dma source(%dma_start3A_128 : memref<1000064xf32, #tpu.memory_space<hbm>>) target(%arg21 : memref<512xf32, #tpu.memory_space<vmem>>) offsets(%arg11 : memref<512xi32, #tpu.memory_space<vmem>>) semaphore(%arg33 : memref<!tpu.dma_semaphore, #tpu.memory_space<semaphore_mem>>)
    %dma_start3A_129 = arith.constant 4 : i32
    %dma_start3A_130 = arith.constant 0 : i32
    %dma_start3A_131 = arith.constant 0 : i32
    %dma_start3A_132 = tpu.memref_slice %arg17[%dma_start3A_129, %dma_start3A_130, %dma_start3A_131] : memref<9x512x16xf32, #tpu.memory_space<vmem>> -> memref<1x512x16xf32, #tpu.memory_space<vmem>>
    %dma_start3A_133 = tpu.memref_squeeze %dma_start3A_132 : memref<1x512x16xf32, #tpu.memory_space<vmem>> -> memref<512x16xf32, #tpu.memory_space<vmem>>
    %dma_start3A_134 = arith.constant 0 : i32
    %dma_start3A_135 = arith.constant 0 : i32
    %dma_start3A_136 = tpu.memref_slice %arg4[%dma_start3A_134, %dma_start3A_135] : memref<1000000x16xf32, #tpu.memory_space<hbm>> -> memref<1000000x16xf32, #tpu.memory_space<hbm>>
    tpu.enqueue_indirect_dma source(%dma_start3A_136 : memref<1000000x16xf32, #tpu.memory_space<hbm>>) target(%dma_start3A_133 : memref<512x16xf32, #tpu.memory_space<vmem>>) offsets(%arg12 : memref<512xi32, #tpu.memory_space<vmem>>) semaphore(%arg33 : memref<!tpu.dma_semaphore, #tpu.memory_space<semaphore_mem>>)
    %dma_start3A_137 = arith.constant 0 : i32
    %dma_start3A_138 = arith.constant 0 : i32
    %dma_start3A_139 = tpu.memref_slice %arg5[%dma_start3A_137, %dma_start3A_138] : memref<1x1000064xf32, #tpu.memory_space<hbm>> -> memref<1x1000064xf32, #tpu.memory_space<hbm>>
    %dma_start3A_140 = tpu.memref_squeeze %dma_start3A_139 : memref<1x1000064xf32, #tpu.memory_space<hbm>> -> memref<1000064xf32, #tpu.memory_space<hbm>>
    %dma_start3A_141 = arith.constant 0 : i32
    %dma_start3A_142 = tpu.memref_slice %dma_start3A_140[%dma_start3A_141] : memref<1000064xf32, #tpu.memory_space<hbm>> -> memref<1000064xf32, #tpu.memory_space<hbm>>
    tpu.enqueue_indirect_dma source(%dma_start3A_142 : memref<1000064xf32, #tpu.memory_space<hbm>>) target(%arg22 : memref<512xf32, #tpu.memory_space<vmem>>) offsets(%arg12 : memref<512xi32, #tpu.memory_space<vmem>>) semaphore(%arg33 : memref<!tpu.dma_semaphore, #tpu.memory_space<semaphore_mem>>)
    %dma_start3A_143 = arith.constant 5 : i32
    %dma_start3A_144 = arith.constant 0 : i32
    %dma_start3A_145 = arith.constant 0 : i32
    %dma_start3A_146 = tpu.memref_slice %arg17[%dma_start3A_143, %dma_start3A_144, %dma_start3A_145] : memref<9x512x16xf32, #tpu.memory_space<vmem>> -> memref<1x512x16xf32, #tpu.memory_space<vmem>>
    %dma_start3A_147 = tpu.memref_squeeze %dma_start3A_146 : memref<1x512x16xf32, #tpu.memory_space<vmem>> -> memref<512x16xf32, #tpu.memory_space<vmem>>
    %dma_start3A_148 = arith.constant 0 : i32
    %dma_start3A_149 = arith.constant 0 : i32
    %dma_start3A_150 = tpu.memref_slice %arg4[%dma_start3A_148, %dma_start3A_149] : memref<1000000x16xf32, #tpu.memory_space<hbm>> -> memref<1000000x16xf32, #tpu.memory_space<hbm>>
    tpu.enqueue_indirect_dma source(%dma_start3A_150 : memref<1000000x16xf32, #tpu.memory_space<hbm>>) target(%dma_start3A_147 : memref<512x16xf32, #tpu.memory_space<vmem>>) offsets(%arg13 : memref<512xi32, #tpu.memory_space<vmem>>) semaphore(%arg33 : memref<!tpu.dma_semaphore, #tpu.memory_space<semaphore_mem>>)
    %dma_start3A_151 = arith.constant 0 : i32
    %dma_start3A_152 = arith.constant 0 : i32
    %dma_start3A_153 = tpu.memref_slice %arg5[%dma_start3A_151, %dma_start3A_152] : memref<1x1000064xf32, #tpu.memory_space<hbm>> -> memref<1x1000064xf32, #tpu.memory_space<hbm>>
    %dma_start3A_154 = tpu.memref_squeeze %dma_start3A_153 : memref<1x1000064xf32, #tpu.memory_space<hbm>> -> memref<1000064xf32, #tpu.memory_space<hbm>>
    %dma_start3A_155 = arith.constant 0 : i32
    %dma_start3A_156 = tpu.memref_slice %dma_start3A_154[%dma_start3A_155] : memref<1000064xf32, #tpu.memory_space<hbm>> -> memref<1000064xf32, #tpu.memory_space<hbm>>
    tpu.enqueue_indirect_dma source(%dma_start3A_156 : memref<1000064xf32, #tpu.memory_space<hbm>>) target(%arg23 : memref<512xf32, #tpu.memory_space<vmem>>) offsets(%arg13 : memref<512xi32, #tpu.memory_space<vmem>>) semaphore(%arg33 : memref<!tpu.dma_semaphore, #tpu.memory_space<semaphore_mem>>)
    %dma_start3A_157 = arith.constant 6 : i32
    %dma_start3A_158 = arith.constant 0 : i32
    %dma_start3A_159 = arith.constant 0 : i32
    %dma_start3A_160 = tpu.memref_slice %arg17[%dma_start3A_157, %dma_start3A_158, %dma_start3A_159] : memref<9x512x16xf32, #tpu.memory_space<vmem>> -> memref<1x512x16xf32, #tpu.memory_space<vmem>>
    %dma_start3A_161 = tpu.memref_squeeze %dma_start3A_160 : memref<1x512x16xf32, #tpu.memory_space<vmem>> -> memref<512x16xf32, #tpu.memory_space<vmem>>
    %dma_start3A_162 = arith.constant 0 : i32
    %dma_start3A_163 = arith.constant 0 : i32
    %dma_start3A_164 = tpu.memref_slice %arg4[%dma_start3A_162, %dma_start3A_163] : memref<1000000x16xf32, #tpu.memory_space<hbm>> -> memref<1000000x16xf32, #tpu.memory_space<hbm>>
    tpu.enqueue_indirect_dma source(%dma_start3A_164 : memref<1000000x16xf32, #tpu.memory_space<hbm>>) target(%dma_start3A_161 : memref<512x16xf32, #tpu.memory_space<vmem>>) offsets(%arg14 : memref<512xi32, #tpu.memory_space<vmem>>) semaphore(%arg33 : memref<!tpu.dma_semaphore, #tpu.memory_space<semaphore_mem>>)
    %dma_start3A_165 = arith.constant 0 : i32
    %dma_start3A_166 = arith.constant 0 : i32
    %dma_start3A_167 = tpu.memref_slice %arg5[%dma_start3A_165, %dma_start3A_166] : memref<1x1000064xf32, #tpu.memory_space<hbm>> -> memref<1x1000064xf32, #tpu.memory_space<hbm>>
    %dma_start3A_168 = tpu.memref_squeeze %dma_start3A_167 : memref<1x1000064xf32, #tpu.memory_space<hbm>> -> memref<1000064xf32, #tpu.memory_space<hbm>>
    %dma_start3A_169 = arith.constant 0 : i32
    %dma_start3A_170 = tpu.memref_slice %dma_start3A_168[%dma_start3A_169] : memref<1000064xf32, #tpu.memory_space<hbm>> -> memref<1000064xf32, #tpu.memory_space<hbm>>
    tpu.enqueue_indirect_dma source(%dma_start3A_170 : memref<1000064xf32, #tpu.memory_space<hbm>>) target(%arg24 : memref<512xf32, #tpu.memory_space<vmem>>) offsets(%arg14 : memref<512xi32, #tpu.memory_space<vmem>>) semaphore(%arg33 : memref<!tpu.dma_semaphore, #tpu.memory_space<semaphore_mem>>)
    %dma_start3A_171 = arith.constant 7 : i32
    %dma_start3A_172 = arith.constant 0 : i32
    %dma_start3A_173 = arith.constant 0 : i32
    %dma_start3A_174 = tpu.memref_slice %arg17[%dma_start3A_171, %dma_start3A_172, %dma_start3A_173] : memref<9x512x16xf32, #tpu.memory_space<vmem>> -> memref<1x512x16xf32, #tpu.memory_space<vmem>>
    %dma_start3A_175 = tpu.memref_squeeze %dma_start3A_174 : memref<1x512x16xf32, #tpu.memory_space<vmem>> -> memref<512x16xf32, #tpu.memory_space<vmem>>
    %dma_start3A_176 = arith.constant 0 : i32
    %dma_start3A_177 = arith.constant 0 : i32
    %dma_start3A_178 = tpu.memref_slice %arg4[%dma_start3A_176, %dma_start3A_177] : memref<1000000x16xf32, #tpu.memory_space<hbm>> -> memref<1000000x16xf32, #tpu.memory_space<hbm>>
    tpu.enqueue_indirect_dma source(%dma_start3A_178 : memref<1000000x16xf32, #tpu.memory_space<hbm>>) target(%dma_start3A_175 : memref<512x16xf32, #tpu.memory_space<vmem>>) offsets(%arg15 : memref<512xi32, #tpu.memory_space<vmem>>) semaphore(%arg33 : memref<!tpu.dma_semaphore, #tpu.memory_space<semaphore_mem>>)
    %dma_start3A_179 = arith.constant 0 : i32
    %dma_start3A_180 = arith.constant 0 : i32
    %dma_start3A_181 = tpu.memref_slice %arg5[%dma_start3A_179, %dma_start3A_180] : memref<1x1000064xf32, #tpu.memory_space<hbm>> -> memref<1x1000064xf32, #tpu.memory_space<hbm>>
    %dma_start3A_182 = tpu.memref_squeeze %dma_start3A_181 : memref<1x1000064xf32, #tpu.memory_space<hbm>> -> memref<1000064xf32, #tpu.memory_space<hbm>>
    %dma_start3A_183 = arith.constant 0 : i32
    %dma_start3A_184 = tpu.memref_slice %dma_start3A_182[%dma_start3A_183] : memref<1000064xf32, #tpu.memory_space<hbm>> -> memref<1000064xf32, #tpu.memory_space<hbm>>
    tpu.enqueue_indirect_dma source(%dma_start3A_184 : memref<1000064xf32, #tpu.memory_space<hbm>>) target(%arg25 : memref<512xf32, #tpu.memory_space<vmem>>) offsets(%arg15 : memref<512xi32, #tpu.memory_space<vmem>>) semaphore(%arg33 : memref<!tpu.dma_semaphore, #tpu.memory_space<semaphore_mem>>)
    %dma_start3A_185 = arith.constant 8 : i32
    %dma_start3A_186 = arith.constant 0 : i32
    %dma_start3A_187 = arith.constant 0 : i32
    %dma_start3A_188 = tpu.memref_slice %arg17[%dma_start3A_185, %dma_start3A_186, %dma_start3A_187] : memref<9x512x16xf32, #tpu.memory_space<vmem>> -> memref<1x512x16xf32, #tpu.memory_space<vmem>>
    %dma_start3A_189 = tpu.memref_squeeze %dma_start3A_188 : memref<1x512x16xf32, #tpu.memory_space<vmem>> -> memref<512x16xf32, #tpu.memory_space<vmem>>
    %dma_start3A_190 = arith.constant 0 : i32
    %dma_start3A_191 = arith.constant 0 : i32
    %dma_start3A_192 = tpu.memref_slice %arg4[%dma_start3A_190, %dma_start3A_191] : memref<1000000x16xf32, #tpu.memory_space<hbm>> -> memref<1000000x16xf32, #tpu.memory_space<hbm>>
    tpu.enqueue_indirect_dma source(%dma_start3A_192 : memref<1000000x16xf32, #tpu.memory_space<hbm>>) target(%dma_start3A_189 : memref<512x16xf32, #tpu.memory_space<vmem>>) offsets(%arg16 : memref<512xi32, #tpu.memory_space<vmem>>) semaphore(%arg33 : memref<!tpu.dma_semaphore, #tpu.memory_space<semaphore_mem>>)
    %dma_start3A_193 = arith.constant 0 : i32
    %dma_start3A_194 = arith.constant 0 : i32
    %dma_start3A_195 = tpu.memref_slice %arg5[%dma_start3A_193, %dma_start3A_194] : memref<1x1000064xf32, #tpu.memory_space<hbm>> -> memref<1x1000064xf32, #tpu.memory_space<hbm>>
    %dma_start3A_196 = tpu.memref_squeeze %dma_start3A_195 : memref<1x1000064xf32, #tpu.memory_space<hbm>> -> memref<1000064xf32, #tpu.memory_space<hbm>>
    %dma_start3A_197 = arith.constant 0 : i32
    %dma_start3A_198 = tpu.memref_slice %dma_start3A_196[%dma_start3A_197] : memref<1000064xf32, #tpu.memory_space<hbm>> -> memref<1000064xf32, #tpu.memory_space<hbm>>
    tpu.enqueue_indirect_dma source(%dma_start3A_198 : memref<1000064xf32, #tpu.memory_space<hbm>>) target(%arg26 : memref<512xf32, #tpu.memory_space<vmem>>) offsets(%arg16 : memref<512xi32, #tpu.memory_space<vmem>>) semaphore(%arg33 : memref<!tpu.dma_semaphore, #tpu.memory_space<semaphore_mem>>)
    %dma_wait3A_199 = arith.constant 0 : i32
    %dma_wait3A_200 = arith.constant 0 : i32
    %dma_wait3A_201 = arith.constant 0 : i32
    %dma_wait3A_202 = tpu.memref_slice %arg17[%dma_wait3A_199, %dma_wait3A_200, %dma_wait3A_201] : memref<9x512x16xf32, #tpu.memory_space<vmem>> -> memref<1x512x16xf32, #tpu.memory_space<vmem>>
    %dma_wait3A_203 = tpu.memref_squeeze %dma_wait3A_202 : memref<1x512x16xf32, #tpu.memory_space<vmem>> -> memref<512x16xf32, #tpu.memory_space<vmem>>
    %dma_wait3A_204 = arith.constant 0 : i32
    %dma_wait3A_205 = arith.constant 0 : i32
    %dma_wait3A_206 = tpu.memref_slice %arg4[%dma_wait3A_204, %dma_wait3A_205] : memref<1000000x16xf32, #tpu.memory_space<hbm>> -> memref<1000000x16xf32, #tpu.memory_space<hbm>>
    tpu.wait_indirect_dma semaphore(%arg33 : memref<!tpu.dma_semaphore, #tpu.memory_space<semaphore_mem>>) src(%dma_wait3A_206 : memref<1000000x16xf32, #tpu.memory_space<hbm>>) dst(%dma_wait3A_203 : memref<512x16xf32, #tpu.memory_space<vmem>>)
    %dma_wait3A_207 = arith.constant 0 : i32
    %dma_wait3A_208 = arith.constant 0 : i32
    %dma_wait3A_209 = tpu.memref_slice %arg5[%dma_wait3A_207, %dma_wait3A_208] : memref<1x1000064xf32, #tpu.memory_space<hbm>> -> memref<1x1000064xf32, #tpu.memory_space<hbm>>
    %dma_wait3A_210 = tpu.memref_squeeze %dma_wait3A_209 : memref<1x1000064xf32, #tpu.memory_space<hbm>> -> memref<1000064xf32, #tpu.memory_space<hbm>>
    %dma_wait3A_211 = arith.constant 0 : i32
    %dma_wait3A_212 = tpu.memref_slice %dma_wait3A_210[%dma_wait3A_211] : memref<1000064xf32, #tpu.memory_space<hbm>> -> memref<1000064xf32, #tpu.memory_space<hbm>>
    tpu.wait_indirect_dma semaphore(%arg33 : memref<!tpu.dma_semaphore, #tpu.memory_space<semaphore_mem>>) src(%dma_wait3A_212 : memref<1000064xf32, #tpu.memory_space<hbm>>) dst(%arg18 : memref<512xf32, #tpu.memory_space<vmem>>)
    %dma_wait3A_213 = arith.constant 1 : i32
    %dma_wait3A_214 = arith.constant 0 : i32
    %dma_wait3A_215 = arith.constant 0 : i32
    %dma_wait3A_216 = tpu.memref_slice %arg17[%dma_wait3A_213, %dma_wait3A_214, %dma_wait3A_215] : memref<9x512x16xf32, #tpu.memory_space<vmem>> -> memref<1x512x16xf32, #tpu.memory_space<vmem>>
    %dma_wait3A_217 = tpu.memref_squeeze %dma_wait3A_216 : memref<1x512x16xf32, #tpu.memory_space<vmem>> -> memref<512x16xf32, #tpu.memory_space<vmem>>
    %dma_wait3A_218 = arith.constant 0 : i32
    %dma_wait3A_219 = arith.constant 0 : i32
    %dma_wait3A_220 = tpu.memref_slice %arg4[%dma_wait3A_218, %dma_wait3A_219] : memref<1000000x16xf32, #tpu.memory_space<hbm>> -> memref<1000000x16xf32, #tpu.memory_space<hbm>>
    tpu.wait_indirect_dma semaphore(%arg33 : memref<!tpu.dma_semaphore, #tpu.memory_space<semaphore_mem>>) src(%dma_wait3A_220 : memref<1000000x16xf32, #tpu.memory_space<hbm>>) dst(%dma_wait3A_217 : memref<512x16xf32, #tpu.memory_space<vmem>>)
    %dma_wait3A_221 = arith.constant 0 : i32
    %dma_wait3A_222 = arith.constant 0 : i32
    %dma_wait3A_223 = tpu.memref_slice %arg5[%dma_wait3A_221, %dma_wait3A_222] : memref<1x1000064xf32, #tpu.memory_space<hbm>> -> memref<1x1000064xf32, #tpu.memory_space<hbm>>
    %dma_wait3A_224 = tpu.memref_squeeze %dma_wait3A_223 : memref<1x1000064xf32, #tpu.memory_space<hbm>> -> memref<1000064xf32, #tpu.memory_space<hbm>>
    %dma_wait3A_225 = arith.constant 0 : i32
    %dma_wait3A_226 = tpu.memref_slice %dma_wait3A_224[%dma_wait3A_225] : memref<1000064xf32, #tpu.memory_space<hbm>> -> memref<1000064xf32, #tpu.memory_space<hbm>>
    tpu.wait_indirect_dma semaphore(%arg33 : memref<!tpu.dma_semaphore, #tpu.memory_space<semaphore_mem>>) src(%dma_wait3A_226 : memref<1000064xf32, #tpu.memory_space<hbm>>) dst(%arg19 : memref<512xf32, #tpu.memory_space<vmem>>)
    %dma_wait3A_227 = arith.constant 2 : i32
    %dma_wait3A_228 = arith.constant 0 : i32
    %dma_wait3A_229 = arith.constant 0 : i32
    %dma_wait3A_230 = tpu.memref_slice %arg17[%dma_wait3A_227, %dma_wait3A_228, %dma_wait3A_229] : memref<9x512x16xf32, #tpu.memory_space<vmem>> -> memref<1x512x16xf32, #tpu.memory_space<vmem>>
    %dma_wait3A_231 = tpu.memref_squeeze %dma_wait3A_230 : memref<1x512x16xf32, #tpu.memory_space<vmem>> -> memref<512x16xf32, #tpu.memory_space<vmem>>
    %dma_wait3A_232 = arith.constant 0 : i32
    %dma_wait3A_233 = arith.constant 0 : i32
    %dma_wait3A_234 = tpu.memref_slice %arg4[%dma_wait3A_232, %dma_wait3A_233] : memref<1000000x16xf32, #tpu.memory_space<hbm>> -> memref<1000000x16xf32, #tpu.memory_space<hbm>>
    tpu.wait_indirect_dma semaphore(%arg33 : memref<!tpu.dma_semaphore, #tpu.memory_space<semaphore_mem>>) src(%dma_wait3A_234 : memref<1000000x16xf32, #tpu.memory_space<hbm>>) dst(%dma_wait3A_231 : memref<512x16xf32, #tpu.memory_space<vmem>>)
    %dma_wait3A_235 = arith.constant 0 : i32
    %dma_wait3A_236 = arith.constant 0 : i32
    %dma_wait3A_237 = tpu.memref_slice %arg5[%dma_wait3A_235, %dma_wait3A_236] : memref<1x1000064xf32, #tpu.memory_space<hbm>> -> memref<1x1000064xf32, #tpu.memory_space<hbm>>
    %dma_wait3A_238 = tpu.memref_squeeze %dma_wait3A_237 : memref<1x1000064xf32, #tpu.memory_space<hbm>> -> memref<1000064xf32, #tpu.memory_space<hbm>>
    %dma_wait3A_239 = arith.constant 0 : i32
    %dma_wait3A_240 = tpu.memref_slice %dma_wait3A_238[%dma_wait3A_239] : memref<1000064xf32, #tpu.memory_space<hbm>> -> memref<1000064xf32, #tpu.memory_space<hbm>>
    tpu.wait_indirect_dma semaphore(%arg33 : memref<!tpu.dma_semaphore, #tpu.memory_space<semaphore_mem>>) src(%dma_wait3A_240 : memref<1000064xf32, #tpu.memory_space<hbm>>) dst(%arg20 : memref<512xf32, #tpu.memory_space<vmem>>)
    %dma_wait3A_241 = arith.constant 3 : i32
    %dma_wait3A_242 = arith.constant 0 : i32
    %dma_wait3A_243 = arith.constant 0 : i32
    %dma_wait3A_244 = tpu.memref_slice %arg17[%dma_wait3A_241, %dma_wait3A_242, %dma_wait3A_243] : memref<9x512x16xf32, #tpu.memory_space<vmem>> -> memref<1x512x16xf32, #tpu.memory_space<vmem>>
    %dma_wait3A_245 = tpu.memref_squeeze %dma_wait3A_244 : memref<1x512x16xf32, #tpu.memory_space<vmem>> -> memref<512x16xf32, #tpu.memory_space<vmem>>
    %dma_wait3A_246 = arith.constant 0 : i32
    %dma_wait3A_247 = arith.constant 0 : i32
    %dma_wait3A_248 = tpu.memref_slice %arg4[%dma_wait3A_246, %dma_wait3A_247] : memref<1000000x16xf32, #tpu.memory_space<hbm>> -> memref<1000000x16xf32, #tpu.memory_space<hbm>>
    tpu.wait_indirect_dma semaphore(%arg33 : memref<!tpu.dma_semaphore, #tpu.memory_space<semaphore_mem>>) src(%dma_wait3A_248 : memref<1000000x16xf32, #tpu.memory_space<hbm>>) dst(%dma_wait3A_245 : memref<512x16xf32, #tpu.memory_space<vmem>>)
    %dma_wait3A_249 = arith.constant 0 : i32
    %dma_wait3A_250 = arith.constant 0 : i32
    %dma_wait3A_251 = tpu.memref_slice %arg5[%dma_wait3A_249, %dma_wait3A_250] : memref<1x1000064xf32, #tpu.memory_space<hbm>> -> memref<1x1000064xf32, #tpu.memory_space<hbm>>
    %dma_wait3A_252 = tpu.memref_squeeze %dma_wait3A_251 : memref<1x1000064xf32, #tpu.memory_space<hbm>> -> memref<1000064xf32, #tpu.memory_space<hbm>>
    %dma_wait3A_253 = arith.constant 0 : i32
    %dma_wait3A_254 = tpu.memref_slice %dma_wait3A_252[%dma_wait3A_253] : memref<1000064xf32, #tpu.memory_space<hbm>> -> memref<1000064xf32, #tpu.memory_space<hbm>>
    tpu.wait_indirect_dma semaphore(%arg33 : memref<!tpu.dma_semaphore, #tpu.memory_space<semaphore_mem>>) src(%dma_wait3A_254 : memref<1000064xf32, #tpu.memory_space<hbm>>) dst(%arg21 : memref<512xf32, #tpu.memory_space<vmem>>)
    %dma_wait3A_255 = arith.constant 4 : i32
    %dma_wait3A_256 = arith.constant 0 : i32
    %dma_wait3A_257 = arith.constant 0 : i32
    %dma_wait3A_258 = tpu.memref_slice %arg17[%dma_wait3A_255, %dma_wait3A_256, %dma_wait3A_257] : memref<9x512x16xf32, #tpu.memory_space<vmem>> -> memref<1x512x16xf32, #tpu.memory_space<vmem>>
    %dma_wait3A_259 = tpu.memref_squeeze %dma_wait3A_258 : memref<1x512x16xf32, #tpu.memory_space<vmem>> -> memref<512x16xf32, #tpu.memory_space<vmem>>
    %dma_wait3A_260 = arith.constant 0 : i32
    %dma_wait3A_261 = arith.constant 0 : i32
    %dma_wait3A_262 = tpu.memref_slice %arg4[%dma_wait3A_260, %dma_wait3A_261] : memref<1000000x16xf32, #tpu.memory_space<hbm>> -> memref<1000000x16xf32, #tpu.memory_space<hbm>>
    tpu.wait_indirect_dma semaphore(%arg33 : memref<!tpu.dma_semaphore, #tpu.memory_space<semaphore_mem>>) src(%dma_wait3A_262 : memref<1000000x16xf32, #tpu.memory_space<hbm>>) dst(%dma_wait3A_259 : memref<512x16xf32, #tpu.memory_space<vmem>>)
    %dma_wait3A_263 = arith.constant 0 : i32
    %dma_wait3A_264 = arith.constant 0 : i32
    %dma_wait3A_265 = tpu.memref_slice %arg5[%dma_wait3A_263, %dma_wait3A_264] : memref<1x1000064xf32, #tpu.memory_space<hbm>> -> memref<1x1000064xf32, #tpu.memory_space<hbm>>
    %dma_wait3A_266 = tpu.memref_squeeze %dma_wait3A_265 : memref<1x1000064xf32, #tpu.memory_space<hbm>> -> memref<1000064xf32, #tpu.memory_space<hbm>>
    %dma_wait3A_267 = arith.constant 0 : i32
    %dma_wait3A_268 = tpu.memref_slice %dma_wait3A_266[%dma_wait3A_267] : memref<1000064xf32, #tpu.memory_space<hbm>> -> memref<1000064xf32, #tpu.memory_space<hbm>>
    tpu.wait_indirect_dma semaphore(%arg33 : memref<!tpu.dma_semaphore, #tpu.memory_space<semaphore_mem>>) src(%dma_wait3A_268 : memref<1000064xf32, #tpu.memory_space<hbm>>) dst(%arg22 : memref<512xf32, #tpu.memory_space<vmem>>)
    %dma_wait3A_269 = arith.constant 5 : i32
    %dma_wait3A_270 = arith.constant 0 : i32
    %dma_wait3A_271 = arith.constant 0 : i32
    %dma_wait3A_272 = tpu.memref_slice %arg17[%dma_wait3A_269, %dma_wait3A_270, %dma_wait3A_271] : memref<9x512x16xf32, #tpu.memory_space<vmem>> -> memref<1x512x16xf32, #tpu.memory_space<vmem>>
    %dma_wait3A_273 = tpu.memref_squeeze %dma_wait3A_272 : memref<1x512x16xf32, #tpu.memory_space<vmem>> -> memref<512x16xf32, #tpu.memory_space<vmem>>
    %dma_wait3A_274 = arith.constant 0 : i32
    %dma_wait3A_275 = arith.constant 0 : i32
    %dma_wait3A_276 = tpu.memref_slice %arg4[%dma_wait3A_274, %dma_wait3A_275] : memref<1000000x16xf32, #tpu.memory_space<hbm>> -> memref<1000000x16xf32, #tpu.memory_space<hbm>>
    tpu.wait_indirect_dma semaphore(%arg33 : memref<!tpu.dma_semaphore, #tpu.memory_space<semaphore_mem>>) src(%dma_wait3A_276 : memref<1000000x16xf32, #tpu.memory_space<hbm>>) dst(%dma_wait3A_273 : memref<512x16xf32, #tpu.memory_space<vmem>>)
    %dma_wait3A_277 = arith.constant 0 : i32
    %dma_wait3A_278 = arith.constant 0 : i32
    %dma_wait3A_279 = tpu.memref_slice %arg5[%dma_wait3A_277, %dma_wait3A_278] : memref<1x1000064xf32, #tpu.memory_space<hbm>> -> memref<1x1000064xf32, #tpu.memory_space<hbm>>
    %dma_wait3A_280 = tpu.memref_squeeze %dma_wait3A_279 : memref<1x1000064xf32, #tpu.memory_space<hbm>> -> memref<1000064xf32, #tpu.memory_space<hbm>>
    %dma_wait3A_281 = arith.constant 0 : i32
    %dma_wait3A_282 = tpu.memref_slice %dma_wait3A_280[%dma_wait3A_281] : memref<1000064xf32, #tpu.memory_space<hbm>> -> memref<1000064xf32, #tpu.memory_space<hbm>>
    tpu.wait_indirect_dma semaphore(%arg33 : memref<!tpu.dma_semaphore, #tpu.memory_space<semaphore_mem>>) src(%dma_wait3A_282 : memref<1000064xf32, #tpu.memory_space<hbm>>) dst(%arg23 : memref<512xf32, #tpu.memory_space<vmem>>)
    %dma_wait3A_283 = arith.constant 6 : i32
    %dma_wait3A_284 = arith.constant 0 : i32
    %dma_wait3A_285 = arith.constant 0 : i32
    %dma_wait3A_286 = tpu.memref_slice %arg17[%dma_wait3A_283, %dma_wait3A_284, %dma_wait3A_285] : memref<9x512x16xf32, #tpu.memory_space<vmem>> -> memref<1x512x16xf32, #tpu.memory_space<vmem>>
    %dma_wait3A_287 = tpu.memref_squeeze %dma_wait3A_286 : memref<1x512x16xf32, #tpu.memory_space<vmem>> -> memref<512x16xf32, #tpu.memory_space<vmem>>
    %dma_wait3A_288 = arith.constant 0 : i32
    %dma_wait3A_289 = arith.constant 0 : i32
    %dma_wait3A_290 = tpu.memref_slice %arg4[%dma_wait3A_288, %dma_wait3A_289] : memref<1000000x16xf32, #tpu.memory_space<hbm>> -> memref<1000000x16xf32, #tpu.memory_space<hbm>>
    tpu.wait_indirect_dma semaphore(%arg33 : memref<!tpu.dma_semaphore, #tpu.memory_space<semaphore_mem>>) src(%dma_wait3A_290 : memref<1000000x16xf32, #tpu.memory_space<hbm>>) dst(%dma_wait3A_287 : memref<512x16xf32, #tpu.memory_space<vmem>>)
    %dma_wait3A_291 = arith.constant 0 : i32
    %dma_wait3A_292 = arith.constant 0 : i32
    %dma_wait3A_293 = tpu.memref_slice %arg5[%dma_wait3A_291, %dma_wait3A_292] : memref<1x1000064xf32, #tpu.memory_space<hbm>> -> memref<1x1000064xf32, #tpu.memory_space<hbm>>
    %dma_wait3A_294 = tpu.memref_squeeze %dma_wait3A_293 : memref<1x1000064xf32, #tpu.memory_space<hbm>> -> memref<1000064xf32, #tpu.memory_space<hbm>>
    %dma_wait3A_295 = arith.constant 0 : i32
    %dma_wait3A_296 = tpu.memref_slice %dma_wait3A_294[%dma_wait3A_295] : memref<1000064xf32, #tpu.memory_space<hbm>> -> memref<1000064xf32, #tpu.memory_space<hbm>>
    tpu.wait_indirect_dma semaphore(%arg33 : memref<!tpu.dma_semaphore, #tpu.memory_space<semaphore_mem>>) src(%dma_wait3A_296 : memref<1000064xf32, #tpu.memory_space<hbm>>) dst(%arg24 : memref<512xf32, #tpu.memory_space<vmem>>)
    %dma_wait3A_297 = arith.constant 7 : i32
    %dma_wait3A_298 = arith.constant 0 : i32
    %dma_wait3A_299 = arith.constant 0 : i32
    %dma_wait3A_300 = tpu.memref_slice %arg17[%dma_wait3A_297, %dma_wait3A_298, %dma_wait3A_299] : memref<9x512x16xf32, #tpu.memory_space<vmem>> -> memref<1x512x16xf32, #tpu.memory_space<vmem>>
    %dma_wait3A_301 = tpu.memref_squeeze %dma_wait3A_300 : memref<1x512x16xf32, #tpu.memory_space<vmem>> -> memref<512x16xf32, #tpu.memory_space<vmem>>
    %dma_wait3A_302 = arith.constant 0 : i32
    %dma_wait3A_303 = arith.constant 0 : i32
    %dma_wait3A_304 = tpu.memref_slice %arg4[%dma_wait3A_302, %dma_wait3A_303] : memref<1000000x16xf32, #tpu.memory_space<hbm>> -> memref<1000000x16xf32, #tpu.memory_space<hbm>>
    tpu.wait_indirect_dma semaphore(%arg33 : memref<!tpu.dma_semaphore, #tpu.memory_space<semaphore_mem>>) src(%dma_wait3A_304 : memref<1000000x16xf32, #tpu.memory_space<hbm>>) dst(%dma_wait3A_301 : memref<512x16xf32, #tpu.memory_space<vmem>>)
    %dma_wait3A_305 = arith.constant 0 : i32
    %dma_wait3A_306 = arith.constant 0 : i32
    %dma_wait3A_307 = tpu.memref_slice %arg5[%dma_wait3A_305, %dma_wait3A_306] : memref<1x1000064xf32, #tpu.memory_space<hbm>> -> memref<1x1000064xf32, #tpu.memory_space<hbm>>
    %dma_wait3A_308 = tpu.memref_squeeze %dma_wait3A_307 : memref<1x1000064xf32, #tpu.memory_space<hbm>> -> memref<1000064xf32, #tpu.memory_space<hbm>>
    %dma_wait3A_309 = arith.constant 0 : i32
    %dma_wait3A_310 = tpu.memref_slice %dma_wait3A_308[%dma_wait3A_309] : memref<1000064xf32, #tpu.memory_space<hbm>> -> memref<1000064xf32, #tpu.memory_space<hbm>>
    tpu.wait_indirect_dma semaphore(%arg33 : memref<!tpu.dma_semaphore, #tpu.memory_space<semaphore_mem>>) src(%dma_wait3A_310 : memref<1000064xf32, #tpu.memory_space<hbm>>) dst(%arg25 : memref<512xf32, #tpu.memory_space<vmem>>)
    %dma_wait3A_311 = arith.constant 8 : i32
    %dma_wait3A_312 = arith.constant 0 : i32
    %dma_wait3A_313 = arith.constant 0 : i32
    %dma_wait3A_314 = tpu.memref_slice %arg17[%dma_wait3A_311, %dma_wait3A_312, %dma_wait3A_313] : memref<9x512x16xf32, #tpu.memory_space<vmem>> -> memref<1x512x16xf32, #tpu.memory_space<vmem>>
    %dma_wait3A_315 = tpu.memref_squeeze %dma_wait3A_314 : memref<1x512x16xf32, #tpu.memory_space<vmem>> -> memref<512x16xf32, #tpu.memory_space<vmem>>
    %dma_wait3A_316 = arith.constant 0 : i32
    %dma_wait3A_317 = arith.constant 0 : i32
    %dma_wait3A_318 = tpu.memref_slice %arg4[%dma_wait3A_316, %dma_wait3A_317] : memref<1000000x16xf32, #tpu.memory_space<hbm>> -> memref<1000000x16xf32, #tpu.memory_space<hbm>>
    tpu.wait_indirect_dma semaphore(%arg33 : memref<!tpu.dma_semaphore, #tpu.memory_space<semaphore_mem>>) src(%dma_wait3A_318 : memref<1000000x16xf32, #tpu.memory_space<hbm>>) dst(%dma_wait3A_315 : memref<512x16xf32, #tpu.memory_space<vmem>>)
    %dma_wait3A_319 = arith.constant 0 : i32
    %dma_wait3A_320 = arith.constant 0 : i32
    %dma_wait3A_321 = tpu.memref_slice %arg5[%dma_wait3A_319, %dma_wait3A_320] : memref<1x1000064xf32, #tpu.memory_space<hbm>> -> memref<1x1000064xf32, #tpu.memory_space<hbm>>
    %dma_wait3A_322 = tpu.memref_squeeze %dma_wait3A_321 : memref<1x1000064xf32, #tpu.memory_space<hbm>> -> memref<1000064xf32, #tpu.memory_space<hbm>>
    %dma_wait3A_323 = arith.constant 0 : i32
    %dma_wait3A_324 = tpu.memref_slice %dma_wait3A_322[%dma_wait3A_323] : memref<1000064xf32, #tpu.memory_space<hbm>> -> memref<1000064xf32, #tpu.memory_space<hbm>>
    tpu.wait_indirect_dma semaphore(%arg33 : memref<!tpu.dma_semaphore, #tpu.memory_space<semaphore_mem>>) src(%dma_wait3A_324 : memref<1000064xf32, #tpu.memory_space<hbm>>) dst(%arg26 : memref<512xf32, #tpu.memory_space<vmem>>)
    %iota3A = tpu.iota {dimensions = array<i32: 0>} : vector<16xi32>
    %get3A = arith.constant 0 : index
    %get3A_325 = tpu.vector_load %arg31[%get3A] {strides = array<i32>} : memref<16xf32, #tpu.memory_space<vmem>>, vector<16xf32>,
    %scan3A = arith.constant 0 : i32
    %scan3A_326 = arith.constant 32 : i32
    %scan3A_327 = arith.addi %scan3A, %scan3A_326 : i32
    %scan3A_328 = arith.constant 1 : i32
    scf.for %scan3A_330 = %scan3A to %scan3A_327 step %scan3A_328  : i32 {
      %mul3A_331 = arith.constant 16 : i32
      %mul3A_332 = arith.muli %scan3A_330, %mul3A_331 : i32
      %add3A_333 = arith.constant 0 : i32
      %add3A_334 = arith.addi %mul3A_332, %add3A_333 : i32
      %get3A_335 = arith.constant 0 : i32
      %get3A_336 = arith.index_cast %get3A_335 : i32 to index
      %get3A_337 = arith.index_cast %add3A_334 : i32 to index
      %get3A_338 = arith.constant 0 : index
      %get3A_339 = tpu.vector_load %arg17[%get3A_336, %get3A_337, %get3A_338] {strides = array<i32>} : memref<9x512x16xf32, #tpu.memory_space<vmem>>, vector<16xf32>,
      %mul3A_340 = arith.mulf %get3A_339, %get3A_339 : vector<16xf32>
      %get3A_341 = arith.constant 1 : i32
      %get3A_342 = arith.index_cast %get3A_341 : i32 to index
      %get3A_343 = arith.index_cast %add3A_334 : i32 to index
      %get3A_344 = arith.constant 0 : index
      %get3A_345 = tpu.vector_load %arg17[%get3A_342, %get3A_343, %get3A_344] {strides = array<i32>} : memref<9x512x16xf32, #tpu.memory_space<vmem>>, vector<16xf32>,
      %add3A_346 = arith.addf %get3A_339, %get3A_345 : vector<16xf32>
      %mul3A_347 = arith.mulf %get3A_345, %get3A_345 : vector<16xf32>
      %add3A_348 = arith.addf %mul3A_340, %mul3A_347 : vector<16xf32>
      %get3A_349 = arith.constant 2 : i32
      %get3A_350 = arith.index_cast %get3A_349 : i32 to index
      %get3A_351 = arith.index_cast %add3A_334 : i32 to index
      %get3A_352 = arith.constant 0 : index
      %get3A_353 = tpu.vector_load %arg17[%get3A_350, %get3A_351, %get3A_352] {strides = array<i32>} : memref<9x512x16xf32, #tpu.memory_space<vmem>>, vector<16xf32>,
      %add3A_354 = arith.addf %add3A_346, %get3A_353 : vector<16xf32>
      %mul3A_355 = arith.mulf %get3A_353, %get3A_353 : vector<16xf32>
      %add3A_356 = arith.addf %add3A_348, %mul3A_355 : vector<16xf32>
      %get3A_357 = arith.constant 3 : i32
      %get3A_358 = arith.index_cast %get3A_357 : i32 to index
      %get3A_359 = arith.index_cast %add3A_334 : i32 to index
      %get3A_360 = arith.constant 0 : index
      %get3A_361 = tpu.vector_load %arg17[%get3A_358, %get3A_359, %get3A_360] {strides = array<i32>} : memref<9x512x16xf32, #tpu.memory_space<vmem>>, vector<16xf32>,
      %add3A_362 = arith.addf %add3A_354, %get3A_361 : vector<16xf32>
      %mul3A_363 = arith.mulf %get3A_361, %get3A_361 : vector<16xf32>
      %add3A_364 = arith.addf %add3A_356, %mul3A_363 : vector<16xf32>
      %get3A_365 = arith.constant 4 : i32
      %get3A_366 = arith.index_cast %get3A_365 : i32 to index
      %get3A_367 = arith.index_cast %add3A_334 : i32 to index
      %get3A_368 = arith.constant 0 : index
      %get3A_369 = tpu.vector_load %arg17[%get3A_366, %get3A_367, %get3A_368] {strides = array<i32>} : memref<9x512x16xf32, #tpu.memory_space<vmem>>, vector<16xf32>,
      %add3A_370 = arith.addf %add3A_362, %get3A_369 : vector<16xf32>
      %mul3A_371 = arith.mulf %get3A_369, %get3A_369 : vector<16xf32>
      %add3A_372 = arith.addf %add3A_364, %mul3A_371 : vector<16xf32>
      %get3A_373 = arith.constant 5 : i32
      %get3A_374 = arith.index_cast %get3A_373 : i32 to index
      %get3A_375 = arith.index_cast %add3A_334 : i32 to index
      %get3A_376 = arith.constant 0 : index
      %get3A_377 = tpu.vector_load %arg17[%get3A_374, %get3A_375, %get3A_376] {strides = array<i32>} : memref<9x512x16xf32, #tpu.memory_space<vmem>>, vector<16xf32>,
      %add3A_378 = arith.addf %add3A_370, %get3A_377 : vector<16xf32>
      %mul3A_379 = arith.mulf %get3A_377, %get3A_377 : vector<16xf32>
      %add3A_380 = arith.addf %add3A_372, %mul3A_379 : vector<16xf32>
      %get3A_381 = arith.constant 6 : i32
      %get3A_382 = arith.index_cast %get3A_381 : i32 to index
      %get3A_383 = arith.index_cast %add3A_334 : i32 to index
      %get3A_384 = arith.constant 0 : index
      %get3A_385 = tpu.vector_load %arg17[%get3A_382, %get3A_383, %get3A_384] {strides = array<i32>} : memref<9x512x16xf32, #tpu.memory_space<vmem>>, vector<16xf32>,
      %add3A_386 = arith.addf %add3A_378, %get3A_385 : vector<16xf32>
      %mul3A_387 = arith.mulf %get3A_385, %get3A_385 : vector<16xf32>
      %add3A_388 = arith.addf %add3A_380, %mul3A_387 : vector<16xf32>
      %get3A_389 = arith.constant 7 : i32
      %get3A_390 = arith.index_cast %get3A_389 : i32 to index
      %get3A_391 = arith.index_cast %add3A_334 : i32 to index
      %get3A_392 = arith.constant 0 : index
      %get3A_393 = tpu.vector_load %arg17[%get3A_390, %get3A_391, %get3A_392] {strides = array<i32>} : memref<9x512x16xf32, #tpu.memory_space<vmem>>, vector<16xf32>,
      %add3A_394 = arith.addf %add3A_386, %get3A_393 : vector<16xf32>
      %mul3A_395 = arith.mulf %get3A_393, %get3A_393 : vector<16xf32>
      %add3A_396 = arith.addf %add3A_388, %mul3A_395 : vector<16xf32>
      %get3A_397 = arith.constant 8 : i32
      %get3A_398 = arith.index_cast %get3A_397 : i32 to index
      %get3A_399 = arith.index_cast %add3A_334 : i32 to index
      %get3A_400 = arith.constant 0 : index
      %get3A_401 = tpu.vector_load %arg17[%get3A_398, %get3A_399, %get3A_400] {strides = array<i32>} : memref<9x512x16xf32, #tpu.memory_space<vmem>>, vector<16xf32>,
      %add3A_402 = arith.addf %add3A_394, %get3A_401 : vector<16xf32>
      %mul3A_403 = arith.mulf %get3A_401, %get3A_401 : vector<16xf32>
      %add3A_404 = arith.addf %add3A_396, %mul3A_403 : vector<16xf32>
      %mul3A_405 = arith.mulf %add3A_402, %add3A_402 : vector<16xf32>
      %sub3A = arith.subf %mul3A_405, %add3A_404 : vector<16xf32>
      %swap3A = arith.constant 0 : i32
      %swap3A_406 = arith.index_cast %swap3A : i32 to index
      %swap3A_407 = arith.constant 0 : index
      %swap3A_408 = tpu.vector_load %arg32[%swap3A_406, %swap3A_407] {strides = array<i32>} : memref<16x16xf32, #tpu.memory_space<vmem>>, vector<16xf32>,
      tpu.vector_store %arg32[%swap3A_406, %swap3A_407], %sub3A {strides = array<i32>} : memref<16x16xf32, #tpu.memory_space<vmem>>, vector<16xf32>,
      %add3A_409 = arith.constant 1 : i32
      %add3A_410 = arith.addi %mul3A_332, %add3A_409 : i32
      %get3A_411 = arith.constant 0 : i32
      %get3A_412 = arith.index_cast %get3A_411 : i32 to index
      %get3A_413 = arith.index_cast %add3A_410 : i32 to index
      %get3A_414 = arith.constant 0 : index
      %get3A_415 = tpu.vector_load %arg17[%get3A_412, %get3A_413, %get3A_414] {strides = array<i32>} : memref<9x512x16xf32, #tpu.memory_space<vmem>>, vector<16xf32>,
      %mul3A_416 = arith.mulf %get3A_415, %get3A_415 : vector<16xf32>
      %get3A_417 = arith.constant 1 : i32
      %get3A_418 = arith.index_cast %get3A_417 : i32 to index
      %get3A_419 = arith.index_cast %add3A_410 : i32 to index
      %get3A_420 = arith.constant 0 : index
      %get3A_421 = tpu.vector_load %arg17[%get3A_418, %get3A_419, %get3A_420] {strides = array<i32>} : memref<9x512x16xf32, #tpu.memory_space<vmem>>, vector<16xf32>,
      %add3A_422 = arith.addf %get3A_415, %get3A_421 : vector<16xf32>
      %mul3A_423 = arith.mulf %get3A_421, %get3A_421 : vector<16xf32>
      %add3A_424 = arith.addf %mul3A_416, %mul3A_423 : vector<16xf32>
      %get3A_425 = arith.constant 2 : i32
      %get3A_426 = arith.index_cast %get3A_425 : i32 to index
      %get3A_427 = arith.index_cast %add3A_410 : i32 to index
      %get3A_428 = arith.constant 0 : index
      %get3A_429 = tpu.vector_load %arg17[%get3A_426, %get3A_427, %get3A_428] {strides = array<i32>} : memref<9x512x16xf32, #tpu.memory_space<vmem>>, vector<16xf32>,
      %add3A_430 = arith.addf %add3A_422, %get3A_429 : vector<16xf32>
      %mul3A_431 = arith.mulf %get3A_429, %get3A_429 : vector<16xf32>
      %add3A_432 = arith.addf %add3A_424, %mul3A_431 : vector<16xf32>
      %get3A_433 = arith.constant 3 : i32
      %get3A_434 = arith.index_cast %get3A_433 : i32 to index
      %get3A_435 = arith.index_cast %add3A_410 : i32 to index
      %get3A_436 = arith.constant 0 : index
      %get3A_437 = tpu.vector_load %arg17[%get3A_434, %get3A_435, %get3A_436] {strides = array<i32>} : memref<9x512x16xf32, #tpu.memory_space<vmem>>, vector<16xf32>,
      %add3A_438 = arith.addf %add3A_430, %get3A_437 : vector<16xf32>
      %mul3A_439 = arith.mulf %get3A_437, %get3A_437 : vector<16xf32>
      %add3A_440 = arith.addf %add3A_432, %mul3A_439 : vector<16xf32>
      %get3A_441 = arith.constant 4 : i32
      %get3A_442 = arith.index_cast %get3A_441 : i32 to index
      %get3A_443 = arith.index_cast %add3A_410 : i32 to index
      %get3A_444 = arith.constant 0 : index
      %get3A_445 = tpu.vector_load %arg17[%get3A_442, %get3A_443, %get3A_444] {strides = array<i32>} : memref<9x512x16xf32, #tpu.memory_space<vmem>>, vector<16xf32>,
      %add3A_446 = arith.addf %add3A_438, %get3A_445 : vector<16xf32>
      %mul3A_447 = arith.mulf %get3A_445, %get3A_445 : vector<16xf32>
      %add3A_448 = arith.addf %add3A_440, %mul3A_447 : vector<16xf32>
      %get3A_449 = arith.constant 5 : i32
      %get3A_450 = arith.index_cast %get3A_449 : i32 to index
      %get3A_451 = arith.index_cast %add3A_410 : i32 to index
      %get3A_452 = arith.constant 0 : index
      %get3A_453 = tpu.vector_load %arg17[%get3A_450, %get3A_451, %get3A_452] {strides = array<i32>} : memref<9x512x16xf32, #tpu.memory_space<vmem>>, vector<16xf32>,
      %add3A_454 = arith.addf %add3A_446, %get3A_453 : vector<16xf32>
      %mul3A_455 = arith.mulf %get3A_453, %get3A_453 : vector<16xf32>
      %add3A_456 = arith.addf %add3A_448, %mul3A_455 : vector<16xf32>
      %get3A_457 = arith.constant 6 : i32
      %get3A_458 = arith.index_cast %get3A_457 : i32 to index
      %get3A_459 = arith.index_cast %add3A_410 : i32 to index
      %get3A_460 = arith.constant 0 : index
      %get3A_461 = tpu.vector_load %arg17[%get3A_458, %get3A_459, %get3A_460] {strides = array<i32>} : memref<9x512x16xf32, #tpu.memory_space<vmem>>, vector<16xf32>,
      %add3A_462 = arith.addf %add3A_454, %get3A_461 : vector<16xf32>
      %mul3A_463 = arith.mulf %get3A_461, %get3A_461 : vector<16xf32>
      %add3A_464 = arith.addf %add3A_456, %mul3A_463 : vector<16xf32>
      %get3A_465 = arith.constant 7 : i32
      %get3A_466 = arith.index_cast %get3A_465 : i32 to index
      %get3A_467 = arith.index_cast %add3A_410 : i32 to index
      %get3A_468 = arith.constant 0 : index
      %get3A_469 = tpu.vector_load %arg17[%get3A_466, %get3A_467, %get3A_468] {strides = array<i32>} : memref<9x512x16xf32, #tpu.memory_space<vmem>>, vector<16xf32>,
      %add3A_470 = arith.addf %add3A_462, %get3A_469 : vector<16xf32>
      %mul3A_471 = arith.mulf %get3A_469, %get3A_469 : vector<16xf32>
      %add3A_472 = arith.addf %add3A_464, %mul3A_471 : vector<16xf32>
      %get3A_473 = arith.constant 8 : i32
      %get3A_474 = arith.index_cast %get3A_473 : i32 to index
      %get3A_475 = arith.index_cast %add3A_410 : i32 to index
      %get3A_476 = arith.constant 0 : index
      %get3A_477 = tpu.vector_load %arg17[%get3A_474, %get3A_475, %get3A_476] {strides = array<i32>} : memref<9x512x16xf32, #tpu.memory_space<vmem>>, vector<16xf32>,
      %add3A_478 = arith.addf %add3A_470, %get3A_477 : vector<16xf32>
      %mul3A_479 = arith.mulf %get3A_477, %get3A_477 : vector<16xf32>
      %add3A_480 = arith.addf %add3A_472, %mul3A_479 : vector<16xf32>
      %mul3A_481 = arith.mulf %add3A_478, %add3A_478 : vector<16xf32>
      %sub3A_482 = arith.subf %mul3A_481, %add3A_480 : vector<16xf32>
      %swap3A_483 = arith.constant 1 : i32
      %swap3A_484 = arith.index_cast %swap3A_483 : i32 to index
      %swap3A_485 = arith.constant 0 : index
      %swap3A_486 = tpu.vector_load %arg32[%swap3A_484, %swap3A_485] {strides = array<i32>} : memref<16x16xf32, #tpu.memory_space<vmem>>, vector<16xf32>,
      tpu.vector_store %arg32[%swap3A_484, %swap3A_485], %sub3A_482 {strides = array<i32>} : memref<16x16xf32, #tpu.memory_space<vmem>>, vector<16xf32>,
      %add3A_487 = arith.constant 2 : i32
      %add3A_488 = arith.addi %mul3A_332, %add3A_487 : i32
      %get3A_489 = arith.constant 0 : i32
      %get3A_490 = arith.index_cast %get3A_489 : i32 to index
      %get3A_491 = arith.index_cast %add3A_488 : i32 to index
      %get3A_492 = arith.constant 0 : index
      %get3A_493 = tpu.vector_load %arg17[%get3A_490, %get3A_491, %get3A_492] {strides = array<i32>} : memref<9x512x16xf32, #tpu.memory_space<vmem>>, vector<16xf32>,
      %mul3A_494 = arith.mulf %get3A_493, %get3A_493 : vector<16xf32>
      %get3A_495 = arith.constant 1 : i32
      %get3A_496 = arith.index_cast %get3A_495 : i32 to index
      %get3A_497 = arith.index_cast %add3A_488 : i32 to index
      %get3A_498 = arith.constant 0 : index
      %get3A_499 = tpu.vector_load %arg17[%get3A_496, %get3A_497, %get3A_498] {strides = array<i32>} : memref<9x512x16xf32, #tpu.memory_space<vmem>>, vector<16xf32>,
      %add3A_500 = arith.addf %get3A_493, %get3A_499 : vector<16xf32>
      %mul3A_501 = arith.mulf %get3A_499, %get3A_499 : vector<16xf32>
      %add3A_502 = arith.addf %mul3A_494, %mul3A_501 : vector<16xf32>
      %get3A_503 = arith.constant 2 : i32
      %get3A_504 = arith.index_cast %get3A_503 : i32 to index
      %get3A_505 = arith.index_cast %add3A_488 : i32 to index
      %get3A_506 = arith.constant 0 : index
      %get3A_507 = tpu.vector_load %arg17[%get3A_504, %get3A_505, %get3A_506] {strides = array<i32>} : memref<9x512x16xf32, #tpu.memory_space<vmem>>, vector<16xf32>,
      %add3A_508 = arith.addf %add3A_500, %get3A_507 : vector<16xf32>
      %mul3A_509 = arith.mulf %get3A_507, %get3A_507 : vector<16xf32>
      %add3A_510 = arith.addf %add3A_502, %mul3A_509 : vector<16xf32>
      %get3A_511 = arith.constant 3 : i32
      %get3A_512 = arith.index_cast %get3A_511 : i32 to index
      %get3A_513 = arith.index_cast %add3A_488 : i32 to index
      %get3A_514 = arith.constant 0 : index
      %get3A_515 = tpu.vector_load %arg17[%get3A_512, %get3A_513, %get3A_514] {strides = array<i32>} : memref<9x512x16xf32, #tpu.memory_space<vmem>>, vector<16xf32>,
      %add3A_516 = arith.addf %add3A_508, %get3A_515 : vector<16xf32>
      %mul3A_517 = arith.mulf %get3A_515, %get3A_515 : vector<16xf32>
      %add3A_518 = arith.addf %add3A_510, %mul3A_517 : vector<16xf32>
      %get3A_519 = arith.constant 4 : i32
      %get3A_520 = arith.index_cast %get3A_519 : i32 to index
      %get3A_521 = arith.index_cast %add3A_488 : i32 to index
      %get3A_522 = arith.constant 0 : index
      %get3A_523 = tpu.vector_load %arg17[%get3A_520, %get3A_521, %get3A_522] {strides = array<i32>} : memref<9x512x16xf32, #tpu.memory_space<vmem>>, vector<16xf32>,
      %add3A_524 = arith.addf %add3A_516, %get3A_523 : vector<16xf32>
      %mul3A_525 = arith.mulf %get3A_523, %get3A_523 : vector<16xf32>
      %add3A_526 = arith.addf %add3A_518, %mul3A_525 : vector<16xf32>
      %get3A_527 = arith.constant 5 : i32
      %get3A_528 = arith.index_cast %get3A_527 : i32 to index
      %get3A_529 = arith.index_cast %add3A_488 : i32 to index
      %get3A_530 = arith.constant 0 : index
      %get3A_531 = tpu.vector_load %arg17[%get3A_528, %get3A_529, %get3A_530] {strides = array<i32>} : memref<9x512x16xf32, #tpu.memory_space<vmem>>, vector<16xf32>,
      %add3A_532 = arith.addf %add3A_524, %get3A_531 : vector<16xf32>
      %mul3A_533 = arith.mulf %get3A_531, %get3A_531 : vector<16xf32>
      %add3A_534 = arith.addf %add3A_526, %mul3A_533 : vector<16xf32>
      %get3A_535 = arith.constant 6 : i32
      %get3A_536 = arith.index_cast %get3A_535 : i32 to index
      %get3A_537 = arith.index_cast %add3A_488 : i32 to index
      %get3A_538 = arith.constant 0 : index
      %get3A_539 = tpu.vector_load %arg17[%get3A_536, %get3A_537, %get3A_538] {strides = array<i32>} : memref<9x512x16xf32, #tpu.memory_space<vmem>>, vector<16xf32>,
      %add3A_540 = arith.addf %add3A_532, %get3A_539 : vector<16xf32>
      %mul3A_541 = arith.mulf %get3A_539, %get3A_539 : vector<16xf32>
      %add3A_542 = arith.addf %add3A_534, %mul3A_541 : vector<16xf32>
      %get3A_543 = arith.constant 7 : i32
      %get3A_544 = arith.index_cast %get3A_543 : i32 to index
      %get3A_545 = arith.index_cast %add3A_488 : i32 to index
      %get3A_546 = arith.constant 0 : index
      %get3A_547 = tpu.vector_load %arg17[%get3A_544, %get3A_545, %get3A_546] {strides = array<i32>} : memref<9x512x16xf32, #tpu.memory_space<vmem>>, vector<16xf32>,
      %add3A_548 = arith.addf %add3A_540, %get3A_547 : vector<16xf32>
      %mul3A_549 = arith.mulf %get3A_547, %get3A_547 : vector<16xf32>
      %add3A_550 = arith.addf %add3A_542, %mul3A_549 : vector<16xf32>
      %get3A_551 = arith.constant 8 : i32
      %get3A_552 = arith.index_cast %get3A_551 : i32 to index
      %get3A_553 = arith.index_cast %add3A_488 : i32 to index
      %get3A_554 = arith.constant 0 : index
      %get3A_555 = tpu.vector_load %arg17[%get3A_552, %get3A_553, %get3A_554] {strides = array<i32>} : memref<9x512x16xf32, #tpu.memory_space<vmem>>, vector<16xf32>,
      %add3A_556 = arith.addf %add3A_548, %get3A_555 : vector<16xf32>
      %mul3A_557 = arith.mulf %get3A_555, %get3A_555 : vector<16xf32>
      %add3A_558 = arith.addf %add3A_550, %mul3A_557 : vector<16xf32>
      %mul3A_559 = arith.mulf %add3A_556, %add3A_556 : vector<16xf32>
      %sub3A_560 = arith.subf %mul3A_559, %add3A_558 : vector<16xf32>
      %swap3A_561 = arith.constant 2 : i32
      %swap3A_562 = arith.index_cast %swap3A_561 : i32 to index
      %swap3A_563 = arith.constant 0 : index
      %swap3A_564 = tpu.vector_load %arg32[%swap3A_562, %swap3A_563] {strides = array<i32>} : memref<16x16xf32, #tpu.memory_space<vmem>>, vector<16xf32>,
      tpu.vector_store %arg32[%swap3A_562, %swap3A_563], %sub3A_560 {strides = array<i32>} : memref<16x16xf32, #tpu.memory_space<vmem>>, vector<16xf32>,
      %add3A_565 = arith.constant 3 : i32
      %add3A_566 = arith.addi %mul3A_332, %add3A_565 : i32
      %get3A_567 = arith.constant 0 : i32
      %get3A_568 = arith.index_cast %get3A_567 : i32 to index
      %get3A_569 = arith.index_cast %add3A_566 : i32 to index
      %get3A_570 = arith.constant 0 : index
      %get3A_571 = tpu.vector_load %arg17[%get3A_568, %get3A_569, %get3A_570] {strides = array<i32>} : memref<9x512x16xf32, #tpu.memory_space<vmem>>, vector<16xf32>,
      %mul3A_572 = arith.mulf %get3A_571, %get3A_571 : vector<16xf32>
      %get3A_573 = arith.constant 1 : i32
      %get3A_574 = arith.index_cast %get3A_573 : i32 to index
      %get3A_575 = arith.index_cast %add3A_566 : i32 to index
      %get3A_576 = arith.constant 0 : index
      %get3A_577 = tpu.vector_load %arg17[%get3A_574, %get3A_575, %get3A_576] {strides = array<i32>} : memref<9x512x16xf32, #tpu.memory_space<vmem>>, vector<16xf32>,
      %add3A_578 = arith.addf %get3A_571, %get3A_577 : vector<16xf32>
      %mul3A_579 = arith.mulf %get3A_577, %get3A_577 : vector<16xf32>
      %add3A_580 = arith.addf %mul3A_572, %mul3A_579 : vector<16xf32>
      %get3A_581 = arith.constant 2 : i32
      %get3A_582 = arith.index_cast %get3A_581 : i32 to index
      %get3A_583 = arith.index_cast %add3A_566 : i32 to index
      %get3A_584 = arith.constant 0 : index
      %get3A_585 = tpu.vector_load %arg17[%get3A_582, %get3A_583, %get3A_584] {strides = array<i32>} : memref<9x512x16xf32, #tpu.memory_space<vmem>>, vector<16xf32>,
      %add3A_586 = arith.addf %add3A_578, %get3A_585 : vector<16xf32>
      %mul3A_587 = arith.mulf %get3A_585, %get3A_585 : vector<16xf32>
      %add3A_588 = arith.addf %add3A_580, %mul3A_587 : vector<16xf32>
      %get3A_589 = arith.constant 3 : i32
      %get3A_590 = arith.index_cast %get3A_589 : i32 to index
      %get3A_591 = arith.index_cast %add3A_566 : i32 to index
      %get3A_592 = arith.constant 0 : index
      %get3A_593 = tpu.vector_load %arg17[%get3A_590, %get3A_591, %get3A_592] {strides = array<i32>} : memref<9x512x16xf32, #tpu.memory_space<vmem>>, vector<16xf32>,
      %add3A_594 = arith.addf %add3A_586, %get3A_593 : vector<16xf32>
      %mul3A_595 = arith.mulf %get3A_593, %get3A_593 : vector<16xf32>
      %add3A_596 = arith.addf %add3A_588, %mul3A_595 : vector<16xf32>
      %get3A_597 = arith.constant 4 : i32
      %get3A_598 = arith.index_cast %get3A_597 : i32 to index
      %get3A_599 = arith.index_cast %add3A_566 : i32 to index
      %get3A_600 = arith.constant 0 : index
      %get3A_601 = tpu.vector_load %arg17[%get3A_598, %get3A_599, %get3A_600] {strides = array<i32>} : memref<9x512x16xf32, #tpu.memory_space<vmem>>, vector<16xf32>,
      %add3A_602 = arith.addf %add3A_594, %get3A_601 : vector<16xf32>
      %mul3A_603 = arith.mulf %get3A_601, %get3A_601 : vector<16xf32>
      %add3A_604 = arith.addf %add3A_596, %mul3A_603 : vector<16xf32>
      %get3A_605 = arith.constant 5 : i32
      %get3A_606 = arith.index_cast %get3A_605 : i32 to index
      %get3A_607 = arith.index_cast %add3A_566 : i32 to index
      %get3A_608 = arith.constant 0 : index
      %get3A_609 = tpu.vector_load %arg17[%get3A_606, %get3A_607, %get3A_608] {strides = array<i32>} : memref<9x512x16xf32, #tpu.memory_space<vmem>>, vector<16xf32>,
      %add3A_610 = arith.addf %add3A_602, %get3A_609 : vector<16xf32>
      %mul3A_611 = arith.mulf %get3A_609, %get3A_609 : vector<16xf32>
      %add3A_612 = arith.addf %add3A_604, %mul3A_611 : vector<16xf32>
      %get3A_613 = arith.constant 6 : i32
      %get3A_614 = arith.index_cast %get3A_613 : i32 to index
      %get3A_615 = arith.index_cast %add3A_566 : i32 to index
      %get3A_616 = arith.constant 0 : index
      %get3A_617 = tpu.vector_load %arg17[%get3A_614, %get3A_615, %get3A_616] {strides = array<i32>} : memref<9x512x16xf32, #tpu.memory_space<vmem>>, vector<16xf32>,
      %add3A_618 = arith.addf %add3A_610, %get3A_617 : vector<16xf32>
      %mul3A_619 = arith.mulf %get3A_617, %get3A_617 : vector<16xf32>
      %add3A_620 = arith.addf %add3A_612, %mul3A_619 : vector<16xf32>
      %get3A_621 = arith.constant 7 : i32
      %get3A_622 = arith.index_cast %get3A_621 : i32 to index
      %get3A_623 = arith.index_cast %add3A_566 : i32 to index
      %get3A_624 = arith.constant 0 : index
      %get3A_625 = tpu.vector_load %arg17[%get3A_622, %get3A_623, %get3A_624] {strides = array<i32>} : memref<9x512x16xf32, #tpu.memory_space<vmem>>, vector<16xf32>,
      %add3A_626 = arith.addf %add3A_618, %get3A_625 : vector<16xf32>
      %mul3A_627 = arith.mulf %get3A_625, %get3A_625 : vector<16xf32>
      %add3A_628 = arith.addf %add3A_620, %mul3A_627 : vector<16xf32>
      %get3A_629 = arith.constant 8 : i32
      %get3A_630 = arith.index_cast %get3A_629 : i32 to index
      %get3A_631 = arith.index_cast %add3A_566 : i32 to index
      %get3A_632 = arith.constant 0 : index
      %get3A_633 = tpu.vector_load %arg17[%get3A_630, %get3A_631, %get3A_632] {strides = array<i32>} : memref<9x512x16xf32, #tpu.memory_space<vmem>>, vector<16xf32>,
      %add3A_634 = arith.addf %add3A_626, %get3A_633 : vector<16xf32>
      %mul3A_635 = arith.mulf %get3A_633, %get3A_633 : vector<16xf32>
      %add3A_636 = arith.addf %add3A_628, %mul3A_635 : vector<16xf32>
      %mul3A_637 = arith.mulf %add3A_634, %add3A_634 : vector<16xf32>
      %sub3A_638 = arith.subf %mul3A_637, %add3A_636 : vector<16xf32>
      %swap3A_639 = arith.constant 3 : i32
      %swap3A_640 = arith.index_cast %swap3A_639 : i32 to index
      %swap3A_641 = arith.constant 0 : index
      %swap3A_642 = tpu.vector_load %arg32[%swap3A_640, %swap3A_641] {strides = array<i32>} : memref<16x16xf32, #tpu.memory_space<vmem>>, vector<16xf32>,
      tpu.vector_store %arg32[%swap3A_640, %swap3A_641], %sub3A_638 {strides = array<i32>} : memref<16x16xf32, #tpu.memory_space<vmem>>, vector<16xf32>,
      %add3A_643 = arith.constant 4 : i32
      %add3A_644 = arith.addi %mul3A_332, %add3A_643 : i32
      %get3A_645 = arith.constant 0 : i32
      %get3A_646 = arith.index_cast %get3A_645 : i32 to index
      %get3A_647 = arith.index_cast %add3A_644 : i32 to index
      %get3A_648 = arith.constant 0 : index
      %get3A_649 = tpu.vector_load %arg17[%get3A_646, %get3A_647, %get3A_648] {strides = array<i32>} : memref<9x512x16xf32, #tpu.memory_space<vmem>>, vector<16xf32>,
      %mul3A_650 = arith.mulf %get3A_649, %get3A_649 : vector<16xf32>
      %get3A_651 = arith.constant 1 : i32
      %get3A_652 = arith.index_cast %get3A_651 : i32 to index
      %get3A_653 = arith.index_cast %add3A_644 : i32 to index
      %get3A_654 = arith.constant 0 : index
      %get3A_655 = tpu.vector_load %arg17[%get3A_652, %get3A_653, %get3A_654] {strides = array<i32>} : memref<9x512x16xf32, #tpu.memory_space<vmem>>, vector<16xf32>,
      %add3A_656 = arith.addf %get3A_649, %get3A_655 : vector<16xf32>
      %mul3A_657 = arith.mulf %get3A_655, %get3A_655 : vector<16xf32>
      %add3A_658 = arith.addf %mul3A_650, %mul3A_657 : vector<16xf32>
      %get3A_659 = arith.constant 2 : i32
      %get3A_660 = arith.index_cast %get3A_659 : i32 to index
      %get3A_661 = arith.index_cast %add3A_644 : i32 to index
      %get3A_662 = arith.constant 0 : index
      %get3A_663 = tpu.vector_load %arg17[%get3A_660, %get3A_661, %get3A_662] {strides = array<i32>} : memref<9x512x16xf32, #tpu.memory_space<vmem>>, vector<16xf32>,
      %add3A_664 = arith.addf %add3A_656, %get3A_663 : vector<16xf32>
      %mul3A_665 = arith.mulf %get3A_663, %get3A_663 : vector<16xf32>
      %add3A_666 = arith.addf %add3A_658, %mul3A_665 : vector<16xf32>
      %get3A_667 = arith.constant 3 : i32
      %get3A_668 = arith.index_cast %get3A_667 : i32 to index
      %get3A_669 = arith.index_cast %add3A_644 : i32 to index
      %get3A_670 = arith.constant 0 : index
      %get3A_671 = tpu.vector_load %arg17[%get3A_668, %get3A_669, %get3A_670] {strides = array<i32>} : memref<9x512x16xf32, #tpu.memory_space<vmem>>, vector<16xf32>,
      %add3A_672 = arith.addf %add3A_664, %get3A_671 : vector<16xf32>
      %mul3A_673 = arith.mulf %get3A_671, %get3A_671 : vector<16xf32>
      %add3A_674 = arith.addf %add3A_666, %mul3A_673 : vector<16xf32>
      %get3A_675 = arith.constant 4 : i32
      %get3A_676 = arith.index_cast %get3A_675 : i32 to index
      %get3A_677 = arith.index_cast %add3A_644 : i32 to index
      %get3A_678 = arith.constant 0 : index
      %get3A_679 = tpu.vector_load %arg17[%get3A_676, %get3A_677, %get3A_678] {strides = array<i32>} : memref<9x512x16xf32, #tpu.memory_space<vmem>>, vector<16xf32>,
      %add3A_680 = arith.addf %add3A_672, %get3A_679 : vector<16xf32>
      %mul3A_681 = arith.mulf %get3A_679, %get3A_679 : vector<16xf32>
      %add3A_682 = arith.addf %add3A_674, %mul3A_681 : vector<16xf32>
      %get3A_683 = arith.constant 5 : i32
      %get3A_684 = arith.index_cast %get3A_683 : i32 to index
      %get3A_685 = arith.index_cast %add3A_644 : i32 to index
      %get3A_686 = arith.constant 0 : index
      %get3A_687 = tpu.vector_load %arg17[%get3A_684, %get3A_685, %get3A_686] {strides = array<i32>} : memref<9x512x16xf32, #tpu.memory_space<vmem>>, vector<16xf32>,
      %add3A_688 = arith.addf %add3A_680, %get3A_687 : vector<16xf32>
      %mul3A_689 = arith.mulf %get3A_687, %get3A_687 : vector<16xf32>
      %add3A_690 = arith.addf %add3A_682, %mul3A_689 : vector<16xf32>
      %get3A_691 = arith.constant 6 : i32
      %get3A_692 = arith.index_cast %get3A_691 : i32 to index
      %get3A_693 = arith.index_cast %add3A_644 : i32 to index
      %get3A_694 = arith.constant 0 : index
      %get3A_695 = tpu.vector_load %arg17[%get3A_692, %get3A_693, %get3A_694] {strides = array<i32>} : memref<9x512x16xf32, #tpu.memory_space<vmem>>, vector<16xf32>,
      %add3A_696 = arith.addf %add3A_688, %get3A_695 : vector<16xf32>
      %mul3A_697 = arith.mulf %get3A_695, %get3A_695 : vector<16xf32>
      %add3A_698 = arith.addf %add3A_690, %mul3A_697 : vector<16xf32>
      %get3A_699 = arith.constant 7 : i32
      %get3A_700 = arith.index_cast %get3A_699 : i32 to index
      %get3A_701 = arith.index_cast %add3A_644 : i32 to index
      %get3A_702 = arith.constant 0 : index
      %get3A_703 = tpu.vector_load %arg17[%get3A_700, %get3A_701, %get3A_702] {strides = array<i32>} : memref<9x512x16xf32, #tpu.memory_space<vmem>>, vector<16xf32>,
      %add3A_704 = arith.addf %add3A_696, %get3A_703 : vector<16xf32>
      %mul3A_705 = arith.mulf %get3A_703, %get3A_703 : vector<16xf32>
      %add3A_706 = arith.addf %add3A_698, %mul3A_705 : vector<16xf32>
      %get3A_707 = arith.constant 8 : i32
      %get3A_708 = arith.index_cast %get3A_707 : i32 to index
      %get3A_709 = arith.index_cast %add3A_644 : i32 to index
      %get3A_710 = arith.constant 0 : index
      %get3A_711 = tpu.vector_load %arg17[%get3A_708, %get3A_709, %get3A_710] {strides = array<i32>} : memref<9x512x16xf32, #tpu.memory_space<vmem>>, vector<16xf32>,
      %add3A_712 = arith.addf %add3A_704, %get3A_711 : vector<16xf32>
      %mul3A_713 = arith.mulf %get3A_711, %get3A_711 : vector<16xf32>
      %add3A_714 = arith.addf %add3A_706, %mul3A_713 : vector<16xf32>
      %mul3A_715 = arith.mulf %add3A_712, %add3A_712 : vector<16xf32>
      %sub3A_716 = arith.subf %mul3A_715, %add3A_714 : vector<16xf32>
      %swap3A_717 = arith.constant 4 : i32
      %swap3A_718 = arith.index_cast %swap3A_717 : i32 to index
      %swap3A_719 = arith.constant 0 : index
      %swap3A_720 = tpu.vector_load %arg32[%swap3A_718, %swap3A_719] {strides = array<i32>} : memref<16x16xf32, #tpu.memory_space<vmem>>, vector<16xf32>,
      tpu.vector_store %arg32[%swap3A_718, %swap3A_719], %sub3A_716 {strides = array<i32>} : memref<16x16xf32, #tpu.memory_space<vmem>>, vector<16xf32>,
      %add3A_721 = arith.constant 5 : i32
      %add3A_722 = arith.addi %mul3A_332, %add3A_721 : i32
      %get3A_723 = arith.constant 0 : i32
      %get3A_724 = arith.index_cast %get3A_723 : i32 to index
      %get3A_725 = arith.index_cast %add3A_722 : i32 to index
      %get3A_726 = arith.constant 0 : index
      %get3A_727 = tpu.vector_load %arg17[%get3A_724, %get3A_725, %get3A_726] {strides = array<i32>} : memref<9x512x16xf32, #tpu.memory_space<vmem>>, vector<16xf32>,
      %mul3A_728 = arith.mulf %get3A_727, %get3A_727 : vector<16xf32>
      %get3A_729 = arith.constant 1 : i32
      %get3A_730 = arith.index_cast %get3A_729 : i32 to index
      %get3A_731 = arith.index_cast %add3A_722 : i32 to index
      %get3A_732 = arith.constant 0 : index
      %get3A_733 = tpu.vector_load %arg17[%get3A_730, %get3A_731, %get3A_732] {strides = array<i32>} : memref<9x512x16xf32, #tpu.memory_space<vmem>>, vector<16xf32>,
      %add3A_734 = arith.addf %get3A_727, %get3A_733 : vector<16xf32>
      %mul3A_735 = arith.mulf %get3A_733, %get3A_733 : vector<16xf32>
      %add3A_736 = arith.addf %mul3A_728, %mul3A_735 : vector<16xf32>
      %get3A_737 = arith.constant 2 : i32
      %get3A_738 = arith.index_cast %get3A_737 : i32 to index
      %get3A_739 = arith.index_cast %add3A_722 : i32 to index
      %get3A_740 = arith.constant 0 : index
      %get3A_741 = tpu.vector_load %arg17[%get3A_738, %get3A_739, %get3A_740] {strides = array<i32>} : memref<9x512x16xf32, #tpu.memory_space<vmem>>, vector<16xf32>,
      %add3A_742 = arith.addf %add3A_734, %get3A_741 : vector<16xf32>
      %mul3A_743 = arith.mulf %get3A_741, %get3A_741 : vector<16xf32>
      %add3A_744 = arith.addf %add3A_736, %mul3A_743 : vector<16xf32>
      %get3A_745 = arith.constant 3 : i32
      %get3A_746 = arith.index_cast %get3A_745 : i32 to index
      %get3A_747 = arith.index_cast %add3A_722 : i32 to index
      %get3A_748 = arith.constant 0 : index
      %get3A_749 = tpu.vector_load %arg17[%get3A_746, %get3A_747, %get3A_748] {strides = array<i32>} : memref<9x512x16xf32, #tpu.memory_space<vmem>>, vector<16xf32>,
      %add3A_750 = arith.addf %add3A_742, %get3A_749 : vector<16xf32>
      %mul3A_751 = arith.mulf %get3A_749, %get3A_749 : vector<16xf32>
      %add3A_752 = arith.addf %add3A_744, %mul3A_751 : vector<16xf32>
      %get3A_753 = arith.constant 4 : i32
      %get3A_754 = arith.index_cast %get3A_753 : i32 to index
      %get3A_755 = arith.index_cast %add3A_722 : i32 to index
      %get3A_756 = arith.constant 0 : index
      %get3A_757 = tpu.vector_load %arg17[%get3A_754, %get3A_755, %get3A_756] {strides = array<i32>} : memref<9x512x16xf32, #tpu.memory_space<vmem>>, vector<16xf32>,
      %add3A_758 = arith.addf %add3A_750, %get3A_757 : vector<16xf32>
      %mul3A_759 = arith.mulf %get3A_757, %get3A_757 : vector<16xf32>
      %add3A_760 = arith.addf %add3A_752, %mul3A_759 : vector<16xf32>
      %get3A_761 = arith.constant 5 : i32
      %get3A_762 = arith.index_cast %get3A_761 : i32 to index
      %get3A_763 = arith.index_cast %add3A_722 : i32 to index
      %get3A_764 = arith.constant 0 : index
      %get3A_765 = tpu.vector_load %arg17[%get3A_762, %get3A_763, %get3A_764] {strides = array<i32>} : memref<9x512x16xf32, #tpu.memory_space<vmem>>, vector<16xf32>,
      %add3A_766 = arith.addf %add3A_758, %get3A_765 : vector<16xf32>
      %mul3A_767 = arith.mulf %get3A_765, %get3A_765 : vector<16xf32>
      %add3A_768 = arith.addf %add3A_760, %mul3A_767 : vector<16xf32>
      %get3A_769 = arith.constant 6 : i32
      %get3A_770 = arith.index_cast %get3A_769 : i32 to index
      %get3A_771 = arith.index_cast %add3A_722 : i32 to index
      %get3A_772 = arith.constant 0 : index
      %get3A_773 = tpu.vector_load %arg17[%get3A_770, %get3A_771, %get3A_772] {strides = array<i32>} : memref<9x512x16xf32, #tpu.memory_space<vmem>>, vector<16xf32>,
      %add3A_774 = arith.addf %add3A_766, %get3A_773 : vector<16xf32>
      %mul3A_775 = arith.mulf %get3A_773, %get3A_773 : vector<16xf32>
      %add3A_776 = arith.addf %add3A_768, %mul3A_775 : vector<16xf32>
      %get3A_777 = arith.constant 7 : i32
      %get3A_778 = arith.index_cast %get3A_777 : i32 to index
      %get3A_779 = arith.index_cast %add3A_722 : i32 to index
      %get3A_780 = arith.constant 0 : index
      %get3A_781 = tpu.vector_load %arg17[%get3A_778, %get3A_779, %get3A_780] {strides = array<i32>} : memref<9x512x16xf32, #tpu.memory_space<vmem>>, vector<16xf32>,
      %add3A_782 = arith.addf %add3A_774, %get3A_781 : vector<16xf32>
      %mul3A_783 = arith.mulf %get3A_781, %get3A_781 : vector<16xf32>
      %add3A_784 = arith.addf %add3A_776, %mul3A_783 : vector<16xf32>
      %get3A_785 = arith.constant 8 : i32
      %get3A_786 = arith.index_cast %get3A_785 : i32 to index
      %get3A_787 = arith.index_cast %add3A_722 : i32 to index
      %get3A_788 = arith.constant 0 : index
      %get3A_789 = tpu.vector_load %arg17[%get3A_786, %get3A_787, %get3A_788] {strides = array<i32>} : memref<9x512x16xf32, #tpu.memory_space<vmem>>, vector<16xf32>,
      %add3A_790 = arith.addf %add3A_782, %get3A_789 : vector<16xf32>
      %mul3A_791 = arith.mulf %get3A_789, %get3A_789 : vector<16xf32>
      %add3A_792 = arith.addf %add3A_784, %mul3A_791 : vector<16xf32>
      %mul3A_793 = arith.mulf %add3A_790, %add3A_790 : vector<16xf32>
      %sub3A_794 = arith.subf %mul3A_793, %add3A_792 : vector<16xf32>
      %swap3A_795 = arith.constant 5 : i32
      %swap3A_796 = arith.index_cast %swap3A_795 : i32 to index
      %swap3A_797 = arith.constant 0 : index
      %swap3A_798 = tpu.vector_load %arg32[%swap3A_796, %swap3A_797] {strides = array<i32>} : memref<16x16xf32, #tpu.memory_space<vmem>>, vector<16xf32>,
      tpu.vector_store %arg32[%swap3A_796, %swap3A_797], %sub3A_794 {strides = array<i32>} : memref<16x16xf32, #tpu.memory_space<vmem>>, vector<16xf32>,
      %add3A_799 = arith.constant 6 : i32
      %add3A_800 = arith.addi %mul3A_332, %add3A_799 : i32
      %get3A_801 = arith.constant 0 : i32
      %get3A_802 = arith.index_cast %get3A_801 : i32 to index
      %get3A_803 = arith.index_cast %add3A_800 : i32 to index
      %get3A_804 = arith.constant 0 : index
      %get3A_805 = tpu.vector_load %arg17[%get3A_802, %get3A_803, %get3A_804] {strides = array<i32>} : memref<9x512x16xf32, #tpu.memory_space<vmem>>, vector<16xf32>,
      %mul3A_806 = arith.mulf %get3A_805, %get3A_805 : vector<16xf32>
      %get3A_807 = arith.constant 1 : i32
      %get3A_808 = arith.index_cast %get3A_807 : i32 to index
      %get3A_809 = arith.index_cast %add3A_800 : i32 to index
      %get3A_810 = arith.constant 0 : index
      %get3A_811 = tpu.vector_load %arg17[%get3A_808, %get3A_809, %get3A_810] {strides = array<i32>} : memref<9x512x16xf32, #tpu.memory_space<vmem>>, vector<16xf32>,
      %add3A_812 = arith.addf %get3A_805, %get3A_811 : vector<16xf32>
      %mul3A_813 = arith.mulf %get3A_811, %get3A_811 : vector<16xf32>
      %add3A_814 = arith.addf %mul3A_806, %mul3A_813 : vector<16xf32>
      %get3A_815 = arith.constant 2 : i32
      %get3A_816 = arith.index_cast %get3A_815 : i32 to index
      %get3A_817 = arith.index_cast %add3A_800 : i32 to index
      %get3A_818 = arith.constant 0 : index
      %get3A_819 = tpu.vector_load %arg17[%get3A_816, %get3A_817, %get3A_818] {strides = array<i32>} : memref<9x512x16xf32, #tpu.memory_space<vmem>>, vector<16xf32>,
      %add3A_820 = arith.addf %add3A_812, %get3A_819 : vector<16xf32>
      %mul3A_821 = arith.mulf %get3A_819, %get3A_819 : vector<16xf32>
      %add3A_822 = arith.addf %add3A_814, %mul3A_821 : vector<16xf32>
      %get3A_823 = arith.constant 3 : i32
      %get3A_824 = arith.index_cast %get3A_823 : i32 to index
      %get3A_825 = arith.index_cast %add3A_800 : i32 to index
      %get3A_826 = arith.constant 0 : index
      %get3A_827 = tpu.vector_load %arg17[%get3A_824, %get3A_825, %get3A_826] {strides = array<i32>} : memref<9x512x16xf32, #tpu.memory_space<vmem>>, vector<16xf32>,
      %add3A_828 = arith.addf %add3A_820, %get3A_827 : vector<16xf32>
      %mul3A_829 = arith.mulf %get3A_827, %get3A_827 : vector<16xf32>
      %add3A_830 = arith.addf %add3A_822, %mul3A_829 : vector<16xf32>
      %get3A_831 = arith.constant 4 : i32
      %get3A_832 = arith.index_cast %get3A_831 : i32 to index
      %get3A_833 = arith.index_cast %add3A_800 : i32 to index
      %get3A_834 = arith.constant 0 : index
      %get3A_835 = tpu.vector_load %arg17[%get3A_832, %get3A_833, %get3A_834] {strides = array<i32>} : memref<9x512x16xf32, #tpu.memory_space<vmem>>, vector<16xf32>,
      %add3A_836 = arith.addf %add3A_828, %get3A_835 : vector<16xf32>
      %mul3A_837 = arith.mulf %get3A_835, %get3A_835 : vector<16xf32>
      %add3A_838 = arith.addf %add3A_830, %mul3A_837 : vector<16xf32>
      %get3A_839 = arith.constant 5 : i32
      %get3A_840 = arith.index_cast %get3A_839 : i32 to index
      %get3A_841 = arith.index_cast %add3A_800 : i32 to index
      %get3A_842 = arith.constant 0 : index
      %get3A_843 = tpu.vector_load %arg17[%get3A_840, %get3A_841, %get3A_842] {strides = array<i32>} : memref<9x512x16xf32, #tpu.memory_space<vmem>>, vector<16xf32>,
      %add3A_844 = arith.addf %add3A_836, %get3A_843 : vector<16xf32>
      %mul3A_845 = arith.mulf %get3A_843, %get3A_843 : vector<16xf32>
      %add3A_846 = arith.addf %add3A_838, %mul3A_845 : vector<16xf32>
      %get3A_847 = arith.constant 6 : i32
      %get3A_848 = arith.index_cast %get3A_847 : i32 to index
      %get3A_849 = arith.index_cast %add3A_800 : i32 to index
      %get3A_850 = arith.constant 0 : index
      %get3A_851 = tpu.vector_load %arg17[%get3A_848, %get3A_849, %get3A_850] {strides = array<i32>} : memref<9x512x16xf32, #tpu.memory_space<vmem>>, vector<16xf32>,
      %add3A_852 = arith.addf %add3A_844, %get3A_851 : vector<16xf32>
      %mul3A_853 = arith.mulf %get3A_851, %get3A_851 : vector<16xf32>
      %add3A_854 = arith.addf %add3A_846, %mul3A_853 : vector<16xf32>
      %get3A_855 = arith.constant 7 : i32
      %get3A_856 = arith.index_cast %get3A_855 : i32 to index
      %get3A_857 = arith.index_cast %add3A_800 : i32 to index
      %get3A_858 = arith.constant 0 : index
      %get3A_859 = tpu.vector_load %arg17[%get3A_856, %get3A_857, %get3A_858] {strides = array<i32>} : memref<9x512x16xf32, #tpu.memory_space<vmem>>, vector<16xf32>,
      %add3A_860 = arith.addf %add3A_852, %get3A_859 : vector<16xf32>
      %mul3A_861 = arith.mulf %get3A_859, %get3A_859 : vector<16xf32>
      %add3A_862 = arith.addf %add3A_854, %mul3A_861 : vector<16xf32>
      %get3A_863 = arith.constant 8 : i32
      %get3A_864 = arith.index_cast %get3A_863 : i32 to index
      %get3A_865 = arith.index_cast %add3A_800 : i32 to index
      %get3A_866 = arith.constant 0 : index
      %get3A_867 = tpu.vector_load %arg17[%get3A_864, %get3A_865, %get3A_866] {strides = array<i32>} : memref<9x512x16xf32, #tpu.memory_space<vmem>>, vector<16xf32>,
      %add3A_868 = arith.addf %add3A_860, %get3A_867 : vector<16xf32>
      %mul3A_869 = arith.mulf %get3A_867, %get3A_867 : vector<16xf32>
      %add3A_870 = arith.addf %add3A_862, %mul3A_869 : vector<16xf32>
      %mul3A_871 = arith.mulf %add3A_868, %add3A_868 : vector<16xf32>
      %sub3A_872 = arith.subf %mul3A_871, %add3A_870 : vector<16xf32>
      %swap3A_873 = arith.constant 6 : i32
      %swap3A_874 = arith.index_cast %swap3A_873 : i32 to index
      %swap3A_875 = arith.constant 0 : index
      %swap3A_876 = tpu.vector_load %arg32[%swap3A_874, %swap3A_875] {strides = array<i32>} : memref<16x16xf32, #tpu.memory_space<vmem>>, vector<16xf32>,
      tpu.vector_store %arg32[%swap3A_874, %swap3A_875], %sub3A_872 {strides = array<i32>} : memref<16x16xf32, #tpu.memory_space<vmem>>, vector<16xf32>,
      %add3A_877 = arith.constant 7 : i32
      %add3A_878 = arith.addi %mul3A_332, %add3A_877 : i32
      %get3A_879 = arith.constant 0 : i32
      %get3A_880 = arith.index_cast %get3A_879 : i32 to index
      %get3A_881 = arith.index_cast %add3A_878 : i32 to index
      %get3A_882 = arith.constant 0 : index
      %get3A_883 = tpu.vector_load %arg17[%get3A_880, %get3A_881, %get3A_882] {strides = array<i32>} : memref<9x512x16xf32, #tpu.memory_space<vmem>>, vector<16xf32>,
      %mul3A_884 = arith.mulf %get3A_883, %get3A_883 : vector<16xf32>
      %get3A_885 = arith.constant 1 : i32
      %get3A_886 = arith.index_cast %get3A_885 : i32 to index
      %get3A_887 = arith.index_cast %add3A_878 : i32 to index
      %get3A_888 = arith.constant 0 : index
      %get3A_889 = tpu.vector_load %arg17[%get3A_886, %get3A_887, %get3A_888] {strides = array<i32>} : memref<9x512x16xf32, #tpu.memory_space<vmem>>, vector<16xf32>,
      %add3A_890 = arith.addf %get3A_883, %get3A_889 : vector<16xf32>
      %mul3A_891 = arith.mulf %get3A_889, %get3A_889 : vector<16xf32>
      %add3A_892 = arith.addf %mul3A_884, %mul3A_891 : vector<16xf32>
      %get3A_893 = arith.constant 2 : i32
      %get3A_894 = arith.index_cast %get3A_893 : i32 to index
      %get3A_895 = arith.index_cast %add3A_878 : i32 to index
      %get3A_896 = arith.constant 0 : index
      %get3A_897 = tpu.vector_load %arg17[%get3A_894, %get3A_895, %get3A_896] {strides = array<i32>} : memref<9x512x16xf32, #tpu.memory_space<vmem>>, vector<16xf32>,
      %add3A_898 = arith.addf %add3A_890, %get3A_897 : vector<16xf32>
      %mul3A_899 = arith.mulf %get3A_897, %get3A_897 : vector<16xf32>
      %add3A_900 = arith.addf %add3A_892, %mul3A_899 : vector<16xf32>
      %get3A_901 = arith.constant 3 : i32
      %get3A_902 = arith.index_cast %get3A_901 : i32 to index
      %get3A_903 = arith.index_cast %add3A_878 : i32 to index
      %get3A_904 = arith.constant 0 : index
      %get3A_905 = tpu.vector_load %arg17[%get3A_902, %get3A_903, %get3A_904] {strides = array<i32>} : memref<9x512x16xf32, #tpu.memory_space<vmem>>, vector<16xf32>,
      %add3A_906 = arith.addf %add3A_898, %get3A_905 : vector<16xf32>
      %mul3A_907 = arith.mulf %get3A_905, %get3A_905 : vector<16xf32>
      %add3A_908 = arith.addf %add3A_900, %mul3A_907 : vector<16xf32>
      %get3A_909 = arith.constant 4 : i32
      %get3A_910 = arith.index_cast %get3A_909 : i32 to index
      %get3A_911 = arith.index_cast %add3A_878 : i32 to index
      %get3A_912 = arith.constant 0 : index
      %get3A_913 = tpu.vector_load %arg17[%get3A_910, %get3A_911, %get3A_912] {strides = array<i32>} : memref<9x512x16xf32, #tpu.memory_space<vmem>>, vector<16xf32>,
      %add3A_914 = arith.addf %add3A_906, %get3A_913 : vector<16xf32>
      %mul3A_915 = arith.mulf %get3A_913, %get3A_913 : vector<16xf32>
      %add3A_916 = arith.addf %add3A_908, %mul3A_915 : vector<16xf32>
      %get3A_917 = arith.constant 5 : i32
      %get3A_918 = arith.index_cast %get3A_917 : i32 to index
      %get3A_919 = arith.index_cast %add3A_878 : i32 to index
      %get3A_920 = arith.constant 0 : index
      %get3A_921 = tpu.vector_load %arg17[%get3A_918, %get3A_919, %get3A_920] {strides = array<i32>} : memref<9x512x16xf32, #tpu.memory_space<vmem>>, vector<16xf32>,
      %add3A_922 = arith.addf %add3A_914, %get3A_921 : vector<16xf32>
      %mul3A_923 = arith.mulf %get3A_921, %get3A_921 : vector<16xf32>
      %add3A_924 = arith.addf %add3A_916, %mul3A_923 : vector<16xf32>
      %get3A_925 = arith.constant 6 : i32
      %get3A_926 = arith.index_cast %get3A_925 : i32 to index
      %get3A_927 = arith.index_cast %add3A_878 : i32 to index
      %get3A_928 = arith.constant 0 : index
      %get3A_929 = tpu.vector_load %arg17[%get3A_926, %get3A_927, %get3A_928] {strides = array<i32>} : memref<9x512x16xf32, #tpu.memory_space<vmem>>, vector<16xf32>,
      %add3A_930 = arith.addf %add3A_922, %get3A_929 : vector<16xf32>
      %mul3A_931 = arith.mulf %get3A_929, %get3A_929 : vector<16xf32>
      %add3A_932 = arith.addf %add3A_924, %mul3A_931 : vector<16xf32>
      %get3A_933 = arith.constant 7 : i32
      %get3A_934 = arith.index_cast %get3A_933 : i32 to index
      %get3A_935 = arith.index_cast %add3A_878 : i32 to index
      %get3A_936 = arith.constant 0 : index
      %get3A_937 = tpu.vector_load %arg17[%get3A_934, %get3A_935, %get3A_936] {strides = array<i32>} : memref<9x512x16xf32, #tpu.memory_space<vmem>>, vector<16xf32>,
      %add3A_938 = arith.addf %add3A_930, %get3A_937 : vector<16xf32>
      %mul3A_939 = arith.mulf %get3A_937, %get3A_937 : vector<16xf32>
      %add3A_940 = arith.addf %add3A_932, %mul3A_939 : vector<16xf32>
      %get3A_941 = arith.constant 8 : i32
      %get3A_942 = arith.index_cast %get3A_941 : i32 to index
      %get3A_943 = arith.index_cast %add3A_878 : i32 to index
      %get3A_944 = arith.constant 0 : index
      %get3A_945 = tpu.vector_load %arg17[%get3A_942, %get3A_943, %get3A_944] {strides = array<i32>} : memref<9x512x16xf32, #tpu.memory_space<vmem>>, vector<16xf32>,
      %add3A_946 = arith.addf %add3A_938, %get3A_945 : vector<16xf32>
      %mul3A_947 = arith.mulf %get3A_945, %get3A_945 : vector<16xf32>
      %add3A_948 = arith.addf %add3A_940, %mul3A_947 : vector<16xf32>
      %mul3A_949 = arith.mulf %add3A_946, %add3A_946 : vector<16xf32>
      %sub3A_950 = arith.subf %mul3A_949, %add3A_948 : vector<16xf32>
      %swap3A_951 = arith.constant 7 : i32
      %swap3A_952 = arith.index_cast %swap3A_951 : i32 to index
      %swap3A_953 = arith.constant 0 : index
      %swap3A_954 = tpu.vector_load %arg32[%swap3A_952, %swap3A_953] {strides = array<i32>} : memref<16x16xf32, #tpu.memory_space<vmem>>, vector<16xf32>,
      tpu.vector_store %arg32[%swap3A_952, %swap3A_953], %sub3A_950 {strides = array<i32>} : memref<16x16xf32, #tpu.memory_space<vmem>>, vector<16xf32>,
      %add3A_955 = arith.constant 8 : i32
      %add3A_956 = arith.addi %mul3A_332, %add3A_955 : i32
      %get3A_957 = arith.constant 0 : i32
      %get3A_958 = arith.index_cast %get3A_957 : i32 to index
      %get3A_959 = arith.index_cast %add3A_956 : i32 to index
      %get3A_960 = arith.constant 0 : index
      %get3A_961 = tpu.vector_load %arg17[%get3A_958, %get3A_959, %get3A_960] {strides = array<i32>} : memref<9x512x16xf32, #tpu.memory_space<vmem>>, vector<16xf32>,
      %mul3A_962 = arith.mulf %get3A_961, %get3A_961 : vector<16xf32>
      %get3A_963 = arith.constant 1 : i32
      %get3A_964 = arith.index_cast %get3A_963 : i32 to index
      %get3A_965 = arith.index_cast %add3A_956 : i32 to index
      %get3A_966 = arith.constant 0 : index
      %get3A_967 = tpu.vector_load %arg17[%get3A_964, %get3A_965, %get3A_966] {strides = array<i32>} : memref<9x512x16xf32, #tpu.memory_space<vmem>>, vector<16xf32>,
      %add3A_968 = arith.addf %get3A_961, %get3A_967 : vector<16xf32>
      %mul3A_969 = arith.mulf %get3A_967, %get3A_967 : vector<16xf32>
      %add3A_970 = arith.addf %mul3A_962, %mul3A_969 : vector<16xf32>
      %get3A_971 = arith.constant 2 : i32
      %get3A_972 = arith.index_cast %get3A_971 : i32 to index
      %get3A_973 = arith.index_cast %add3A_956 : i32 to index
      %get3A_974 = arith.constant 0 : index
      %get3A_975 = tpu.vector_load %arg17[%get3A_972, %get3A_973, %get3A_974] {strides = array<i32>} : memref<9x512x16xf32, #tpu.memory_space<vmem>>, vector<16xf32>,
      %add3A_976 = arith.addf %add3A_968, %get3A_975 : vector<16xf32>
      %mul3A_977 = arith.mulf %get3A_975, %get3A_975 : vector<16xf32>
      %add3A_978 = arith.addf %add3A_970, %mul3A_977 : vector<16xf32>
      %get3A_979 = arith.constant 3 : i32
      %get3A_980 = arith.index_cast %get3A_979 : i32 to index
      %get3A_981 = arith.index_cast %add3A_956 : i32 to index
      %get3A_982 = arith.constant 0 : index
      %get3A_983 = tpu.vector_load %arg17[%get3A_980, %get3A_981, %get3A_982] {strides = array<i32>} : memref<9x512x16xf32, #tpu.memory_space<vmem>>, vector<16xf32>,
      %add3A_984 = arith.addf %add3A_976, %get3A_983 : vector<16xf32>
      %mul3A_985 = arith.mulf %get3A_983, %get3A_983 : vector<16xf32>
      %add3A_986 = arith.addf %add3A_978, %mul3A_985 : vector<16xf32>
      %get3A_987 = arith.constant 4 : i32
      %get3A_988 = arith.index_cast %get3A_987 : i32 to index
      %get3A_989 = arith.index_cast %add3A_956 : i32 to index
      %get3A_990 = arith.constant 0 : index
      %get3A_991 = tpu.vector_load %arg17[%get3A_988, %get3A_989, %get3A_990] {strides = array<i32>} : memref<9x512x16xf32, #tpu.memory_space<vmem>>, vector<16xf32>,
      %add3A_992 = arith.addf %add3A_984, %get3A_991 : vector<16xf32>
      %mul3A_993 = arith.mulf %get3A_991, %get3A_991 : vector<16xf32>
      %add3A_994 = arith.addf %add3A_986, %mul3A_993 : vector<16xf32>
      %get3A_995 = arith.constant 5 : i32
      %get3A_996 = arith.index_cast %get3A_995 : i32 to index
      %get3A_997 = arith.index_cast %add3A_956 : i32 to index
      %get3A_998 = arith.constant 0 : index
      %get3A_999 = tpu.vector_load %arg17[%get3A_996, %get3A_997, %get3A_998] {strides = array<i32>} : memref<9x512x16xf32, #tpu.memory_space<vmem>>, vector<16xf32>,
      %add3A_1000 = arith.addf %add3A_992, %get3A_999 : vector<16xf32>
      %mul3A_1001 = arith.mulf %get3A_999, %get3A_999 : vector<16xf32>
      %add3A_1002 = arith.addf %add3A_994, %mul3A_1001 : vector<16xf32>
      %get3A_1003 = arith.constant 6 : i32
      %get3A_1004 = arith.index_cast %get3A_1003 : i32 to index
      %get3A_1005 = arith.index_cast %add3A_956 : i32 to index
      %get3A_1006 = arith.constant 0 : index
      %get3A_1007 = tpu.vector_load %arg17[%get3A_1004, %get3A_1005, %get3A_1006] {strides = array<i32>} : memref<9x512x16xf32, #tpu.memory_space<vmem>>, vector<16xf32>,
      %add3A_1008 = arith.addf %add3A_1000, %get3A_1007 : vector<16xf32>
      %mul3A_1009 = arith.mulf %get3A_1007, %get3A_1007 : vector<16xf32>
      %add3A_1010 = arith.addf %add3A_1002, %mul3A_1009 : vector<16xf32>
      %get3A_1011 = arith.constant 7 : i32
      %get3A_1012 = arith.index_cast %get3A_1011 : i32 to index
      %get3A_1013 = arith.index_cast %add3A_956 : i32 to index
      %get3A_1014 = arith.constant 0 : index
      %get3A_1015 = tpu.vector_load %arg17[%get3A_1012, %get3A_1013, %get3A_1014] {strides = array<i32>} : memref<9x512x16xf32, #tpu.memory_space<vmem>>, vector<16xf32>,
      %add3A_1016 = arith.addf %add3A_1008, %get3A_1015 : vector<16xf32>
      %mul3A_1017 = arith.mulf %get3A_1015, %get3A_1015 : vector<16xf32>
      %add3A_1018 = arith.addf %add3A_1010, %mul3A_1017 : vector<16xf32>
      %get3A_1019 = arith.constant 8 : i32
      %get3A_1020 = arith.index_cast %get3A_1019 : i32 to index
      %get3A_1021 = arith.index_cast %add3A_956 : i32 to index
      %get3A_1022 = arith.constant 0 : index
      %get3A_1023 = tpu.vector_load %arg17[%get3A_1020, %get3A_1021, %get3A_1022] {strides = array<i32>} : memref<9x512x16xf32, #tpu.memory_space<vmem>>, vector<16xf32>,
      %add3A_1024 = arith.addf %add3A_1016, %get3A_1023 : vector<16xf32>
      %mul3A_1025 = arith.mulf %get3A_1023, %get3A_1023 : vector<16xf32>
      %add3A_1026 = arith.addf %add3A_1018, %mul3A_1025 : vector<16xf32>
      %mul3A_1027 = arith.mulf %add3A_1024, %add3A_1024 : vector<16xf32>
      %sub3A_1028 = arith.subf %mul3A_1027, %add3A_1026 : vector<16xf32>
      %swap3A_1029 = arith.constant 8 : i32
      %swap3A_1030 = arith.index_cast %swap3A_1029 : i32 to index
      %swap3A_1031 = arith.constant 0 : index
      %swap3A_1032 = tpu.vector_load %arg32[%swap3A_1030, %swap3A_1031] {strides = array<i32>} : memref<16x16xf32, #tpu.memory_space<vmem>>, vector<16xf32>,
      tpu.vector_store %arg32[%swap3A_1030, %swap3A_1031], %sub3A_1028 {strides = array<i32>} : memref<16x16xf32, #tpu.memory_space<vmem>>, vector<16xf32>,
      %add3A_1033 = arith.constant 9 : i32
      %add3A_1034 = arith.addi %mul3A_332, %add3A_1033 : i32
      %get3A_1035 = arith.constant 0 : i32
      %get3A_1036 = arith.index_cast %get3A_1035 : i32 to index
      %get3A_1037 = arith.index_cast %add3A_1034 : i32 to index
      %get3A_1038 = arith.constant 0 : index
      %get3A_1039 = tpu.vector_load %arg17[%get3A_1036, %get3A_1037, %get3A_1038] {strides = array<i32>} : memref<9x512x16xf32, #tpu.memory_space<vmem>>, vector<16xf32>,
      %mul3A_1040 = arith.mulf %get3A_1039, %get3A_1039 : vector<16xf32>
      %get3A_1041 = arith.constant 1 : i32
      %get3A_1042 = arith.index_cast %get3A_1041 : i32 to index
      %get3A_1043 = arith.index_cast %add3A_1034 : i32 to index
      %get3A_1044 = arith.constant 0 : index
      %get3A_1045 = tpu.vector_load %arg17[%get3A_1042, %get3A_1043, %get3A_1044] {strides = array<i32>} : memref<9x512x16xf32, #tpu.memory_space<vmem>>, vector<16xf32>,
      %add3A_1046 = arith.addf %get3A_1039, %get3A_1045 : vector<16xf32>
      %mul3A_1047 = arith.mulf %get3A_1045, %get3A_1045 : vector<16xf32>
      %add3A_1048 = arith.addf %mul3A_1040, %mul3A_1047 : vector<16xf32>
      %get3A_1049 = arith.constant 2 : i32
      %get3A_1050 = arith.index_cast %get3A_1049 : i32 to index
      %get3A_1051 = arith.index_cast %add3A_1034 : i32 to index
      %get3A_1052 = arith.constant 0 : index
      %get3A_1053 = tpu.vector_load %arg17[%get3A_1050, %get3A_1051, %get3A_1052] {strides = array<i32>} : memref<9x512x16xf32, #tpu.memory_space<vmem>>, vector<16xf32>,
      %add3A_1054 = arith.addf %add3A_1046, %get3A_1053 : vector<16xf32>
      %mul3A_1055 = arith.mulf %get3A_1053, %get3A_1053 : vector<16xf32>
      %add3A_1056 = arith.addf %add3A_1048, %mul3A_1055 : vector<16xf32>
      %get3A_1057 = arith.constant 3 : i32
      %get3A_1058 = arith.index_cast %get3A_1057 : i32 to index
      %get3A_1059 = arith.index_cast %add3A_1034 : i32 to index
      %get3A_1060 = arith.constant 0 : index
      %get3A_1061 = tpu.vector_load %arg17[%get3A_1058, %get3A_1059, %get3A_1060] {strides = array<i32>} : memref<9x512x16xf32, #tpu.memory_space<vmem>>, vector<16xf32>,
      %add3A_1062 = arith.addf %add3A_1054, %get3A_1061 : vector<16xf32>
      %mul3A_1063 = arith.mulf %get3A_1061, %get3A_1061 : vector<16xf32>
      %add3A_1064 = arith.addf %add3A_1056, %mul3A_1063 : vector<16xf32>
      %get3A_1065 = arith.constant 4 : i32
      %get3A_1066 = arith.index_cast %get3A_1065 : i32 to index
      %get3A_1067 = arith.index_cast %add3A_1034 : i32 to index
      %get3A_1068 = arith.constant 0 : index
      %get3A_1069 = tpu.vector_load %arg17[%get3A_1066, %get3A_1067, %get3A_1068] {strides = array<i32>} : memref<9x512x16xf32, #tpu.memory_space<vmem>>, vector<16xf32>,
      %add3A_1070 = arith.addf %add3A_1062, %get3A_1069 : vector<16xf32>
      %mul3A_1071 = arith.mulf %get3A_1069, %get3A_1069 : vector<16xf32>
      %add3A_1072 = arith.addf %add3A_1064, %mul3A_1071 : vector<16xf32>
      %get3A_1073 = arith.constant 5 : i32
      %get3A_1074 = arith.index_cast %get3A_1073 : i32 to index
      %get3A_1075 = arith.index_cast %add3A_1034 : i32 to index
      %get3A_1076 = arith.constant 0 : index
      %get3A_1077 = tpu.vector_load %arg17[%get3A_1074, %get3A_1075, %get3A_1076] {strides = array<i32>} : memref<9x512x16xf32, #tpu.memory_space<vmem>>, vector<16xf32>,
      %add3A_1078 = arith.addf %add3A_1070, %get3A_1077 : vector<16xf32>
      %mul3A_1079 = arith.mulf %get3A_1077, %get3A_1077 : vector<16xf32>
      %add3A_1080 = arith.addf %add3A_1072, %mul3A_1079 : vector<16xf32>
      %get3A_1081 = arith.constant 6 : i32
      %get3A_1082 = arith.index_cast %get3A_1081 : i32 to index
      %get3A_1083 = arith.index_cast %add3A_1034 : i32 to index
      %get3A_1084 = arith.constant 0 : index
      %get3A_1085 = tpu.vector_load %arg17[%get3A_1082, %get3A_1083, %get3A_1084] {strides = array<i32>} : memref<9x512x16xf32, #tpu.memory_space<vmem>>, vector<16xf32>,
      %add3A_1086 = arith.addf %add3A_1078, %get3A_1085 : vector<16xf32>
      %mul3A_1087 = arith.mulf %get3A_1085, %get3A_1085 : vector<16xf32>
      %add3A_1088 = arith.addf %add3A_1080, %mul3A_1087 : vector<16xf32>
      %get3A_1089 = arith.constant 7 : i32
      %get3A_1090 = arith.index_cast %get3A_1089 : i32 to index
      %get3A_1091 = arith.index_cast %add3A_1034 : i32 to index
      %get3A_1092 = arith.constant 0 : index
      %get3A_1093 = tpu.vector_load %arg17[%get3A_1090, %get3A_1091, %get3A_1092] {strides = array<i32>} : memref<9x512x16xf32, #tpu.memory_space<vmem>>, vector<16xf32>,
      %add3A_1094 = arith.addf %add3A_1086, %get3A_1093 : vector<16xf32>
      %mul3A_1095 = arith.mulf %get3A_1093, %get3A_1093 : vector<16xf32>
      %add3A_1096 = arith.addf %add3A_1088, %mul3A_1095 : vector<16xf32>
      %get3A_1097 = arith.constant 8 : i32
      %get3A_1098 = arith.index_cast %get3A_1097 : i32 to index
      %get3A_1099 = arith.index_cast %add3A_1034 : i32 to index
      %get3A_1100 = arith.constant 0 : index
      %get3A_1101 = tpu.vector_load %arg17[%get3A_1098, %get3A_1099, %get3A_1100] {strides = array<i32>} : memref<9x512x16xf32, #tpu.memory_space<vmem>>, vector<16xf32>,
      %add3A_1102 = arith.addf %add3A_1094, %get3A_1101 : vector<16xf32>
      %mul3A_1103 = arith.mulf %get3A_1101, %get3A_1101 : vector<16xf32>
      %add3A_1104 = arith.addf %add3A_1096, %mul3A_1103 : vector<16xf32>
      %mul3A_1105 = arith.mulf %add3A_1102, %add3A_1102 : vector<16xf32>
      %sub3A_1106 = arith.subf %mul3A_1105, %add3A_1104 : vector<16xf32>
      %swap3A_1107 = arith.constant 9 : i32
      %swap3A_1108 = arith.index_cast %swap3A_1107 : i32 to index
      %swap3A_1109 = arith.constant 0 : index
      %swap3A_1110 = tpu.vector_load %arg32[%swap3A_1108, %swap3A_1109] {strides = array<i32>} : memref<16x16xf32, #tpu.memory_space<vmem>>, vector<16xf32>,
      tpu.vector_store %arg32[%swap3A_1108, %swap3A_1109], %sub3A_1106 {strides = array<i32>} : memref<16x16xf32, #tpu.memory_space<vmem>>, vector<16xf32>,
      %add3A_1111 = arith.constant 10 : i32
      %add3A_1112 = arith.addi %mul3A_332, %add3A_1111 : i32
      %get3A_1113 = arith.constant 0 : i32
      %get3A_1114 = arith.index_cast %get3A_1113 : i32 to index
      %get3A_1115 = arith.index_cast %add3A_1112 : i32 to index
      %get3A_1116 = arith.constant 0 : index
      %get3A_1117 = tpu.vector_load %arg17[%get3A_1114, %get3A_1115, %get3A_1116] {strides = array<i32>} : memref<9x512x16xf32, #tpu.memory_space<vmem>>, vector<16xf32>,
      %mul3A_1118 = arith.mulf %get3A_1117, %get3A_1117 : vector<16xf32>
      %get3A_1119 = arith.constant 1 : i32
      %get3A_1120 = arith.index_cast %get3A_1119 : i32 to index
      %get3A_1121 = arith.index_cast %add3A_1112 : i32 to index
      %get3A_1122 = arith.constant 0 : index
      %get3A_1123 = tpu.vector_load %arg17[%get3A_1120, %get3A_1121, %get3A_1122] {strides = array<i32>} : memref<9x512x16xf32, #tpu.memory_space<vmem>>, vector<16xf32>,
      %add3A_1124 = arith.addf %get3A_1117, %get3A_1123 : vector<16xf32>
      %mul3A_1125 = arith.mulf %get3A_1123, %get3A_1123 : vector<16xf32>
      %add3A_1126 = arith.addf %mul3A_1118, %mul3A_1125 : vector<16xf32>
      %get3A_1127 = arith.constant 2 : i32
      %get3A_1128 = arith.index_cast %get3A_1127 : i32 to index
      %get3A_1129 = arith.index_cast %add3A_1112 : i32 to index
      %get3A_1130 = arith.constant 0 : index
      %get3A_1131 = tpu.vector_load %arg17[%get3A_1128, %get3A_1129, %get3A_1130] {strides = array<i32>} : memref<9x512x16xf32, #tpu.memory_space<vmem>>, vector<16xf32>,
      %add3A_1132 = arith.addf %add3A_1124, %get3A_1131 : vector<16xf32>
      %mul3A_1133 = arith.mulf %get3A_1131, %get3A_1131 : vector<16xf32>
      %add3A_1134 = arith.addf %add3A_1126, %mul3A_1133 : vector<16xf32>
      %get3A_1135 = arith.constant 3 : i32
      %get3A_1136 = arith.index_cast %get3A_1135 : i32 to index
      %get3A_1137 = arith.index_cast %add3A_1112 : i32 to index
      %get3A_1138 = arith.constant 0 : index
      %get3A_1139 = tpu.vector_load %arg17[%get3A_1136, %get3A_1137, %get3A_1138] {strides = array<i32>} : memref<9x512x16xf32, #tpu.memory_space<vmem>>, vector<16xf32>,
      %add3A_1140 = arith.addf %add3A_1132, %get3A_1139 : vector<16xf32>
      %mul3A_1141 = arith.mulf %get3A_1139, %get3A_1139 : vector<16xf32>
      %add3A_1142 = arith.addf %add3A_1134, %mul3A_1141 : vector<16xf32>
      %get3A_1143 = arith.constant 4 : i32
      %get3A_1144 = arith.index_cast %get3A_1143 : i32 to index
      %get3A_1145 = arith.index_cast %add3A_1112 : i32 to index
      %get3A_1146 = arith.constant 0 : index
      %get3A_1147 = tpu.vector_load %arg17[%get3A_1144, %get3A_1145, %get3A_1146] {strides = array<i32>} : memref<9x512x16xf32, #tpu.memory_space<vmem>>, vector<16xf32>,
      %add3A_1148 = arith.addf %add3A_1140, %get3A_1147 : vector<16xf32>
      %mul3A_1149 = arith.mulf %get3A_1147, %get3A_1147 : vector<16xf32>
      %add3A_1150 = arith.addf %add3A_1142, %mul3A_1149 : vector<16xf32>
      %get3A_1151 = arith.constant 5 : i32
      %get3A_1152 = arith.index_cast %get3A_1151 : i32 to index
      %get3A_1153 = arith.index_cast %add3A_1112 : i32 to index
      %get3A_1154 = arith.constant 0 : index
      %get3A_1155 = tpu.vector_load %arg17[%get3A_1152, %get3A_1153, %get3A_1154] {strides = array<i32>} : memref<9x512x16xf32, #tpu.memory_space<vmem>>, vector<16xf32>,
      %add3A_1156 = arith.addf %add3A_1148, %get3A_1155 : vector<16xf32>
      %mul3A_1157 = arith.mulf %get3A_1155, %get3A_1155 : vector<16xf32>
      %add3A_1158 = arith.addf %add3A_1150, %mul3A_1157 : vector<16xf32>
      %get3A_1159 = arith.constant 6 : i32
      %get3A_1160 = arith.index_cast %get3A_1159 : i32 to index
      %get3A_1161 = arith.index_cast %add3A_1112 : i32 to index
      %get3A_1162 = arith.constant 0 : index
      %get3A_1163 = tpu.vector_load %arg17[%get3A_1160, %get3A_1161, %get3A_1162] {strides = array<i32>} : memref<9x512x16xf32, #tpu.memory_space<vmem>>, vector<16xf32>,
      %add3A_1164 = arith.addf %add3A_1156, %get3A_1163 : vector<16xf32>
      %mul3A_1165 = arith.mulf %get3A_1163, %get3A_1163 : vector<16xf32>
      %add3A_1166 = arith.addf %add3A_1158, %mul3A_1165 : vector<16xf32>
      %get3A_1167 = arith.constant 7 : i32
      %get3A_1168 = arith.index_cast %get3A_1167 : i32 to index
      %get3A_1169 = arith.index_cast %add3A_1112 : i32 to index
      %get3A_1170 = arith.constant 0 : index
      %get3A_1171 = tpu.vector_load %arg17[%get3A_1168, %get3A_1169, %get3A_1170] {strides = array<i32>} : memref<9x512x16xf32, #tpu.memory_space<vmem>>, vector<16xf32>,
      %add3A_1172 = arith.addf %add3A_1164, %get3A_1171 : vector<16xf32>
      %mul3A_1173 = arith.mulf %get3A_1171, %get3A_1171 : vector<16xf32>
      %add3A_1174 = arith.addf %add3A_1166, %mul3A_1173 : vector<16xf32>
      %get3A_1175 = arith.constant 8 : i32
      %get3A_1176 = arith.index_cast %get3A_1175 : i32 to index
      %get3A_1177 = arith.index_cast %add3A_1112 : i32 to index
      %get3A_1178 = arith.constant 0 : index
      %get3A_1179 = tpu.vector_load %arg17[%get3A_1176, %get3A_1177, %get3A_1178] {strides = array<i32>} : memref<9x512x16xf32, #tpu.memory_space<vmem>>, vector<16xf32>,
      %add3A_1180 = arith.addf %add3A_1172, %get3A_1179 : vector<16xf32>
      %mul3A_1181 = arith.mulf %get3A_1179, %get3A_1179 : vector<16xf32>
      %add3A_1182 = arith.addf %add3A_1174, %mul3A_1181 : vector<16xf32>
      %mul3A_1183 = arith.mulf %add3A_1180, %add3A_1180 : vector<16xf32>
      %sub3A_1184 = arith.subf %mul3A_1183, %add3A_1182 : vector<16xf32>
      %swap3A_1185 = arith.constant 10 : i32
      %swap3A_1186 = arith.index_cast %swap3A_1185 : i32 to index
      %swap3A_1187 = arith.constant 0 : index
      %swap3A_1188 = tpu.vector_load %arg32[%swap3A_1186, %swap3A_1187] {strides = array<i32>} : memref<16x16xf32, #tpu.memory_space<vmem>>, vector<16xf32>,
      tpu.vector_store %arg32[%swap3A_1186, %swap3A_1187], %sub3A_1184 {strides = array<i32>} : memref<16x16xf32, #tpu.memory_space<vmem>>, vector<16xf32>,
      %add3A_1189 = arith.constant 11 : i32
      %add3A_1190 = arith.addi %mul3A_332, %add3A_1189 : i32
      %get3A_1191 = arith.constant 0 : i32
      %get3A_1192 = arith.index_cast %get3A_1191 : i32 to index
      %get3A_1193 = arith.index_cast %add3A_1190 : i32 to index
      %get3A_1194 = arith.constant 0 : index
      %get3A_1195 = tpu.vector_load %arg17[%get3A_1192, %get3A_1193, %get3A_1194] {strides = array<i32>} : memref<9x512x16xf32, #tpu.memory_space<vmem>>, vector<16xf32>,
      %mul3A_1196 = arith.mulf %get3A_1195, %get3A_1195 : vector<16xf32>
      %get3A_1197 = arith.constant 1 : i32
      %get3A_1198 = arith.index_cast %get3A_1197 : i32 to index
      %get3A_1199 = arith.index_cast %add3A_1190 : i32 to index
      %get3A_1200 = arith.constant 0 : index
      %get3A_1201 = tpu.vector_load %arg17[%get3A_1198, %get3A_1199, %get3A_1200] {strides = array<i32>} : memref<9x512x16xf32, #tpu.memory_space<vmem>>, vector<16xf32>,
      %add3A_1202 = arith.addf %get3A_1195, %get3A_1201 : vector<16xf32>
      %mul3A_1203 = arith.mulf %get3A_1201, %get3A_1201 : vector<16xf32>
      %add3A_1204 = arith.addf %mul3A_1196, %mul3A_1203 : vector<16xf32>
      %get3A_1205 = arith.constant 2 : i32
      %get3A_1206 = arith.index_cast %get3A_1205 : i32 to index
      %get3A_1207 = arith.index_cast %add3A_1190 : i32 to index
      %get3A_1208 = arith.constant 0 : index
      %get3A_1209 = tpu.vector_load %arg17[%get3A_1206, %get3A_1207, %get3A_1208] {strides = array<i32>} : memref<9x512x16xf32, #tpu.memory_space<vmem>>, vector<16xf32>,
      %add3A_1210 = arith.addf %add3A_1202, %get3A_1209 : vector<16xf32>
      %mul3A_1211 = arith.mulf %get3A_1209, %get3A_1209 : vector<16xf32>
      %add3A_1212 = arith.addf %add3A_1204, %mul3A_1211 : vector<16xf32>
      %get3A_1213 = arith.constant 3 : i32
      %get3A_1214 = arith.index_cast %get3A_1213 : i32 to index
      %get3A_1215 = arith.index_cast %add3A_1190 : i32 to index
      %get3A_1216 = arith.constant 0 : index
      %get3A_1217 = tpu.vector_load %arg17[%get3A_1214, %get3A_1215, %get3A_1216] {strides = array<i32>} : memref<9x512x16xf32, #tpu.memory_space<vmem>>, vector<16xf32>,
      %add3A_1218 = arith.addf %add3A_1210, %get3A_1217 : vector<16xf32>
      %mul3A_1219 = arith.mulf %get3A_1217, %get3A_1217 : vector<16xf32>
      %add3A_1220 = arith.addf %add3A_1212, %mul3A_1219 : vector<16xf32>
      %get3A_1221 = arith.constant 4 : i32
      %get3A_1222 = arith.index_cast %get3A_1221 : i32 to index
      %get3A_1223 = arith.index_cast %add3A_1190 : i32 to index
      %get3A_1224 = arith.constant 0 : index
      %get3A_1225 = tpu.vector_load %arg17[%get3A_1222, %get3A_1223, %get3A_1224] {strides = array<i32>} : memref<9x512x16xf32, #tpu.memory_space<vmem>>, vector<16xf32>,
      %add3A_1226 = arith.addf %add3A_1218, %get3A_1225 : vector<16xf32>
      %mul3A_1227 = arith.mulf %get3A_1225, %get3A_1225 : vector<16xf32>
      %add3A_1228 = arith.addf %add3A_1220, %mul3A_1227 : vector<16xf32>
      %get3A_1229 = arith.constant 5 : i32
      %get3A_1230 = arith.index_cast %get3A_1229 : i32 to index
      %get3A_1231 = arith.index_cast %add3A_1190 : i32 to index
      %get3A_1232 = arith.constant 0 : index
      %get3A_1233 = tpu.vector_load %arg17[%get3A_1230, %get3A_1231, %get3A_1232] {strides = array<i32>} : memref<9x512x16xf32, #tpu.memory_space<vmem>>, vector<16xf32>,
      %add3A_1234 = arith.addf %add3A_1226, %get3A_1233 : vector<16xf32>
      %mul3A_1235 = arith.mulf %get3A_1233, %get3A_1233 : vector<16xf32>
      %add3A_1236 = arith.addf %add3A_1228, %mul3A_1235 : vector<16xf32>
      %get3A_1237 = arith.constant 6 : i32
      %get3A_1238 = arith.index_cast %get3A_1237 : i32 to index
      %get3A_1239 = arith.index_cast %add3A_1190 : i32 to index
      %get3A_1240 = arith.constant 0 : index
      %get3A_1241 = tpu.vector_load %arg17[%get3A_1238, %get3A_1239, %get3A_1240] {strides = array<i32>} : memref<9x512x16xf32, #tpu.memory_space<vmem>>, vector<16xf32>,
      %add3A_1242 = arith.addf %add3A_1234, %get3A_1241 : vector<16xf32>
      %mul3A_1243 = arith.mulf %get3A_1241, %get3A_1241 : vector<16xf32>
      %add3A_1244 = arith.addf %add3A_1236, %mul3A_1243 : vector<16xf32>
      %get3A_1245 = arith.constant 7 : i32
      %get3A_1246 = arith.index_cast %get3A_1245 : i32 to index
      %get3A_1247 = arith.index_cast %add3A_1190 : i32 to index
      %get3A_1248 = arith.constant 0 : index
      %get3A_1249 = tpu.vector_load %arg17[%get3A_1246, %get3A_1247, %get3A_1248] {strides = array<i32>} : memref<9x512x16xf32, #tpu.memory_space<vmem>>, vector<16xf32>,
      %add3A_1250 = arith.addf %add3A_1242, %get3A_1249 : vector<16xf32>
      %mul3A_1251 = arith.mulf %get3A_1249, %get3A_1249 : vector<16xf32>
      %add3A_1252 = arith.addf %add3A_1244, %mul3A_1251 : vector<16xf32>
      %get3A_1253 = arith.constant 8 : i32
      %get3A_1254 = arith.index_cast %get3A_1253 : i32 to index
      %get3A_1255 = arith.index_cast %add3A_1190 : i32 to index
      %get3A_1256 = arith.constant 0 : index
      %get3A_1257 = tpu.vector_load %arg17[%get3A_1254, %get3A_1255, %get3A_1256] {strides = array<i32>} : memref<9x512x16xf32, #tpu.memory_space<vmem>>, vector<16xf32>,
      %add3A_1258 = arith.addf %add3A_1250, %get3A_1257 : vector<16xf32>
      %mul3A_1259 = arith.mulf %get3A_1257, %get3A_1257 : vector<16xf32>
      %add3A_1260 = arith.addf %add3A_1252, %mul3A_1259 : vector<16xf32>
      %mul3A_1261 = arith.mulf %add3A_1258, %add3A_1258 : vector<16xf32>
      %sub3A_1262 = arith.subf %mul3A_1261, %add3A_1260 : vector<16xf32>
      %swap3A_1263 = arith.constant 11 : i32
      %swap3A_1264 = arith.index_cast %swap3A_1263 : i32 to index
      %swap3A_1265 = arith.constant 0 : index
      %swap3A_1266 = tpu.vector_load %arg32[%swap3A_1264, %swap3A_1265] {strides = array<i32>} : memref<16x16xf32, #tpu.memory_space<vmem>>, vector<16xf32>,
      tpu.vector_store %arg32[%swap3A_1264, %swap3A_1265], %sub3A_1262 {strides = array<i32>} : memref<16x16xf32, #tpu.memory_space<vmem>>, vector<16xf32>,
      %add3A_1267 = arith.constant 12 : i32
      %add3A_1268 = arith.addi %mul3A_332, %add3A_1267 : i32
      %get3A_1269 = arith.constant 0 : i32
      %get3A_1270 = arith.index_cast %get3A_1269 : i32 to index
      %get3A_1271 = arith.index_cast %add3A_1268 : i32 to index
      %get3A_1272 = arith.constant 0 : index
      %get3A_1273 = tpu.vector_load %arg17[%get3A_1270, %get3A_1271, %get3A_1272] {strides = array<i32>} : memref<9x512x16xf32, #tpu.memory_space<vmem>>, vector<16xf32>,
      %mul3A_1274 = arith.mulf %get3A_1273, %get3A_1273 : vector<16xf32>
      %get3A_1275 = arith.constant 1 : i32
      %get3A_1276 = arith.index_cast %get3A_1275 : i32 to index
      %get3A_1277 = arith.index_cast %add3A_1268 : i32 to index
      %get3A_1278 = arith.constant 0 : index
      %get3A_1279 = tpu.vector_load %arg17[%get3A_1276, %get3A_1277, %get3A_1278] {strides = array<i32>} : memref<9x512x16xf32, #tpu.memory_space<vmem>>, vector<16xf32>,
      %add3A_1280 = arith.addf %get3A_1273, %get3A_1279 : vector<16xf32>
      %mul3A_1281 = arith.mulf %get3A_1279, %get3A_1279 : vector<16xf32>
      %add3A_1282 = arith.addf %mul3A_1274, %mul3A_1281 : vector<16xf32>
      %get3A_1283 = arith.constant 2 : i32
      %get3A_1284 = arith.index_cast %get3A_1283 : i32 to index
      %get3A_1285 = arith.index_cast %add3A_1268 : i32 to index
      %get3A_1286 = arith.constant 0 : index
      %get3A_1287 = tpu.vector_load %arg17[%get3A_1284, %get3A_1285, %get3A_1286] {strides = array<i32>} : memref<9x512x16xf32, #tpu.memory_space<vmem>>, vector<16xf32>,
      %add3A_1288 = arith.addf %add3A_1280, %get3A_1287 : vector<16xf32>
      %mul3A_1289 = arith.mulf %get3A_1287, %get3A_1287 : vector<16xf32>
      %add3A_1290 = arith.addf %add3A_1282, %mul3A_1289 : vector<16xf32>
      %get3A_1291 = arith.constant 3 : i32
      %get3A_1292 = arith.index_cast %get3A_1291 : i32 to index
      %get3A_1293 = arith.index_cast %add3A_1268 : i32 to index
      %get3A_1294 = arith.constant 0 : index
      %get3A_1295 = tpu.vector_load %arg17[%get3A_1292, %get3A_1293, %get3A_1294] {strides = array<i32>} : memref<9x512x16xf32, #tpu.memory_space<vmem>>, vector<16xf32>,
      %add3A_1296 = arith.addf %add3A_1288, %get3A_1295 : vector<16xf32>
      %mul3A_1297 = arith.mulf %get3A_1295, %get3A_1295 : vector<16xf32>
      %add3A_1298 = arith.addf %add3A_1290, %mul3A_1297 : vector<16xf32>
      %get3A_1299 = arith.constant 4 : i32
      %get3A_1300 = arith.index_cast %get3A_1299 : i32 to index
      %get3A_1301 = arith.index_cast %add3A_1268 : i32 to index
      %get3A_1302 = arith.constant 0 : index
      %get3A_1303 = tpu.vector_load %arg17[%get3A_1300, %get3A_1301, %get3A_1302] {strides = array<i32>} : memref<9x512x16xf32, #tpu.memory_space<vmem>>, vector<16xf32>,
      %add3A_1304 = arith.addf %add3A_1296, %get3A_1303 : vector<16xf32>
      %mul3A_1305 = arith.mulf %get3A_1303, %get3A_1303 : vector<16xf32>
      %add3A_1306 = arith.addf %add3A_1298, %mul3A_1305 : vector<16xf32>
      %get3A_1307 = arith.constant 5 : i32
      %get3A_1308 = arith.index_cast %get3A_1307 : i32 to index
      %get3A_1309 = arith.index_cast %add3A_1268 : i32 to index
      %get3A_1310 = arith.constant 0 : index
      %get3A_1311 = tpu.vector_load %arg17[%get3A_1308, %get3A_1309, %get3A_1310] {strides = array<i32>} : memref<9x512x16xf32, #tpu.memory_space<vmem>>, vector<16xf32>,
      %add3A_1312 = arith.addf %add3A_1304, %get3A_1311 : vector<16xf32>
      %mul3A_1313 = arith.mulf %get3A_1311, %get3A_1311 : vector<16xf32>
      %add3A_1314 = arith.addf %add3A_1306, %mul3A_1313 : vector<16xf32>
      %get3A_1315 = arith.constant 6 : i32
      %get3A_1316 = arith.index_cast %get3A_1315 : i32 to index
      %get3A_1317 = arith.index_cast %add3A_1268 : i32 to index
      %get3A_1318 = arith.constant 0 : index
      %get3A_1319 = tpu.vector_load %arg17[%get3A_1316, %get3A_1317, %get3A_1318] {strides = array<i32>} : memref<9x512x16xf32, #tpu.memory_space<vmem>>, vector<16xf32>,
      %add3A_1320 = arith.addf %add3A_1312, %get3A_1319 : vector<16xf32>
      %mul3A_1321 = arith.mulf %get3A_1319, %get3A_1319 : vector<16xf32>
      %add3A_1322 = arith.addf %add3A_1314, %mul3A_1321 : vector<16xf32>
      %get3A_1323 = arith.constant 7 : i32
      %get3A_1324 = arith.index_cast %get3A_1323 : i32 to index
      %get3A_1325 = arith.index_cast %add3A_1268 : i32 to index
      %get3A_1326 = arith.constant 0 : index
      %get3A_1327 = tpu.vector_load %arg17[%get3A_1324, %get3A_1325, %get3A_1326] {strides = array<i32>} : memref<9x512x16xf32, #tpu.memory_space<vmem>>, vector<16xf32>,
      %add3A_1328 = arith.addf %add3A_1320, %get3A_1327 : vector<16xf32>
      %mul3A_1329 = arith.mulf %get3A_1327, %get3A_1327 : vector<16xf32>
      %add3A_1330 = arith.addf %add3A_1322, %mul3A_1329 : vector<16xf32>
      %get3A_1331 = arith.constant 8 : i32
      %get3A_1332 = arith.index_cast %get3A_1331 : i32 to index
      %get3A_1333 = arith.index_cast %add3A_1268 : i32 to index
      %get3A_1334 = arith.constant 0 : index
      %get3A_1335 = tpu.vector_load %arg17[%get3A_1332, %get3A_1333, %get3A_1334] {strides = array<i32>} : memref<9x512x16xf32, #tpu.memory_space<vmem>>, vector<16xf32>,
      %add3A_1336 = arith.addf %add3A_1328, %get3A_1335 : vector<16xf32>
      %mul3A_1337 = arith.mulf %get3A_1335, %get3A_1335 : vector<16xf32>
      %add3A_1338 = arith.addf %add3A_1330, %mul3A_1337 : vector<16xf32>
      %mul3A_1339 = arith.mulf %add3A_1336, %add3A_1336 : vector<16xf32>
      %sub3A_1340 = arith.subf %mul3A_1339, %add3A_1338 : vector<16xf32>
      %swap3A_1341 = arith.constant 12 : i32
      %swap3A_1342 = arith.index_cast %swap3A_1341 : i32 to index
      %swap3A_1343 = arith.constant 0 : index
      %swap3A_1344 = tpu.vector_load %arg32[%swap3A_1342, %swap3A_1343] {strides = array<i32>} : memref<16x16xf32, #tpu.memory_space<vmem>>, vector<16xf32>,
      tpu.vector_store %arg32[%swap3A_1342, %swap3A_1343], %sub3A_1340 {strides = array<i32>} : memref<16x16xf32, #tpu.memory_space<vmem>>, vector<16xf32>,
      %add3A_1345 = arith.constant 13 : i32
      %add3A_1346 = arith.addi %mul3A_332, %add3A_1345 : i32
      %get3A_1347 = arith.constant 0 : i32
      %get3A_1348 = arith.index_cast %get3A_1347 : i32 to index
      %get3A_1349 = arith.index_cast %add3A_1346 : i32 to index
      %get3A_1350 = arith.constant 0 : index
      %get3A_1351 = tpu.vector_load %arg17[%get3A_1348, %get3A_1349, %get3A_1350] {strides = array<i32>} : memref<9x512x16xf32, #tpu.memory_space<vmem>>, vector<16xf32>,
      %mul3A_1352 = arith.mulf %get3A_1351, %get3A_1351 : vector<16xf32>
      %get3A_1353 = arith.constant 1 : i32
      %get3A_1354 = arith.index_cast %get3A_1353 : i32 to index
      %get3A_1355 = arith.index_cast %add3A_1346 : i32 to index
      %get3A_1356 = arith.constant 0 : index
      %get3A_1357 = tpu.vector_load %arg17[%get3A_1354, %get3A_1355, %get3A_1356] {strides = array<i32>} : memref<9x512x16xf32, #tpu.memory_space<vmem>>, vector<16xf32>,
      %add3A_1358 = arith.addf %get3A_1351, %get3A_1357 : vector<16xf32>
      %mul3A_1359 = arith.mulf %get3A_1357, %get3A_1357 : vector<16xf32>
      %add3A_1360 = arith.addf %mul3A_1352, %mul3A_1359 : vector<16xf32>
      %get3A_1361 = arith.constant 2 : i32
      %get3A_1362 = arith.index_cast %get3A_1361 : i32 to index
      %get3A_1363 = arith.index_cast %add3A_1346 : i32 to index
      %get3A_1364 = arith.constant 0 : index
      %get3A_1365 = tpu.vector_load %arg17[%get3A_1362, %get3A_1363, %get3A_1364] {strides = array<i32>} : memref<9x512x16xf32, #tpu.memory_space<vmem>>, vector<16xf32>,
      %add3A_1366 = arith.addf %add3A_1358, %get3A_1365 : vector<16xf32>
      %mul3A_1367 = arith.mulf %get3A_1365, %get3A_1365 : vector<16xf32>
      %add3A_1368 = arith.addf %add3A_1360, %mul3A_1367 : vector<16xf32>
      %get3A_1369 = arith.constant 3 : i32
      %get3A_1370 = arith.index_cast %get3A_1369 : i32 to index
      %get3A_1371 = arith.index_cast %add3A_1346 : i32 to index
      %get3A_1372 = arith.constant 0 : index
      %get3A_1373 = tpu.vector_load %arg17[%get3A_1370, %get3A_1371, %get3A_1372] {strides = array<i32>} : memref<9x512x16xf32, #tpu.memory_space<vmem>>, vector<16xf32>,
      %add3A_1374 = arith.addf %add3A_1366, %get3A_1373 : vector<16xf32>
      %mul3A_1375 = arith.mulf %get3A_1373, %get3A_1373 : vector<16xf32>
      %add3A_1376 = arith.addf %add3A_1368, %mul3A_1375 : vector<16xf32>
      %get3A_1377 = arith.constant 4 : i32
      %get3A_1378 = arith.index_cast %get3A_1377 : i32 to index
      %get3A_1379 = arith.index_cast %add3A_1346 : i32 to index
      %get3A_1380 = arith.constant 0 : index
      %get3A_1381 = tpu.vector_load %arg17[%get3A_1378, %get3A_1379, %get3A_1380] {strides = array<i32>} : memref<9x512x16xf32, #tpu.memory_space<vmem>>, vector<16xf32>,
      %add3A_1382 = arith.addf %add3A_1374, %get3A_1381 : vector<16xf32>
      %mul3A_1383 = arith.mulf %get3A_1381, %get3A_1381 : vector<16xf32>
      %add3A_1384 = arith.addf %add3A_1376, %mul3A_1383 : vector<16xf32>
      %get3A_1385 = arith.constant 5 : i32
      %get3A_1386 = arith.index_cast %get3A_1385 : i32 to index
      %get3A_1387 = arith.index_cast %add3A_1346 : i32 to index
      %get3A_1388 = arith.constant 0 : index
      %get3A_1389 = tpu.vector_load %arg17[%get3A_1386, %get3A_1387, %get3A_1388] {strides = array<i32>} : memref<9x512x16xf32, #tpu.memory_space<vmem>>, vector<16xf32>,
      %add3A_1390 = arith.addf %add3A_1382, %get3A_1389 : vector<16xf32>
      %mul3A_1391 = arith.mulf %get3A_1389, %get3A_1389 : vector<16xf32>
      %add3A_1392 = arith.addf %add3A_1384, %mul3A_1391 : vector<16xf32>
      %get3A_1393 = arith.constant 6 : i32
      %get3A_1394 = arith.index_cast %get3A_1393 : i32 to index
      %get3A_1395 = arith.index_cast %add3A_1346 : i32 to index
      %get3A_1396 = arith.constant 0 : index
      %get3A_1397 = tpu.vector_load %arg17[%get3A_1394, %get3A_1395, %get3A_1396] {strides = array<i32>} : memref<9x512x16xf32, #tpu.memory_space<vmem>>, vector<16xf32>,
      %add3A_1398 = arith.addf %add3A_1390, %get3A_1397 : vector<16xf32>
      %mul3A_1399 = arith.mulf %get3A_1397, %get3A_1397 : vector<16xf32>
      %add3A_1400 = arith.addf %add3A_1392, %mul3A_1399 : vector<16xf32>
      %get3A_1401 = arith.constant 7 : i32
      %get3A_1402 = arith.index_cast %get3A_1401 : i32 to index
      %get3A_1403 = arith.index_cast %add3A_1346 : i32 to index
      %get3A_1404 = arith.constant 0 : index
      %get3A_1405 = tpu.vector_load %arg17[%get3A_1402, %get3A_1403, %get3A_1404] {strides = array<i32>} : memref<9x512x16xf32, #tpu.memory_space<vmem>>, vector<16xf32>,
      %add3A_1406 = arith.addf %add3A_1398, %get3A_1405 : vector<16xf32>
      %mul3A_1407 = arith.mulf %get3A_1405, %get3A_1405 : vector<16xf32>
      %add3A_1408 = arith.addf %add3A_1400, %mul3A_1407 : vector<16xf32>
      %get3A_1409 = arith.constant 8 : i32
      %get3A_1410 = arith.index_cast %get3A_1409 : i32 to index
      %get3A_1411 = arith.index_cast %add3A_1346 : i32 to index
      %get3A_1412 = arith.constant 0 : index
      %get3A_1413 = tpu.vector_load %arg17[%get3A_1410, %get3A_1411, %get3A_1412] {strides = array<i32>} : memref<9x512x16xf32, #tpu.memory_space<vmem>>, vector<16xf32>,
      %add3A_1414 = arith.addf %add3A_1406, %get3A_1413 : vector<16xf32>
      %mul3A_1415 = arith.mulf %get3A_1413, %get3A_1413 : vector<16xf32>
      %add3A_1416 = arith.addf %add3A_1408, %mul3A_1415 : vector<16xf32>
      %mul3A_1417 = arith.mulf %add3A_1414, %add3A_1414 : vector<16xf32>
      %sub3A_1418 = arith.subf %mul3A_1417, %add3A_1416 : vector<16xf32>
      %swap3A_1419 = arith.constant 13 : i32
      %swap3A_1420 = arith.index_cast %swap3A_1419 : i32 to index
      %swap3A_1421 = arith.constant 0 : index
      %swap3A_1422 = tpu.vector_load %arg32[%swap3A_1420, %swap3A_1421] {strides = array<i32>} : memref<16x16xf32, #tpu.memory_space<vmem>>, vector<16xf32>,
      tpu.vector_store %arg32[%swap3A_1420, %swap3A_1421], %sub3A_1418 {strides = array<i32>} : memref<16x16xf32, #tpu.memory_space<vmem>>, vector<16xf32>,
      %add3A_1423 = arith.constant 14 : i32
      %add3A_1424 = arith.addi %mul3A_332, %add3A_1423 : i32
      %get3A_1425 = arith.constant 0 : i32
      %get3A_1426 = arith.index_cast %get3A_1425 : i32 to index
      %get3A_1427 = arith.index_cast %add3A_1424 : i32 to index
      %get3A_1428 = arith.constant 0 : index
      %get3A_1429 = tpu.vector_load %arg17[%get3A_1426, %get3A_1427, %get3A_1428] {strides = array<i32>} : memref<9x512x16xf32, #tpu.memory_space<vmem>>, vector<16xf32>,
      %mul3A_1430 = arith.mulf %get3A_1429, %get3A_1429 : vector<16xf32>
      %get3A_1431 = arith.constant 1 : i32
      %get3A_1432 = arith.index_cast %get3A_1431 : i32 to index
      %get3A_1433 = arith.index_cast %add3A_1424 : i32 to index
      %get3A_1434 = arith.constant 0 : index
      %get3A_1435 = tpu.vector_load %arg17[%get3A_1432, %get3A_1433, %get3A_1434] {strides = array<i32>} : memref<9x512x16xf32, #tpu.memory_space<vmem>>, vector<16xf32>,
      %add3A_1436 = arith.addf %get3A_1429, %get3A_1435 : vector<16xf32>
      %mul3A_1437 = arith.mulf %get3A_1435, %get3A_1435 : vector<16xf32>
      %add3A_1438 = arith.addf %mul3A_1430, %mul3A_1437 : vector<16xf32>
      %get3A_1439 = arith.constant 2 : i32
      %get3A_1440 = arith.index_cast %get3A_1439 : i32 to index
      %get3A_1441 = arith.index_cast %add3A_1424 : i32 to index
      %get3A_1442 = arith.constant 0 : index
      %get3A_1443 = tpu.vector_load %arg17[%get3A_1440, %get3A_1441, %get3A_1442] {strides = array<i32>} : memref<9x512x16xf32, #tpu.memory_space<vmem>>, vector<16xf32>,
      %add3A_1444 = arith.addf %add3A_1436, %get3A_1443 : vector<16xf32>
      %mul3A_1445 = arith.mulf %get3A_1443, %get3A_1443 : vector<16xf32>
      %add3A_1446 = arith.addf %add3A_1438, %mul3A_1445 : vector<16xf32>
      %get3A_1447 = arith.constant 3 : i32
      %get3A_1448 = arith.index_cast %get3A_1447 : i32 to index
      %get3A_1449 = arith.index_cast %add3A_1424 : i32 to index
      %get3A_1450 = arith.constant 0 : index
      %get3A_1451 = tpu.vector_load %arg17[%get3A_1448, %get3A_1449, %get3A_1450] {strides = array<i32>} : memref<9x512x16xf32, #tpu.memory_space<vmem>>, vector<16xf32>,
      %add3A_1452 = arith.addf %add3A_1444, %get3A_1451 : vector<16xf32>
      %mul3A_1453 = arith.mulf %get3A_1451, %get3A_1451 : vector<16xf32>
      %add3A_1454 = arith.addf %add3A_1446, %mul3A_1453 : vector<16xf32>
      %get3A_1455 = arith.constant 4 : i32
      %get3A_1456 = arith.index_cast %get3A_1455 : i32 to index
      %get3A_1457 = arith.index_cast %add3A_1424 : i32 to index
      %get3A_1458 = arith.constant 0 : index
      %get3A_1459 = tpu.vector_load %arg17[%get3A_1456, %get3A_1457, %get3A_1458] {strides = array<i32>} : memref<9x512x16xf32, #tpu.memory_space<vmem>>, vector<16xf32>,
      %add3A_1460 = arith.addf %add3A_1452, %get3A_1459 : vector<16xf32>
      %mul3A_1461 = arith.mulf %get3A_1459, %get3A_1459 : vector<16xf32>
      %add3A_1462 = arith.addf %add3A_1454, %mul3A_1461 : vector<16xf32>
      %get3A_1463 = arith.constant 5 : i32
      %get3A_1464 = arith.index_cast %get3A_1463 : i32 to index
      %get3A_1465 = arith.index_cast %add3A_1424 : i32 to index
      %get3A_1466 = arith.constant 0 : index
      %get3A_1467 = tpu.vector_load %arg17[%get3A_1464, %get3A_1465, %get3A_1466] {strides = array<i32>} : memref<9x512x16xf32, #tpu.memory_space<vmem>>, vector<16xf32>,
      %add3A_1468 = arith.addf %add3A_1460, %get3A_1467 : vector<16xf32>
      %mul3A_1469 = arith.mulf %get3A_1467, %get3A_1467 : vector<16xf32>
      %add3A_1470 = arith.addf %add3A_1462, %mul3A_1469 : vector<16xf32>
      %get3A_1471 = arith.constant 6 : i32
      %get3A_1472 = arith.index_cast %get3A_1471 : i32 to index
      %get3A_1473 = arith.index_cast %add3A_1424 : i32 to index
      %get3A_1474 = arith.constant 0 : index
      %get3A_1475 = tpu.vector_load %arg17[%get3A_1472, %get3A_1473, %get3A_1474] {strides = array<i32>} : memref<9x512x16xf32, #tpu.memory_space<vmem>>, vector<16xf32>,
      %add3A_1476 = arith.addf %add3A_1468, %get3A_1475 : vector<16xf32>
      %mul3A_1477 = arith.mulf %get3A_1475, %get3A_1475 : vector<16xf32>
      %add3A_1478 = arith.addf %add3A_1470, %mul3A_1477 : vector<16xf32>
      %get3A_1479 = arith.constant 7 : i32
      %get3A_1480 = arith.index_cast %get3A_1479 : i32 to index
      %get3A_1481 = arith.index_cast %add3A_1424 : i32 to index
      %get3A_1482 = arith.constant 0 : index
      %get3A_1483 = tpu.vector_load %arg17[%get3A_1480, %get3A_1481, %get3A_1482] {strides = array<i32>} : memref<9x512x16xf32, #tpu.memory_space<vmem>>, vector<16xf32>,
      %add3A_1484 = arith.addf %add3A_1476, %get3A_1483 : vector<16xf32>
      %mul3A_1485 = arith.mulf %get3A_1483, %get3A_1483 : vector<16xf32>
      %add3A_1486 = arith.addf %add3A_1478, %mul3A_1485 : vector<16xf32>
      %get3A_1487 = arith.constant 8 : i32
      %get3A_1488 = arith.index_cast %get3A_1487 : i32 to index
      %get3A_1489 = arith.index_cast %add3A_1424 : i32 to index
      %get3A_1490 = arith.constant 0 : index
      %get3A_1491 = tpu.vector_load %arg17[%get3A_1488, %get3A_1489, %get3A_1490] {strides = array<i32>} : memref<9x512x16xf32, #tpu.memory_space<vmem>>, vector<16xf32>,
      %add3A_1492 = arith.addf %add3A_1484, %get3A_1491 : vector<16xf32>
      %mul3A_1493 = arith.mulf %get3A_1491, %get3A_1491 : vector<16xf32>
      %add3A_1494 = arith.addf %add3A_1486, %mul3A_1493 : vector<16xf32>
      %mul3A_1495 = arith.mulf %add3A_1492, %add3A_1492 : vector<16xf32>
      %sub3A_1496 = arith.subf %mul3A_1495, %add3A_1494 : vector<16xf32>
      %swap3A_1497 = arith.constant 14 : i32
      %swap3A_1498 = arith.index_cast %swap3A_1497 : i32 to index
      %swap3A_1499 = arith.constant 0 : index
      %swap3A_1500 = tpu.vector_load %arg32[%swap3A_1498, %swap3A_1499] {strides = array<i32>} : memref<16x16xf32, #tpu.memory_space<vmem>>, vector<16xf32>,
      tpu.vector_store %arg32[%swap3A_1498, %swap3A_1499], %sub3A_1496 {strides = array<i32>} : memref<16x16xf32, #tpu.memory_space<vmem>>, vector<16xf32>,
      %add3A_1501 = arith.constant 15 : i32
      %add3A_1502 = arith.addi %mul3A_332, %add3A_1501 : i32
      %get3A_1503 = arith.constant 0 : i32
      %get3A_1504 = arith.index_cast %get3A_1503 : i32 to index
      %get3A_1505 = arith.index_cast %add3A_1502 : i32 to index
      %get3A_1506 = arith.constant 0 : index
      %get3A_1507 = tpu.vector_load %arg17[%get3A_1504, %get3A_1505, %get3A_1506] {strides = array<i32>} : memref<9x512x16xf32, #tpu.memory_space<vmem>>, vector<16xf32>,
      %mul3A_1508 = arith.mulf %get3A_1507, %get3A_1507 : vector<16xf32>
      %get3A_1509 = arith.constant 1 : i32
      %get3A_1510 = arith.index_cast %get3A_1509 : i32 to index
      %get3A_1511 = arith.index_cast %add3A_1502 : i32 to index
      %get3A_1512 = arith.constant 0 : index
      %get3A_1513 = tpu.vector_load %arg17[%get3A_1510, %get3A_1511, %get3A_1512] {strides = array<i32>} : memref<9x512x16xf32, #tpu.memory_space<vmem>>, vector<16xf32>,
      %add3A_1514 = arith.addf %get3A_1507, %get3A_1513 : vector<16xf32>
      %mul3A_1515 = arith.mulf %get3A_1513, %get3A_1513 : vector<16xf32>
      %add3A_1516 = arith.addf %mul3A_1508, %mul3A_1515 : vector<16xf32>
      %get3A_1517 = arith.constant 2 : i32
      %get3A_1518 = arith.index_cast %get3A_1517 : i32 to index
      %get3A_1519 = arith.index_cast %add3A_1502 : i32 to index
      %get3A_1520 = arith.constant 0 : index
      %get3A_1521 = tpu.vector_load %arg17[%get3A_1518, %get3A_1519, %get3A_1520] {strides = array<i32>} : memref<9x512x16xf32, #tpu.memory_space<vmem>>, vector<16xf32>,
      %add3A_1522 = arith.addf %add3A_1514, %get3A_1521 : vector<16xf32>
      %mul3A_1523 = arith.mulf %get3A_1521, %get3A_1521 : vector<16xf32>
      %add3A_1524 = arith.addf %add3A_1516, %mul3A_1523 : vector<16xf32>
      %get3A_1525 = arith.constant 3 : i32
      %get3A_1526 = arith.index_cast %get3A_1525 : i32 to index
      %get3A_1527 = arith.index_cast %add3A_1502 : i32 to index
      %get3A_1528 = arith.constant 0 : index
      %get3A_1529 = tpu.vector_load %arg17[%get3A_1526, %get3A_1527, %get3A_1528] {strides = array<i32>} : memref<9x512x16xf32, #tpu.memory_space<vmem>>, vector<16xf32>,
      %add3A_1530 = arith.addf %add3A_1522, %get3A_1529 : vector<16xf32>
      %mul3A_1531 = arith.mulf %get3A_1529, %get3A_1529 : vector<16xf32>
      %add3A_1532 = arith.addf %add3A_1524, %mul3A_1531 : vector<16xf32>
      %get3A_1533 = arith.constant 4 : i32
      %get3A_1534 = arith.index_cast %get3A_1533 : i32 to index
      %get3A_1535 = arith.index_cast %add3A_1502 : i32 to index
      %get3A_1536 = arith.constant 0 : index
      %get3A_1537 = tpu.vector_load %arg17[%get3A_1534, %get3A_1535, %get3A_1536] {strides = array<i32>} : memref<9x512x16xf32, #tpu.memory_space<vmem>>, vector<16xf32>,
      %add3A_1538 = arith.addf %add3A_1530, %get3A_1537 : vector<16xf32>
      %mul3A_1539 = arith.mulf %get3A_1537, %get3A_1537 : vector<16xf32>
      %add3A_1540 = arith.addf %add3A_1532, %mul3A_1539 : vector<16xf32>
      %get3A_1541 = arith.constant 5 : i32
      %get3A_1542 = arith.index_cast %get3A_1541 : i32 to index
      %get3A_1543 = arith.index_cast %add3A_1502 : i32 to index
      %get3A_1544 = arith.constant 0 : index
      %get3A_1545 = tpu.vector_load %arg17[%get3A_1542, %get3A_1543, %get3A_1544] {strides = array<i32>} : memref<9x512x16xf32, #tpu.memory_space<vmem>>, vector<16xf32>,
      %add3A_1546 = arith.addf %add3A_1538, %get3A_1545 : vector<16xf32>
      %mul3A_1547 = arith.mulf %get3A_1545, %get3A_1545 : vector<16xf32>
      %add3A_1548 = arith.addf %add3A_1540, %mul3A_1547 : vector<16xf32>
      %get3A_1549 = arith.constant 6 : i32
      %get3A_1550 = arith.index_cast %get3A_1549 : i32 to index
      %get3A_1551 = arith.index_cast %add3A_1502 : i32 to index
      %get3A_1552 = arith.constant 0 : index
      %get3A_1553 = tpu.vector_load %arg17[%get3A_1550, %get3A_1551, %get3A_1552] {strides = array<i32>} : memref<9x512x16xf32, #tpu.memory_space<vmem>>, vector<16xf32>,
      %add3A_1554 = arith.addf %add3A_1546, %get3A_1553 : vector<16xf32>
      %mul3A_1555 = arith.mulf %get3A_1553, %get3A_1553 : vector<16xf32>
      %add3A_1556 = arith.addf %add3A_1548, %mul3A_1555 : vector<16xf32>
      %get3A_1557 = arith.constant 7 : i32
      %get3A_1558 = arith.index_cast %get3A_1557 : i32 to index
      %get3A_1559 = arith.index_cast %add3A_1502 : i32 to index
      %get3A_1560 = arith.constant 0 : index
      %get3A_1561 = tpu.vector_load %arg17[%get3A_1558, %get3A_1559, %get3A_1560] {strides = array<i32>} : memref<9x512x16xf32, #tpu.memory_space<vmem>>, vector<16xf32>,
      %add3A_1562 = arith.addf %add3A_1554, %get3A_1561 : vector<16xf32>
      %mul3A_1563 = arith.mulf %get3A_1561, %get3A_1561 : vector<16xf32>
      %add3A_1564 = arith.addf %add3A_1556, %mul3A_1563 : vector<16xf32>
      %get3A_1565 = arith.constant 8 : i32
      %get3A_1566 = arith.index_cast %get3A_1565 : i32 to index
      %get3A_1567 = arith.index_cast %add3A_1502 : i32 to index
      %get3A_1568 = arith.constant 0 : index
      %get3A_1569 = tpu.vector_load %arg17[%get3A_1566, %get3A_1567, %get3A_1568] {strides = array<i32>} : memref<9x512x16xf32, #tpu.memory_space<vmem>>, vector<16xf32>,
      %add3A_1570 = arith.addf %add3A_1562, %get3A_1569 : vector<16xf32>
      %mul3A_1571 = arith.mulf %get3A_1569, %get3A_1569 : vector<16xf32>
      %add3A_1572 = arith.addf %add3A_1564, %mul3A_1571 : vector<16xf32>
      %mul3A_1573 = arith.mulf %add3A_1570, %add3A_1570 : vector<16xf32>
      %sub3A_1574 = arith.subf %mul3A_1573, %add3A_1572 : vector<16xf32>
      %swap3A_1575 = arith.constant 15 : i32
      %swap3A_1576 = arith.index_cast %swap3A_1575 : i32 to index
      %swap3A_1577 = arith.constant 0 : index
      %swap3A_1578 = tpu.vector_load %arg32[%swap3A_1576, %swap3A_1577] {strides = array<i32>} : memref<16x16xf32, #tpu.memory_space<vmem>>, vector<16xf32>,
      tpu.vector_store %arg32[%swap3A_1576, %swap3A_1577], %sub3A_1574 {strides = array<i32>} : memref<16x16xf32, #tpu.memory_space<vmem>>, vector<16xf32>,
      %broadcast_in_dim3A = arith.constant 0.000000e+00 : f32
      %broadcast_in_dim3A_1579 = vector.broadcast %broadcast_in_dim3A : f32 to vector<16xf32>
      %broadcast_in_dim3A_1580 = arith.constant 0 : i32
      %broadcast_in_dim3A_1581 = vector.broadcast %broadcast_in_dim3A_1580 : i32 to vector<16xi32>
      %gather3A = tpu.vector_load_idx %arg32[%iota3A, %broadcast_in_dim3A_1581] : memref<16x16xf32, #tpu.memory_space<vmem>>[vector<16xi32>, vector<16xi32>], vector<16xf32>,
      %add3A_1582 = arith.addf %broadcast_in_dim3A_1579, %gather3A : vector<16xf32>
      %broadcast_in_dim3A_1583 = arith.constant 1 : i32
      %broadcast_in_dim3A_1584 = vector.broadcast %broadcast_in_dim3A_1583 : i32 to vector<16xi32>
      %gather3A_1585 = tpu.vector_load_idx %arg32[%iota3A, %broadcast_in_dim3A_1584] : memref<16x16xf32, #tpu.memory_space<vmem>>[vector<16xi32>, vector<16xi32>], vector<16xf32>,
      %add3A_1586 = arith.addf %add3A_1582, %gather3A_1585 : vector<16xf32>
      %broadcast_in_dim3A_1587 = arith.constant 2 : i32
      %broadcast_in_dim3A_1588 = vector.broadcast %broadcast_in_dim3A_1587 : i32 to vector<16xi32>
      %gather3A_1589 = tpu.vector_load_idx %arg32[%iota3A, %broadcast_in_dim3A_1588] : memref<16x16xf32, #tpu.memory_space<vmem>>[vector<16xi32>, vector<16xi32>], vector<16xf32>,
      %add3A_1590 = arith.addf %add3A_1586, %gather3A_1589 : vector<16xf32>
      %broadcast_in_dim3A_1591 = arith.constant 3 : i32
      %broadcast_in_dim3A_1592 = vector.broadcast %broadcast_in_dim3A_1591 : i32 to vector<16xi32>
      %gather3A_1593 = tpu.vector_load_idx %arg32[%iota3A, %broadcast_in_dim3A_1592] : memref<16x16xf32, #tpu.memory_space<vmem>>[vector<16xi32>, vector<16xi32>], vector<16xf32>,
      %add3A_1594 = arith.addf %add3A_1590, %gather3A_1593 : vector<16xf32>
      %broadcast_in_dim3A_1595 = arith.constant 4 : i32
      %broadcast_in_dim3A_1596 = vector.broadcast %broadcast_in_dim3A_1595 : i32 to vector<16xi32>
      %gather3A_1597 = tpu.vector_load_idx %arg32[%iota3A, %broadcast_in_dim3A_1596] : memref<16x16xf32, #tpu.memory_space<vmem>>[vector<16xi32>, vector<16xi32>], vector<16xf32>,
      %add3A_1598 = arith.addf %add3A_1594, %gather3A_1597 : vector<16xf32>
      %broadcast_in_dim3A_1599 = arith.constant 5 : i32
      %broadcast_in_dim3A_1600 = vector.broadcast %broadcast_in_dim3A_1599 : i32 to vector<16xi32>
      %gather3A_1601 = tpu.vector_load_idx %arg32[%iota3A, %broadcast_in_dim3A_1600] : memref<16x16xf32, #tpu.memory_space<vmem>>[vector<16xi32>, vector<16xi32>], vector<16xf32>,
      %add3A_1602 = arith.addf %add3A_1598, %gather3A_1601 : vector<16xf32>
      %broadcast_in_dim3A_1603 = arith.constant 6 : i32
      %broadcast_in_dim3A_1604 = vector.broadcast %broadcast_in_dim3A_1603 : i32 to vector<16xi32>
      %gather3A_1605 = tpu.vector_load_idx %arg32[%iota3A, %broadcast_in_dim3A_1604] : memref<16x16xf32, #tpu.memory_space<vmem>>[vector<16xi32>, vector<16xi32>], vector<16xf32>,
      %add3A_1606 = arith.addf %add3A_1602, %gather3A_1605 : vector<16xf32>
      %broadcast_in_dim3A_1607 = arith.constant 7 : i32
      %broadcast_in_dim3A_1608 = vector.broadcast %broadcast_in_dim3A_1607 : i32 to vector<16xi32>
      %gather3A_1609 = tpu.vector_load_idx %arg32[%iota3A, %broadcast_in_dim3A_1608] : memref<16x16xf32, #tpu.memory_space<vmem>>[vector<16xi32>, vector<16xi32>], vector<16xf32>,
      %add3A_1610 = arith.addf %add3A_1606, %gather3A_1609 : vector<16xf32>
      %broadcast_in_dim3A_1611 = arith.constant 8 : i32
      %broadcast_in_dim3A_1612 = vector.broadcast %broadcast_in_dim3A_1611 : i32 to vector<16xi32>
      %gather3A_1613 = tpu.vector_load_idx %arg32[%iota3A, %broadcast_in_dim3A_1612] : memref<16x16xf32, #tpu.memory_space<vmem>>[vector<16xi32>, vector<16xi32>], vector<16xf32>,
      %add3A_1614 = arith.addf %add3A_1610, %gather3A_1613 : vector<16xf32>
      %broadcast_in_dim3A_1615 = arith.constant 9 : i32
      %broadcast_in_dim3A_1616 = vector.broadcast %broadcast_in_dim3A_1615 : i32 to vector<16xi32>
      %gather3A_1617 = tpu.vector_load_idx %arg32[%iota3A, %broadcast_in_dim3A_1616] : memref<16x16xf32, #tpu.memory_space<vmem>>[vector<16xi32>, vector<16xi32>], vector<16xf32>,
      %add3A_1618 = arith.addf %add3A_1614, %gather3A_1617 : vector<16xf32>
      %broadcast_in_dim3A_1619 = arith.constant 10 : i32
      %broadcast_in_dim3A_1620 = vector.broadcast %broadcast_in_dim3A_1619 : i32 to vector<16xi32>
      %gather3A_1621 = tpu.vector_load_idx %arg32[%iota3A, %broadcast_in_dim3A_1620] : memref<16x16xf32, #tpu.memory_space<vmem>>[vector<16xi32>, vector<16xi32>], vector<16xf32>,
      %add3A_1622 = arith.addf %add3A_1618, %gather3A_1621 : vector<16xf32>
      %broadcast_in_dim3A_1623 = arith.constant 11 : i32
      %broadcast_in_dim3A_1624 = vector.broadcast %broadcast_in_dim3A_1623 : i32 to vector<16xi32>
      %gather3A_1625 = tpu.vector_load_idx %arg32[%iota3A, %broadcast_in_dim3A_1624] : memref<16x16xf32, #tpu.memory_space<vmem>>[vector<16xi32>, vector<16xi32>], vector<16xf32>,
      %add3A_1626 = arith.addf %add3A_1622, %gather3A_1625 : vector<16xf32>
      %broadcast_in_dim3A_1627 = arith.constant 12 : i32
      %broadcast_in_dim3A_1628 = vector.broadcast %broadcast_in_dim3A_1627 : i32 to vector<16xi32>
      %gather3A_1629 = tpu.vector_load_idx %arg32[%iota3A, %broadcast_in_dim3A_1628] : memref<16x16xf32, #tpu.memory_space<vmem>>[vector<16xi32>, vector<16xi32>], vector<16xf32>,
      %add3A_1630 = arith.addf %add3A_1626, %gather3A_1629 : vector<16xf32>
      %broadcast_in_dim3A_1631 = arith.constant 13 : i32
      %broadcast_in_dim3A_1632 = vector.broadcast %broadcast_in_dim3A_1631 : i32 to vector<16xi32>
      %gather3A_1633 = tpu.vector_load_idx %arg32[%iota3A, %broadcast_in_dim3A_1632] : memref<16x16xf32, #tpu.memory_space<vmem>>[vector<16xi32>, vector<16xi32>], vector<16xf32>,
      %add3A_1634 = arith.addf %add3A_1630, %gather3A_1633 : vector<16xf32>
      %broadcast_in_dim3A_1635 = arith.constant 14 : i32
      %broadcast_in_dim3A_1636 = vector.broadcast %broadcast_in_dim3A_1635 : i32 to vector<16xi32>
      %gather3A_1637 = tpu.vector_load_idx %arg32[%iota3A, %broadcast_in_dim3A_1636] : memref<16x16xf32, #tpu.memory_space<vmem>>[vector<16xi32>, vector<16xi32>], vector<16xf32>,
      %add3A_1638 = arith.addf %add3A_1634, %gather3A_1637 : vector<16xf32>
      %broadcast_in_dim3A_1639 = arith.constant 15 : i32
      %broadcast_in_dim3A_1640 = vector.broadcast %broadcast_in_dim3A_1639 : i32 to vector<16xi32>
      %gather3A_1641 = tpu.vector_load_idx %arg32[%iota3A, %broadcast_in_dim3A_1640] : memref<16x16xf32, #tpu.memory_space<vmem>>[vector<16xi32>, vector<16xi32>], vector<16xf32>,
      %add3A_1642 = arith.addf %add3A_1638, %gather3A_1641 : vector<16xf32>
      %get3A_1643 = arith.index_cast %mul3A_332 : i32 to index
      %get3A_1644 = tpu.vector_load %arg18[%get3A_1643] {strides = array<i32>} : memref<512xf32, #tpu.memory_space<vmem>>, vector<16xf32>,
      %add3A_1645 = arith.addf %get3A_325, %get3A_1644 : vector<16xf32>
      %get3A_1646 = arith.index_cast %mul3A_332 : i32 to index
      %get3A_1647 = tpu.vector_load %arg19[%get3A_1646] {strides = array<i32>} : memref<512xf32, #tpu.memory_space<vmem>>, vector<16xf32>,
      %add3A_1648 = arith.addf %add3A_1645, %get3A_1647 : vector<16xf32>
      %get3A_1649 = arith.index_cast %mul3A_332 : i32 to index
      %get3A_1650 = tpu.vector_load %arg20[%get3A_1649] {strides = array<i32>} : memref<512xf32, #tpu.memory_space<vmem>>, vector<16xf32>,
      %add3A_1651 = arith.addf %add3A_1648, %get3A_1650 : vector<16xf32>
      %get3A_1652 = arith.index_cast %mul3A_332 : i32 to index
      %get3A_1653 = tpu.vector_load %arg21[%get3A_1652] {strides = array<i32>} : memref<512xf32, #tpu.memory_space<vmem>>, vector<16xf32>,
      %add3A_1654 = arith.addf %add3A_1651, %get3A_1653 : vector<16xf32>
      %get3A_1655 = arith.index_cast %mul3A_332 : i32 to index
      %get3A_1656 = tpu.vector_load %arg22[%get3A_1655] {strides = array<i32>} : memref<512xf32, #tpu.memory_space<vmem>>, vector<16xf32>,
      %add3A_1657 = arith.addf %add3A_1654, %get3A_1656 : vector<16xf32>
      %get3A_1658 = arith.index_cast %mul3A_332 : i32 to index
      %get3A_1659 = tpu.vector_load %arg23[%get3A_1658] {strides = array<i32>} : memref<512xf32, #tpu.memory_space<vmem>>, vector<16xf32>,
      %add3A_1660 = arith.addf %add3A_1657, %get3A_1659 : vector<16xf32>
      %get3A_1661 = arith.index_cast %mul3A_332 : i32 to index
      %get3A_1662 = tpu.vector_load %arg24[%get3A_1661] {strides = array<i32>} : memref<512xf32, #tpu.memory_space<vmem>>, vector<16xf32>,
      %get3A_1663 = arith.index_cast %mul3A_332 : i32 to index
      %get3A_1664 = tpu.vector_load %arg27[%get3A_1663] {strides = array<i32>} : memref<512xf32, #tpu.memory_space<vmem>>, vector<16xf32>,
      %mul3A_1665 = arith.mulf %get3A_1662, %get3A_1664 : vector<16xf32>
      %add3A_1666 = arith.addf %add3A_1660, %mul3A_1665 : vector<16xf32>
      %get3A_1667 = arith.index_cast %mul3A_332 : i32 to index
      %get3A_1668 = tpu.vector_load %arg25[%get3A_1667] {strides = array<i32>} : memref<512xf32, #tpu.memory_space<vmem>>, vector<16xf32>,
      %get3A_1669 = arith.index_cast %mul3A_332 : i32 to index
      %get3A_1670 = tpu.vector_load %arg28[%get3A_1669] {strides = array<i32>} : memref<512xf32, #tpu.memory_space<vmem>>, vector<16xf32>,
      %mul3A_1671 = arith.mulf %get3A_1668, %get3A_1670 : vector<16xf32>
      %add3A_1672 = arith.addf %add3A_1666, %mul3A_1671 : vector<16xf32>
      %get3A_1673 = arith.index_cast %mul3A_332 : i32 to index
      %get3A_1674 = tpu.vector_load %arg26[%get3A_1673] {strides = array<i32>} : memref<512xf32, #tpu.memory_space<vmem>>, vector<16xf32>,
      %get3A_1675 = arith.index_cast %mul3A_332 : i32 to index
      %get3A_1676 = tpu.vector_load %arg29[%get3A_1675] {strides = array<i32>} : memref<512xf32, #tpu.memory_space<vmem>>, vector<16xf32>,
      %mul3A_1677 = arith.mulf %get3A_1674, %get3A_1676 : vector<16xf32>
      %add3A_1678 = arith.addf %add3A_1672, %mul3A_1677 : vector<16xf32>
      %mul3A_1679 = arith.constant 5.000000e-01 : f32
      %mul3A_1680 = vector.broadcast %mul3A_1679 : f32 to vector<16xf32>
      %mul3A_1681 = arith.mulf %mul3A_1680, %add3A_1642 : vector<16xf32>
      %add3A_1682 = arith.addf %add3A_1678, %mul3A_1681 : vector<16xf32>
      %neg3A = arith.constant 0.000000e+00 : f32
      %neg3A_1683 = vector.broadcast %neg3A : f32 to vector<16xf32>
      %neg3A_1684 = arith.subf %neg3A_1683, %add3A_1682 : vector<16xf32>
      %exp3A = math.exp %neg3A_1684 : vector<16xf32>
      %add3A_1685 = arith.constant 1.000000e+00 : f32
      %add3A_1686 = vector.broadcast %add3A_1685 : f32 to vector<16xf32>
      %add3A_1687 = arith.addf %add3A_1686, %exp3A : vector<16xf32>
      %div3A = arith.constant 1.000000e+00 : f32
      %div3A_1688 = vector.broadcast %div3A : f32 to vector<16xf32>
      %div3A_1689 = arith.divf %div3A_1688, %add3A_1687 : vector<16xf32>
      %swap3A_1690 = arith.index_cast %mul3A_332 : i32 to index
      %swap3A_1691 = tpu.vector_load %arg30[%swap3A_1690] {strides = array<i32>} : memref<512xf32, #tpu.memory_space<vmem>>, vector<16xf32>,
      tpu.vector_store %arg30[%swap3A_1690], %div3A_1689 {strides = array<i32>} : memref<512xf32, #tpu.memory_space<vmem>>, vector<16xf32>,
    }
    %scan3A_329 = arith.constant 32 : i32
    "tpu.region"() ({
      %run_scoped3A = tpu.sem_alloc : memref<!tpu.dma_semaphore, #tpu.memory_space<semaphore_mem>>
      %dma_start3A_330 = tpu.memref_slice %arg7[%mul3A_2] : memref<16384xf32, #tpu.memory_space<hbm>> -> memref<512xf32, #tpu.memory_space<hbm>>
      %dma_start3A_331 = tpu.memref_slice %arg7[%mul3A_2] : memref<16384xf32, #tpu.memory_space<hbm>> -> memref<512xf32, #tpu.memory_space<hbm>>
      tpu.enqueue_dma source(%arg30 : memref<512xf32, #tpu.memory_space<vmem>>) target(%dma_start3A_331 : memref<512xf32, #tpu.memory_space<hbm>>) target_semaphore(%run_scoped3A : memref<!tpu.dma_semaphore, #tpu.memory_space<semaphore_mem>>)
      %dma_wait3A_332 = tpu.memref_slice %arg7[%mul3A_2] : memref<16384xf32, #tpu.memory_space<hbm>> -> memref<512xf32, #tpu.memory_space<hbm>>
      %dma_wait3A_333 = tpu.memref_slice %arg7[%mul3A_2] : memref<16384xf32, #tpu.memory_space<hbm>> -> memref<512xf32, #tpu.memory_space<hbm>>
      tpu.wait_dma2 semaphore(%run_scoped3A : memref<!tpu.dma_semaphore, #tpu.memory_space<semaphore_mem>>) src(%arg30 : memref<512xf32, #tpu.memory_space<vmem>>) dst(%dma_wait3A_333 : memref<512xf32, #tpu.memory_space<hbm>>)
      tpu.yield
    }) : () -> ()
    return
  }
}

</mosaic_0001>

<sc_bundles>
// kernel: kernel.3.cloned.1.call-start
scs
__scs_entry_jumppad:
0x0: {  	(pc) =	sbr.rel $0x88, $3  }
0x1: {  	(tag) =	ssettag $0x0;
	lr =	simm.s32 $0x1  }
0x2: {  	[smem:$0x3F9D] =	sst lr;
	_ =	strace $0xD0000000  }
0x3: {  	_ = 	snop  }
0x4: {  	_ = 	snop  }
0x5: {  	_ = 	snop  }
0x6: {  	_ = 	snop  }
0x7: {  	_ = 	snop  }
__scs_overlays_trampoline_lowered:
0x8: {  	[smem:$0x3FAC] =	sst s0  }
0x9: {  	[smem:$0x3FAD] =	sst s1  }
0xa: {  	[smem:$0x3FAE] =	sst s2  }
0xb: {  	[smem:$0x3FAF] =	sst s3  }
0xc: {  	[smem:$0x3FB0] =	sst s4  }
0xd: {  	[smem:$0x3FB1] =	sst s5  }
0xe: {  	[smem:$0x3FB2] =	sst s6  }
0xf: {  	[smem:$0x3FB3] =	sst s7  }
0x10: {  	[smem:$0x3FB4] =	sst s8  }
0x11: {  	[smem:$0x3FB5] =	sst s9;
	s0 =	simm.s32 @!p0 $0x0  }
0x12: {  	s1 =	sld [smem:$0x3F9B];
	s0 =	simm.s32 @p0 $0x1  }
0x13: {  	[smem:$0x3FB6] =	sst s0;
	s0 =	simm.s32 @!p1 $0x0  }
0x14: {  	s2 =	sld [smem:$0x3F9A];
	s0 =	simm.s32 @p1 $0x1  }
0x15: {  	[smem:$0x3FB7] =	sst s0;
	s0 =	simm.s32 @!p2 $0x0  }
0x16: {  	s3 =	sld [smem:$0x3FDB];
	s0 =	simm.s32 @p2 $0x1  }
0x17: {  	s4 =	simm.s32 $0x1BF5;
	[smem:$0x3FB9] =	sst s0  }
0x18: {  	s0 =	sld [smem:$0x3F9C];
	_ =	swait.ge [sflag:s4], $0x0  }
0x19: {  	s7 =	sld [smem:$0x3F9D]  }
0x1a: {  	s8 =	sadd.s32 $0xFFFFE003, lr  }
0x1b: {  	s9 =	sadd.s32 $0xFFFFFEF7, lr;
	s5 =	simm.s32 $0xFFFFFFFF;
	p2 =	slt.u32 s8, $0xFFFFF086  }
0x1c: {  	p1 =	slt.u32 s9, $0xF7A;
	s5 =	simm.s32 @!p2 $0x0  }
0x1d: {  	s5 =	simm.s32 @p1 $0x1;
	p0 =	seq.s32 s7, s2  }
0x1e: {  	s7 =	smul.u32 @!p0 $0xF7A, s2;
	p2 =	seq.s32 @!p0 s5, $0x0  }
0x1f: {  	s9 =	smul.u32 $0xF7A, s1;
	s8 =	simm.s32 @!p0 $0x1BF5;
	p2 =	por !p2, p0  }
0x20: {  	[sflag:s8] =	ssyncset.s32 @!p0 $0xFFFFF086;
	s6 =	sadd.s32 @!p0 s3, s7;
	s7 =	simm.s32 @!p0 $0x108  }
0x21: {  	s3 =	sadd.s32 s3, s9;
	s6 =	sadd.s32 @!p0 $0x88, s6;
	s7 =	simm.s32 @p2 $0x1082  }
0x22: {  	[simem:s7], [sflag:s8] =	dma.local @!p0 [hbm:s6], $0xF7A  }
0x23: {  	s9 =	sor.u32 $0xD0000000, s2;
	s6 =	simm.s32 $0x108;
	_ =	swait.ge @!p0 [sflag:s8], $0x0  }
0x24: {  	s3 =	sadd.s32 $0x88, s3;
	s6 =	simm.s32 @!p1 $0x1082;
	[sflag:s4] =	ssyncset.s32 $0xFFFFF086  }
0x25: {  	[simem:s6], [sflag:s4] =	dma.local [hbm:s3], $0xF7A  }
0x26: {  	[smem:$0x3F9D] =	sst s1;
	(tag) =	ssettag s2;
	_ =	strace s9  }
0x27: {  	s1 =	sld [smem:$0x3FAD]  }
0x28: {  	s2 =	sld [smem:$0x3FAE]  }
0x29: {  	s4 =	sld [smem:$0x3FB0]  }
0x2a: {  	p0 =	seq.s32 s5, $0x0;
	s5 =	sld [smem:$0x3FB1]  }
0x2b: {  	s6 =	sld [smem:$0x3FB2]  }
0x2c: {  	s7 =	sld [smem:$0x3FB3]  }
0x2d: {  	s3 =	simm.s32 $0x108;
	s8 =	sld [smem:$0x3FB4]  }
0x2e: {  	s3 =	simm.s32 @!p0 $0x1082;
	s9 =	sld [smem:$0x3FB5]  }
0x2f: {  	lr =	sadd.s32 s0, s3;
	s0 =	sld [smem:$0x3FAC]  }
0x30: {  	s3 =	sld [smem:$0x3FAF]  }
0x31: {  	[smem:$0x3FB8] =	sst s10  }
0x32: {  	s10 =	sld [smem:$0x3FB6];
	_ =	sdelay $0x3  }
0x33: {  	p0 =	seq.s32 s10, $0x1;
	s10 =	sld [smem:$0x3FB8];
	_ =	sdelay $0x3  }
0x34: {  	[smem:$0x3FB8] =	sst s10  }
0x35: {  	s10 =	sld [smem:$0x3FB7];
	_ =	sdelay $0x3  }
0x36: {  	p1 =	seq.s32 s10, $0x1;
	s10 =	sld [smem:$0x3FB8];
	_ =	sdelay $0x3  }
0x37: {  	[smem:$0x3FB8] =	sst s10  }
0x38: {  	s10 =	sld [smem:$0x3FB9]  }
0x39: {  	_ = 	snop;
	(pc) =	sbr.ind lr, $3  }
0x3a: {  	_ = 	snop  }
0x3b: {  	_ = 	snop  }
0x3c: {  	p2 =	seq.s32 s10, $0x1;
	s10 =	sld [smem:$0x3FB8]  }
0x3d: {  	_ =	shalt  }
0x3e: {  	_ =	shalt  }
0x3f: {  	_ =	shalt  }
0x40: {  	_ =	shalt  }
0x41: {  	_ =	shalt  }
0x42: {  	_ =	shalt  }
0x43: {  	_ =	shalt  }
0x44: {  	_ =	shalt  }
0x45: {  	_ =	shalt  }
0x46: {  	_ =	shalt  }
0x47: {  	_ =	shalt  }
0x48: {  	_ =	shalt  }
0x49: {  	_ =	shalt  }
0x4a: {  	_ =	shalt  }
0x4b: {  	_ =	shalt  }
0x4c: {  	_ =	shalt  }
0x4d: {  	_ =	shalt  }
0x4e: {  	_ =	shalt  }
0x4f: {  	_ =	shalt  }
0x50: {  	_ =	shalt  }
0x51: {  	_ =	shalt  }
0x52: {  	_ =	shalt  }
0x53: {  	_ =	shalt  }
0x54: {  	_ =	shalt  }
0x55: {  	_ =	shalt  }
0x56: {  	_ =	shalt  }
0x57: {  	_ =	shalt  }
0x58: {  	_ =	shalt  }
0x59: {  	_ =	shalt  }
0x5a: {  	_ =	shalt  }
0x5b: {  	_ =	shalt  }
0x5c: {  	_ =	shalt  }
0x5d: {  	_ =	shalt  }
0x5e: {  	_ =	shalt  }
0x5f: {  	_ =	shalt  }
0x60: {  	_ =	shalt  }
0x61: {  	_ =	shalt  }
0x62: {  	_ =	shalt  }
0x63: {  	_ =	shalt  }
0x64: {  	_ =	shalt  }
0x65: {  	_ =	shalt  }
0x66: {  	_ =	shalt  }
0x67: {  	_ =	shalt  }
0x68: {  	_ =	shalt  }
0x69: {  	_ =	shalt  }
0x6a: {  	_ =	shalt  }
0x6b: {  	_ =	shalt  }
0x6c: {  	_ =	shalt  }
0x6d: {  	_ =	shalt  }
0x6e: {  	_ =	shalt  }
0x6f: {  	_ =	shalt  }
0x70: {  	_ =	shalt  }
0x71: {  	_ =	shalt  }
0x72: {  	_ =	shalt  }
0x73: {  	_ =	shalt  }
0x74: {  	_ =	shalt  }
0x75: {  	_ =	shalt  }
0x76: {  	_ =	shalt  }
0x77: {  	_ =	shalt  }
0x78: {  	_ =	shalt  }
0x79: {  	_ =	shalt  }
0x7a: {  	_ =	shalt  }
0x7b: {  	_ =	shalt  }
0x7c: {  	_ =	shalt  }
0x7d: {  	_ =	shalt  }
0x7e: {  	_ =	shalt  }
0x7f: {  	_ =	shalt  }
0x80: {  	_ =	shalt  }
0x81: {  	_ =	shalt  }
0x82: {  	_ =	shalt  }
0x83: {  	_ =	shalt  }
0x84: {  	_ =	shalt  }
0x85: {  	_ =	shalt  }
0x86: {  	_ =	shalt  }
0x87: {  	_ =	shalt  }
.Lfunc_end0:
.L_simem_size_0:
called_computation_lowered:
.L_overlay_start_0:
0x88: {  	s2 =	sld [smem:$0x3FD9]  }
0x89: {  	s3 =	sld [smem:$0x3FFE];
	_ =	sdelay $0x1  }
0x8a: {  	s1 =	srdreg.scid  }
0x8b: {  	s0 =	sand.u32 $0x1, s1  }
0x8c: {  	s17 =	sshll.u32 s0, $0xA;
	s2 =	sadd.s32 s3, s2  }
0x8d: {  	s2 =	sadd.s32 s2, s17  }
0x8e: {  	[smem:$0x3FC4] =	sst s2  }
0x8f: {  	_ = 	snop  }
0x90: {  	s2 =	sld [smem:$0x3FD0];
	(tm) =	ssettm $0x1  }
0x91: {  	s18 =	sld [smem:$0x3FFB];
	_ =	sdelay $0x3  }
0x92: {  	_ =	strace s18  }
0x93: {  	s3 =	sld [smem:$0x3FFC];
	_ =	sdelay $0x3  }
0x94: {  	_ =	strace s3  }
0x95: {  	s3 =	sld [smem:$0x3FFD];
	_ =	sdelay $0x3  }
0x96: {  	_ =	strace s3  }
0x97: {  	_ =	strace $0x8FFFFFFF  }
0x98: {  	s19 =	sld [smem:$0x3FDB];
	_ =	sdelay $0x1  }
0x99: {  	s4 =	simm.s32 $_scs_section_size  }
0x9a: {  	s5 =	simm.s32 $_size__tile_overlayer_lowered;
	s6 =	simm.s32 $_tile_overlayer_lowered  }
0x9b: {  	s22 =	simm.s32 $0x1BFF;
	s21 =	sshll.u32 s6, $0x1;
	s3 =	sadd.s32 s4, s19  }
0x9c: {  	s7 =	simm.s32 $0x0;
	s20 =	sshll.u32 s5, $0x1;
	s5 =	sadd.s32 s21, s3  }
0x9d: {  	[timem:s7], [sflag:s22] =	dma.local [hbm:s5], s20  }
0x9e: {  	_ =	swait.ge [sflag:s22], s20  }
0x9f: {  	s4 =	ssub.s32 $0x0, s20;
	[sflag:s22] =	ssyncset.done $0x0  }
0xa0: {  	[sflag:s22] =	ssyncadd.s32 s4;
	_ =	sdelay $0x1  }
0xa1: {  	s23 =	simm.s32 $0x1B8B  }
0xa2: {  	_ =	swait.ge [sflag:s23], $0x1  }
0xa3: {  	[sflag:s23] =	ssyncset.done $0x0  }
0xa4: {  	s25 =	simm.s32 $0x1B8E;
	s24 =	sld [smem:$0x3FFE];
	[sflag:s23] =	ssyncadd.s32 $0xFFFFFFFF  }
0xa5: {  	s26 =	simm.s32 $execute0_lowered;
	[smem:$0x3FD2] =	sst s25  }
0xa6: {  	s5 =	sshll.u32 s26, $0x1;
	_ =	strace $0x80000046;
	[dreg:$0x1] =	wrdreg $0xFFFFFFFF  }
0xa7: {  	s28 =	simm.s32 $_size_execute0_lowered;
	s3 =	sadd.s32 s3, s5;
	[dreg:$0x0] =	wrdreg $0x0  }
0xa8: {  	s5 =	sshll.u32 s28, $0x1;
	[dreg:$0x2] =	wrdreg s3  }
0xa9: {  	[dreg:$0x3] =	wrdreg s5  }
0xaa: {  	[dreg:$0x4] =	wrdreg $0xC0  }
0xab: {  	_ =	task [dreg:s7], $0x5FFFF  }
0xac: {  	[dreg:$0x1] =	wrdreg $0xFFFFFFFF  }
0xad: {  	[dreg:$0x0] =	wrdreg $0x60  }
0xae: {  	[dreg:$0x2] =	wrdreg s24  }
0xaf: {  	[dreg:$0x3] =	wrdreg s2  }
0xb0: {  	[dreg:$0x4] =	wrdreg $0x9  }
0xb1: {  	_ =	task.clear_ibuf [dreg:s7], $0x5FFFF;
	_ =	strace $0x90000046  }
0xb2: {  	s29 =	simm.s32 $0x9;
	_ =	strace $0x80000048  }
0xb3: {  	_ =	swait.ge [sflag:s29], $0x1  }
0xb4: {  	[sflag:s29] =	ssyncadd.s32 $0xFFFFFFFF  }
0xb5: {  	_ =	strace $0x90000048  }
0xb6: {  	_ =	sfence  }
0xb7: {  	s30 =	sld [smem:$0x0];
	_ =	sdelay $0x2  }
0xb8: {  	s31 =	sshll.u32 s1, $0xD;
	s1 =	sshrl.u32 s1, $0x2  }
0xb9: {  	s3 =	sand.u32 $0x4000, s31;
	s1 =	sadd.s32 s1, s30  }
0xba: {  	s0 =	sor.u32 s3, s0;
	s1 =	sshll.u32 s1, $0x11  }
0xbb: {  	s0 =	sor.u32 s1, s0  }
0xbc: {  	s0 =	sadd.s32 $0x8F2B, s0  }
0xbd: {  	[sflag:s0] =	ssyncadd.remote.s32 $0x1  }
0xbe: {  	_ =	sfence.sel $0xFFFF  }
0xbf: {  	[dreg:$0x0] =	wrdreg $0xFFFFFFFF;
	(pc) =	sbr.abs _section_cstart, $3  }
0xc0: {  	[dreg:$0x1] =	wrdreg $0xFFFFFFFF  }
0xc1: {  	_ =	task.clear_ibuf [dreg:s7], $0x2FFFF;
	_ =	strace $0x9FFFFFFF  }
0xc2: {  	(tm) =	ssettm $0x7FFFFFFF  }
0xc3: {  	_ =	shalt  }
tec
execute0_lowered:
.L_overlay_start_1:
0x0: {  	(tag) =	ssettag $0x1  }
0x1: {  	s0 =	rddreg [dreg:$0x0]  }
0x2: {  	s2 =	rddreg [dreg:$0x1];
	s1 =	simm.s32 $0x0;
	s4 =	srdreg.scid  }
0x3: {  	s10 =	stileid.u32;
	s20 =	simm.s32 $0x200;
	s21 =	simm.s32 $0x400  }
0x4: {  	s22 =	simm.s32 $0x600;
	s23 =	simm.s32 $0x800;
	s24 =	simm.s32 $0xA00  }
0x5: {  	s28 =	simm.s32 $0x1000;
	s31 =	simm.s32 $0x14C10;
	s29 =	simm.s32 $0x2  }
0x6: {  	s30 =	simm.s32 $0x0;
	[smem:$0x7FF] =	sst s1;
	s5 =	sadd.s32 $0x600, s0  }
0x7: {  	s7 =	sadd.s32 $0x4E00, s0;
	s3 =	sadd.s32 $0xF4CA00, s0;
	s6 =	sand.u32 $0x1, s4  }
0x8: {  	s4 =	sadd.s32 $0xA600, s0;
	s10 =	sshll.u32 s10, $0x7;
	s0 =	sadd.s32 $0x6600, s0  }
0x9: {  	_ =	strace $0x80000047;
	s8 =	ssub.s32 $0x2, s6;
	s6 =	sshll.u32 s6, $0x6  }
0xa: {  	v0 =	vlaneseq.u32;
	[dreg:$0x3] =	wrdreg s0;
	s9 =	sshrl.u32 s8, $0x1;
	s18 =	sor.u32 s6, s10  }
0xb: {  	v0 =	vmul.u32 $0x10, v0;
	s25 =	ssub.s32 s8, s9;
	s6 =	sadd.s32 s5, s18;
	s16 =	sor.u32 $0x800, s18  }
0xc: {  	s17 =	sor.u32 $0x1000, s18;
	s15 =	sadd.s32 s7, s18;
	s18 =	sadd.s32 s2, s18  }
0xd: {  	v1 =	vor.u32 $0x1, v0;
	v2 =	vor.u32 $0x2, v0;
	v3 =	vor.u32 $0x3, v0;
	s2 =	simm.s32 $0x1;
	s26 =	sadd.s32 s5, s16;
	s8 =	sadd.s32 s5, s17  }
0xe: {  	v4 =	vor.u32 $0x4, v0;
	v5 =	vor.u32 $0x5, v0;
	v6 =	vor.u32 $0x6, v0;
	s9 =	sadd.s32 $0x1800, s6;
	s10 =	sadd.s32 $0x2000, s6;
	s11 =	sadd.s32 $0x2800, s6  }
0xf: {  	v7 =	vor.u32 $0x7, v0;
	v8 =	vor.u32 $0x8, v0;
	v9 =	vor.u32 $0x9, v0;
	s12 =	sadd.s32 $0x3000, s6;
	s13 =	sadd.s32 $0x3800, s6;
	s14 =	sadd.s32 $0x4000, s6  }
0x10: {  	v10 =	vor.u32 $0xA, v0;
	v11 =	vor.u32 $0xB, v0;
	v12 =	vor.u32 $0xC, v0;
	s16 =	sadd.s32 s7, s16;
	s17 =	sadd.s32 s7, s17;
	s19 =	smax.u32 s25, $0x1  }
0x11: {  	v13 =	vor.u32 $0xD, v0;
	v14 =	vor.u32 $0xE, v0;
	v15 =	vor.u32 $0xF, v0;
	s25 =	simm.s32 $0xC00;
	[dreg:$0x4] =	wrdreg s26;
	s26 =	simm.s32 $0xE00  }
.LBB2_1:
0x12: {  	[tilespmem:s1], [sflag:$0x1] =	stream.linear.gather [hbm4b:s6+s1], $0x200, $0x38;
	[tilespmem:$0x14D10] =	vst v63  }
0x13: {  	s0 =	rddreg [dreg:$0x4]  }
0x14: {  	[tilespmem:s20], [sflag:$0x1] =	stream.linear.gather [hbm4b:s0+s1], $0x200, $0x38;
	[tilespmem:$0x14D10] =	vst v63  }
0x15: {  	_ = 	snop  }
0x16: {  	[tilespmem:s21], [sflag:$0x1] =	stream.linear.gather [hbm4b:s8+s1], $0x200, $0x38;
	[tilespmem:$0x14D10] =	vst v63  }
0x17: {  	_ = 	snop  }
0x18: {  	[tilespmem:s22], [sflag:$0x1] =	stream.linear.gather [hbm4b:s9+s1], $0x200, $0x38;
	[tilespmem:$0x14D10] =	vst v63  }
0x19: {  	_ = 	snop  }
0x1a: {  	[tilespmem:s23], [sflag:$0x1] =	stream.linear.gather [hbm4b:s10+s1], $0x200, $0x38;
	[tilespmem:$0x14D10] =	vst v63  }
0x1b: {  	_ = 	snop  }
0x1c: {  	[tilespmem:s24], [sflag:$0x1] =	stream.linear.gather [hbm4b:s11+s1], $0x200, $0x38;
	[tilespmem:$0x14D10] =	vst v63  }
0x1d: {  	_ = 	snop  }
0x1e: {  	[tilespmem:s25], [sflag:$0x1] =	stream.linear.gather [hbm4b:s12+s1], $0x200, $0x38;
	[tilespmem:$0x14D10] =	vst v63  }
0x1f: {  	_ = 	snop  }
0x20: {  	[tilespmem:s26], [sflag:$0x1] =	stream.linear.gather [hbm4b:s13+s1], $0x200, $0x38;
	[tilespmem:$0x14D10] =	vst v63  }
0x21: {  	_ = 	snop  }
0x22: {  	[tilespmem:s28], [sflag:$0x1] =	stream.linear.gather [hbm4b:s14+s1], $0x200, $0x38;
	[tilespmem:$0x14D10] =	vst v63  }
0x23: {  	s5 =	simm.s32 $0x14400  }
0x24: {  	[tilespmem:s5], [sflag:$0x1] =	stream.linear.gather [hbm4b:s15+s1], $0x200, $0x38;
	[tilespmem:$0x14D10] =	vst v63  }
0x25: {  	s7 =	simm.s32 $0x14600  }
0x26: {  	[tilespmem:s7], [sflag:$0x1] =	stream.linear.gather [hbm4b:s16+s1], $0x200, $0x38;
	[tilespmem:$0x14D10] =	vst v63  }
0x27: {  	s5 =	simm.s32 $0x14800  }
0x28: {  	[tilespmem:s5], [sflag:$0x1] =	stream.linear.gather [hbm4b:s17+s1], $0x200, $0x38;
	[tilespmem:$0x14D10] =	vst v63  }
0x29: {  	s7 =	rddreg [dreg:$0x3];
	s5 =	simm.s32 $0x14C00  }
0x2a: {  	[tilespmem:s5], [sflag:$0x1] =	stream.linear.gather [hbm4b:s7+s1], $0x10, $0x38;
	[tilespmem:$0x14D10] =	vst v63  }
0x2b: {  	_ =	swait.ge [sflag:s2], $0x200  }
0x2c: {  	[sflag:s2] =	ssyncset.done $0x0  }
0x2d: {  	[sflag:s2] =	ssyncadd.s32 $0xFFFFFE00  }
0x2e: {  	_ =	swait.ge [sflag:s2], $0x200  }
0x2f: {  	[sflag:s2] =	ssyncset.done $0x0  }
0x30: {  	[sflag:s2] =	ssyncadd.s32 $0xFFFFFE00  }
0x31: {  	_ =	swait.ge [sflag:s2], $0x200  }
0x32: {  	[sflag:s2] =	ssyncset.done $0x0  }
0x33: {  	[sflag:s2] =	ssyncadd.s32 $0xFFFFFE00  }
0x34: {  	_ =	swait.ge [sflag:s2], $0x200  }
0x35: {  	[sflag:s2] =	ssyncset.done $0x0  }
0x36: {  	[sflag:s2] =	ssyncadd.s32 $0xFFFFFE00  }
0x37: {  	_ =	swait.ge [sflag:s2], $0x200  }
0x38: {  	[sflag:s2] =	ssyncset.done $0x0  }
0x39: {  	[sflag:s2] =	ssyncadd.s32 $0xFFFFFE00  }
0x3a: {  	_ =	swait.ge [sflag:s2], $0x200  }
0x3b: {  	[sflag:s2] =	ssyncset.done $0x0  }
0x3c: {  	[sflag:s2] =	ssyncadd.s32 $0xFFFFFE00  }
0x3d: {  	_ =	swait.ge [sflag:s2], $0x200  }
0x3e: {  	[sflag:s2] =	ssyncset.done $0x0  }
0x3f: {  	[sflag:s2] =	ssyncadd.s32 $0xFFFFFE00  }
0x40: {  	_ =	swait.ge [sflag:s2], $0x200  }
0x41: {  	[sflag:s2] =	ssyncset.done $0x0  }
0x42: {  	[sflag:s2] =	ssyncadd.s32 $0xFFFFFE00  }
0x43: {  	_ =	swait.ge [sflag:s2], $0x200  }
0x44: {  	[sflag:s2] =	ssyncset.done $0x0  }
0x45: {  	[sflag:s2] =	ssyncadd.s32 $0xFFFFFE00  }
0x46: {  	_ =	swait.ge [sflag:s2], $0x200  }
0x47: {  	[sflag:s2] =	ssyncset.done $0x0  }
0x48: {  	[sflag:s2] =	ssyncadd.s32 $0xFFFFFE00  }
0x49: {  	_ =	swait.ge [sflag:s2], $0x200  }
0x4a: {  	[sflag:s2] =	ssyncset.done $0x0  }
0x4b: {  	[sflag:s2] =	ssyncadd.s32 $0xFFFFFE00  }
0x4c: {  	_ =	swait.ge [sflag:s2], $0x200  }
0x4d: {  	[sflag:s2] =	ssyncset.done $0x0  }
0x4e: {  	[sflag:s2] =	ssyncadd.s32 $0xFFFFFE00  }
0x4f: {  	_ =	swait.ge [sflag:s2], $0x10  }
0x50: {  	[sflag:s2] =	ssyncset.done $0x0  }
0x51: {  	s5 =	simm.s32 $0x1200;
	[sflag:s2] =	ssyncadd.s32 $0xFFFFFFF0  }
0x52: {  	[tilespmem:s5], [sflag:$0x1] =	stream.indirect.gather [hbm4b:s3+s20], $0x10, s1, s20, $0xb8;
	[tilespmem:$0x14D10] =	vst v63  }
0x53: {  	s7 =	simm.s32 $0x13200  }
0x54: {  	[tilespmem:s7], [sflag:$0x1] =	stream.indirect.gather [hbm4b:s4+s20], $0x1, s1, s20, $0xb8;
	[tilespmem:$0x14D10] =	vst v63  }
0x55: {  	s5 =	simm.s32 $0x3200  }
0x56: {  	[tilespmem:s5], [sflag:$0x1] =	stream.indirect.gather [hbm4b:s3+s20], $0x10, s20, s20, $0xb8;
	[tilespmem:$0x14D10] =	vst v63  }
0x57: {  	s7 =	simm.s32 $0x13400  }
0x58: {  	[tilespmem:s7], [sflag:$0x1] =	stream.indirect.gather [hbm4b:s4+s20], $0x1, s20, s20, $0xb8;
	[tilespmem:$0x14D10] =	vst v63  }
0x59: {  	s5 =	simm.s32 $0x5200  }
0x5a: {  	[tilespmem:s5], [sflag:$0x1] =	stream.indirect.gather [hbm4b:s3+s20], $0x10, s21, s20, $0xb8;
	[tilespmem:$0x14D10] =	vst v63  }
0x5b: {  	s7 =	simm.s32 $0x13600  }
0x5c: {  	[tilespmem:s7], [sflag:$0x1] =	stream.indirect.gather [hbm4b:s4+s20], $0x1, s21, s20, $0xb8;
	[tilespmem:$0x14D10] =	vst v63  }
0x5d: {  	s5 =	simm.s32 $0x7200  }
0x5e: {  	[tilespmem:s5], [sflag:$0x1] =	stream.indirect.gather [hbm4b:s3+s20], $0x10, s22, s20, $0xb8;
	[tilespmem:$0x14D10] =	vst v63  }
0x5f: {  	s7 =	simm.s32 $0x13800  }
0x60: {  	[tilespmem:s7], [sflag:$0x1] =	stream.indirect.gather [hbm4b:s4+s20], $0x1, s22, s20, $0xb8;
	[tilespmem:$0x14D10] =	vst v63  }
0x61: {  	s5 =	simm.s32 $0x9200  }
0x62: {  	[tilespmem:s5], [sflag:$0x1] =	stream.indirect.gather [hbm4b:s3+s20], $0x10, s23, s20, $0xb8;
	[tilespmem:$0x14D10] =	vst v63  }
0x63: {  	s7 =	simm.s32 $0x13A00  }
0x64: {  	[tilespmem:s7], [sflag:$0x1] =	stream.indirect.gather [hbm4b:s4+s20], $0x1, s23, s20, $0xb8;
	[tilespmem:$0x14D10] =	vst v63  }
0x65: {  	s5 =	simm.s32 $0xB200  }
0x66: {  	[tilespmem:s5], [sflag:$0x1] =	stream.indirect.gather [hbm4b:s3+s20], $0x10, s24, s20, $0xb8;
	[tilespmem:$0x14D10] =	vst v63  }
0x67: {  	s7 =	simm.s32 $0x13C00  }
0x68: {  	[tilespmem:s7], [sflag:$0x1] =	stream.indirect.gather [hbm4b:s4+s20], $0x1, s24, s20, $0xb8;
	[tilespmem:$0x14D10] =	vst v63  }
0x69: {  	s5 =	simm.s32 $0xD200  }
0x6a: {  	[tilespmem:s5], [sflag:$0x1] =	stream.indirect.gather [hbm4b:s3+s20], $0x10, s25, s20, $0xb8;
	[tilespmem:$0x14D10] =	vst v63  }
0x6b: {  	s7 =	simm.s32 $0x13E00  }
0x6c: {  	[tilespmem:s7], [sflag:$0x1] =	stream.indirect.gather [hbm4b:s4+s20], $0x1, s25, s20, $0xb8;
	[tilespmem:$0x14D10] =	vst v63  }
0x6d: {  	s5 =	simm.s32 $0xF200  }
0x6e: {  	[tilespmem:s5], [sflag:$0x1] =	stream.indirect.gather [hbm4b:s3+s20], $0x10, s26, s20, $0xb8;
	[tilespmem:$0x14D10] =	vst v63  }
0x6f: {  	s7 =	simm.s32 $0x14000  }
0x70: {  	[tilespmem:s7], [sflag:$0x1] =	stream.indirect.gather [hbm4b:s4+s20], $0x1, s26, s20, $0xb8;
	[tilespmem:$0x14D10] =	vst v63  }
0x71: {  	s5 =	simm.s32 $0x11200  }
0x72: {  	[tilespmem:s5], [sflag:$0x1] =	stream.indirect.gather [hbm4b:s3+s20], $0x10, s28, s20, $0xb8;
	[tilespmem:$0x14D10] =	vst v63  }
0x73: {  	s7 =	simm.s32 $0x14200  }
0x74: {  	[tilespmem:s7], [sflag:$0x1] =	stream.indirect.gather [hbm4b:s4+s20], $0x1, s28, s20, $0xb8;
	[tilespmem:$0x14D10] =	vst v63  }
0x75: {  	_ =	swait.ge [sflag:s2], $0x2000  }
0x76: {  	[sflag:s2] =	ssyncset.done $0x0  }
0x77: {  	[sflag:s2] =	ssyncadd.s32 $0xFFFFE000  }
0x78: {  	_ =	swait.ge [sflag:s2], $0x200  }
0x79: {  	[sflag:s2] =	ssyncset.done $0x0  }
0x7a: {  	[sflag:s2] =	ssyncadd.s32 $0xFFFFFE00  }
0x7b: {  	_ =	swait.ge [sflag:s2], $0x2000  }
0x7c: {  	[sflag:s2] =	ssyncset.done $0x0  }
0x7d: {  	[sflag:s2] =	ssyncadd.s32 $0xFFFFE000  }
0x7e: {  	_ =	swait.ge [sflag:s2], $0x200  }
0x7f: {  	[sflag:s2] =	ssyncset.done $0x0  }
0x80: {  	[sflag:s2] =	ssyncadd.s32 $0xFFFFFE00  }
0x81: {  	_ =	swait.ge [sflag:s2], $0x2000  }
0x82: {  	[sflag:s2] =	ssyncset.done $0x0  }
0x83: {  	[sflag:s2] =	ssyncadd.s32 $0xFFFFE000  }
0x84: {  	_ =	swait.ge [sflag:s2], $0x200  }
0x85: {  	[sflag:s2] =	ssyncset.done $0x0  }
0x86: {  	[sflag:s2] =	ssyncadd.s32 $0xFFFFFE00  }
0x87: {  	_ =	swait.ge [sflag:s2], $0x2000  }
0x88: {  	[sflag:s2] =	ssyncset.done $0x0  }
0x89: {  	[sflag:s2] =	ssyncadd.s32 $0xFFFFE000  }
0x8a: {  	_ =	swait.ge [sflag:s2], $0x200  }
0x8b: {  	[sflag:s2] =	ssyncset.done $0x0  }
0x8c: {  	[sflag:s2] =	ssyncadd.s32 $0xFFFFFE00  }
0x8d: {  	_ =	swait.ge [sflag:s2], $0x2000  }
0x8e: {  	[sflag:s2] =	ssyncset.done $0x0  }
0x8f: {  	[sflag:s2] =	ssyncadd.s32 $0xFFFFE000  }
0x90: {  	_ =	swait.ge [sflag:s2], $0x200  }
0x91: {  	[sflag:s2] =	ssyncset.done $0x0  }
0x92: {  	[sflag:s2] =	ssyncadd.s32 $0xFFFFFE00  }
0x93: {  	_ =	swait.ge [sflag:s2], $0x2000  }
0x94: {  	[sflag:s2] =	ssyncset.done $0x0  }
0x95: {  	[sflag:s2] =	ssyncadd.s32 $0xFFFFE000  }
0x96: {  	_ =	swait.ge [sflag:s2], $0x200  }
0x97: {  	[sflag:s2] =	ssyncset.done $0x0  }
0x98: {  	[sflag:s2] =	ssyncadd.s32 $0xFFFFFE00  }
0x99: {  	_ =	swait.ge [sflag:s2], $0x2000  }
0x9a: {  	[sflag:s2] =	ssyncset.done $0x0  }
0x9b: {  	[sflag:s2] =	ssyncadd.s32 $0xFFFFE000  }
0x9c: {  	_ =	swait.ge [sflag:s2], $0x200  }
0x9d: {  	[sflag:s2] =	ssyncset.done $0x0  }
0x9e: {  	[sflag:s2] =	ssyncadd.s32 $0xFFFFFE00  }
0x9f: {  	_ =	swait.ge [sflag:s2], $0x2000  }
0xa0: {  	[sflag:s2] =	ssyncset.done $0x0  }
0xa1: {  	[sflag:s2] =	ssyncadd.s32 $0xFFFFE000  }
0xa2: {  	_ =	swait.ge [sflag:s2], $0x200  }
0xa3: {  	[sflag:s2] =	ssyncset.done $0x0  }
0xa4: {  	[sflag:s2] =	ssyncadd.s32 $0xFFFFFE00  }
0xa5: {  	_ =	swait.ge [sflag:s2], $0x2000  }
0xa6: {  	[sflag:s2] =	ssyncset.done $0x0  }
0xa7: {  	[sflag:s2] =	ssyncadd.s32 $0xFFFFE000  }
0xa8: {  	_ =	swait.ge [sflag:s2], $0x200  }
0xa9: {  	[sflag:s2] =	ssyncset.done $0x0  }
0xaa: {  	[sflag:s2] =	ssyncadd.s32 $0xFFFFFE00  }
0xab: {  	s0 =	simm.s32 $0x0;
	s5 =	simm.s32 $0x0;
	v16 =	vld [tilespmem:$0x14C00]  }
.LBB2_2:
0xac: {  	s7 =	sshra.s32 s5, $0x2  }
0xad: {  	v17 =	vld [tilespmem:s7+$0x1200]  }
0xae: {  	v18 =	vld [tilespmem:s7+$0x3200];
	_ =	sdelay $0x1  }
0xaf: {  	v19 =	vld [tilespmem:s7+$0x5200];
	_ =	sdelay $0x1  }
0xb0: {  	v20 =	vld [tilespmem:s7+$0x7200]  }
0xb1: {  	v21 =	vmul.f32 v17, v17;
	v17 =	vadd.f32 v18, v17;
	v18 =	vmul.f32 v18, v18  }
0xb2: {  	v22 =	vld [tilespmem:s7+$0x9200]  }
0xb3: {  	v18 =	vadd.f32 v18, v21;
	v17 =	vadd.f32 v19, v17;
	v19 =	vmul.f32 v19, v19  }
0xb4: {  	v59 =	vld [tilespmem:s7+$0xB200]  }
0xb5: {  	v18 =	vadd.f32 v19, v18;
	v17 =	vadd.f32 v20, v17;
	v19 =	vmul.f32 v20, v20  }
0xb6: {  	v60 =	vld [tilespmem:s7+$0xD200]  }
0xb7: {  	v18 =	vadd.f32 v19, v18;
	v17 =	vadd.f32 v22, v17;
	v19 =	vmul.f32 v22, v22  }
0xb8: {  	v61 =	vld [tilespmem:s7+$0xF200]  }
0xb9: {  	v18 =	vadd.f32 v19, v18;
	v17 =	vadd.f32 v59, v17;
	v19 =	vmul.f32 v59, v59  }
0xba: {  	v62 =	vld [tilespmem:s7+$0x11200]  }
0xbb: {  	v18 =	vadd.f32 v19, v18;
	v17 =	vadd.f32 v60, v17;
	v19 =	vmul.f32 v60, v60;
	_ =	sdelay $0x1  }
0xbc: {  	v18 =	vadd.f32 v19, v18;
	v17 =	vadd.f32 v61, v17;
	v19 =	vmul.f32 v61, v61;
	_ =	sdelay $0x1  }
0xbd: {  	v18 =	vadd.f32 v19, v18;
	v17 =	vadd.f32 v62, v17;
	v19 =	vmul.f32 v62, v62;
	_ =	sdelay $0x1  }
0xbe: {  	v18 =	vadd.f32 v19, v18;
	v17 =	vmul.f32 v17, v17;
	_ =	sdelay $0x1  }
0xbf: {  	v17 =	vsub.f32 v17, v18;
	_ =	sdelay $0x1  }
0xc0: {  	[tilespmem:$0x14C10] =	vst v17  }
0xc1: {  	v17 =	vld [tilespmem:s7+$0x1210]  }
0xc2: {  	v18 =	vld [tilespmem:s7+$0x3210];
	_ =	sdelay $0x1  }
0xc3: {  	v19 =	vld [tilespmem:s7+$0x5210];
	_ =	sdelay $0x1  }
0xc4: {  	v63 =	vld [tilespmem:s7+$0x7210]  }
0xc5: {  	v24 =	vmul.f32 v17, v17;
	v17 =	vadd.f32 v18, v17;
	v18 =	vmul.f32 v18, v18  }
0xc6: {  	v25 =	vld [tilespmem:s7+$0x9210]  }
0xc7: {  	v18 =	vadd.f32 v18, v24;
	v17 =	vadd.f32 v19, v17;
	v19 =	vmul.f32 v19, v19  }
0xc8: {  	v26 =	vld [tilespmem:s7+$0xB210]  }
0xc9: {  	v18 =	vadd.f32 v19, v18;
	v17 =	vadd.f32 v63, v17;
	v19 =	vmul.f32 v63, v63  }
0xca: {  	v27 =	vld [tilespmem:s7+$0xD210]  }
0xcb: {  	v18 =	vadd.f32 v19, v18;
	v17 =	vadd.f32 v25, v17;
	v19 =	vmul.f32 v25, v25  }
0xcc: {  	v28 =	vld [tilespmem:s7+$0xF210]  }
0xcd: {  	v18 =	vadd.f32 v19, v18;
	v17 =	vadd.f32 v26, v17;
	v19 =	vmul.f32 v26, v26  }
0xce: {  	v29 =	vld [tilespmem:s7+$0x11210]  }
0xcf: {  	v18 =	vadd.f32 v19, v18;
	v17 =	vadd.f32 v27, v17;
	v19 =	vmul.f32 v27, v27;
	_ =	sdelay $0x1  }
0xd0: {  	v18 =	vadd.f32 v19, v18;
	v17 =	vadd.f32 v28, v17;
	v19 =	vmul.f32 v28, v28;
	_ =	sdelay $0x1  }
0xd1: {  	v18 =	vadd.f32 v19, v18;
	v17 =	vadd.f32 v29, v17;
	v19 =	vmul.f32 v29, v29;
	_ =	sdelay $0x1  }
0xd2: {  	v18 =	vadd.f32 v19, v18;
	v17 =	vmul.f32 v17, v17;
	_ =	sdelay $0x1  }
0xd3: {  	v17 =	vsub.f32 v17, v18;
	_ =	sdelay $0x1  }
0xd4: {  	[tilespmem:$0x14C20] =	vst v17  }
0xd5: {  	v17 =	vld [tilespmem:s7+$0x1220]  }
0xd6: {  	v18 =	vld [tilespmem:s7+$0x3220];
	_ =	sdelay $0x1  }
0xd7: {  	v19 =	vld [tilespmem:s7+$0x5220];
	_ =	sdelay $0x1  }
0xd8: {  	v30 =	vld [tilespmem:s7+$0x7220]  }
0xd9: {  	v31 =	vmul.f32 v17, v17;
	v17 =	vadd.f32 v18, v17;
	v18 =	vmul.f32 v18, v18  }
0xda: {  	v32 =	vld [tilespmem:s7+$0x9220]  }
0xdb: {  	v18 =	vadd.f32 v18, v31;
	v17 =	vadd.f32 v19, v17;
	v19 =	vmul.f32 v19, v19  }
0xdc: {  	v33 =	vld [tilespmem:s7+$0xB220]  }
0xdd: {  	v18 =	vadd.f32 v19, v18;
	v17 =	vadd.f32 v30, v17;
	v19 =	vmul.f32 v30, v30  }
0xde: {  	v34 =	vld [tilespmem:s7+$0xD220]  }
0xdf: {  	v18 =	vadd.f32 v19, v18;
	v17 =	vadd.f32 v32, v17;
	v19 =	vmul.f32 v32, v32  }
0xe0: {  	v35 =	vld [tilespmem:s7+$0xF220]  }
0xe1: {  	v18 =	vadd.f32 v19, v18;
	v17 =	vadd.f32 v33, v17;
	v19 =	vmul.f32 v33, v33  }
0xe2: {  	v36 =	vld [tilespmem:s7+$0x11220]  }
0xe3: {  	v18 =	vadd.f32 v19, v18;
	v17 =	vadd.f32 v34, v17;
	v19 =	vmul.f32 v34, v34;
	_ =	sdelay $0x1  }
0xe4: {  	v18 =	vadd.f32 v19, v18;
	v17 =	vadd.f32 v35, v17;
	v19 =	vmul.f32 v35, v35;
	_ =	sdelay $0x1  }
0xe5: {  	v18 =	vadd.f32 v19, v18;
	v17 =	vadd.f32 v36, v17;
	v19 =	vmul.f32 v36, v36;
	_ =	sdelay $0x1  }
0xe6: {  	v18 =	vadd.f32 v19, v18;
	v17 =	vmul.f32 v17, v17;
	_ =	sdelay $0x1  }
0xe7: {  	v17 =	vsub.f32 v17, v18;
	_ =	sdelay $0x1  }
0xe8: {  	[tilespmem:$0x14C30] =	vst v17  }
0xe9: {  	v17 =	vld [tilespmem:s7+$0x1230]  }
0xea: {  	v18 =	vld [tilespmem:s7+$0x3230];
	_ =	sdelay $0x1  }
0xeb: {  	v19 =	vld [tilespmem:s7+$0x5230];
	_ =	sdelay $0x1  }
0xec: {  	v37 =	vld [tilespmem:s7+$0x7230]  }
0xed: {  	v38 =	vmul.f32 v17, v17;
	v17 =	vadd.f32 v18, v17;
	v18 =	vmul.f32 v18, v18  }
0xee: {  	v39 =	vld [tilespmem:s7+$0x9230]  }
0xef: {  	v18 =	vadd.f32 v18, v38;
	v17 =	vadd.f32 v19, v17;
	v19 =	vmul.f32 v19, v19  }
0xf0: {  	v40 =	vld [tilespmem:s7+$0xB230]  }
0xf1: {  	v18 =	vadd.f32 v19, v18;
	v17 =	vadd.f32 v37, v17;
	v19 =	vmul.f32 v37, v37  }
0xf2: {  	v41 =	vld [tilespmem:s7+$0xD230]  }
0xf3: {  	v18 =	vadd.f32 v19, v18;
	v17 =	vadd.f32 v39, v17;
	v19 =	vmul.f32 v39, v39  }
0xf4: {  	v42 =	vld [tilespmem:s7+$0xF230]  }
0xf5: {  	v18 =	vadd.f32 v19, v18;
	v17 =	vadd.f32 v40, v17;
	v19 =	vmul.f32 v40, v40  }
0xf6: {  	v43 =	vld [tilespmem:s7+$0x11230]  }
0xf7: {  	v18 =	vadd.f32 v19, v18;
	v17 =	vadd.f32 v41, v17;
	v19 =	vmul.f32 v41, v41;
	_ =	sdelay $0x1  }
0xf8: {  	v18 =	vadd.f32 v19, v18;
	v17 =	vadd.f32 v42, v17;
	v19 =	vmul.f32 v42, v42;
	_ =	sdelay $0x1  }
0xf9: {  	v18 =	vadd.f32 v19, v18;
	v17 =	vadd.f32 v43, v17;
	v19 =	vmul.f32 v43, v43;
	_ =	sdelay $0x1  }
0xfa: {  	v18 =	vadd.f32 v19, v18;
	v17 =	vmul.f32 v17, v17;
	_ =	sdelay $0x1  }
0xfb: {  	v17 =	vsub.f32 v17, v18;
	_ =	sdelay $0x1  }
0xfc: {  	[tilespmem:$0x14C40] =	vst v17  }
0xfd: {  	v17 =	vld [tilespmem:s7+$0x1240]  }
0xfe: {  	v18 =	vld [tilespmem:s7+$0x3240];
	_ =	sdelay $0x1  }
0xff: {  	v19 =	vld [tilespmem:s7+$0x5240];
	_ =	sdelay $0x1  }
0x100: {  	v44 =	vld [tilespmem:s7+$0x7240]  }
0x101: {  	v45 =	vmul.f32 v17, v17;
	v17 =	vadd.f32 v18, v17;
	v18 =	vmul.f32 v18, v18  }
0x102: {  	v46 =	vld [tilespmem:s7+$0x9240]  }
0x103: {  	v18 =	vadd.f32 v18, v45;
	v17 =	vadd.f32 v19, v17;
	v19 =	vmul.f32 v19, v19  }
0x104: {  	v47 =	vld [tilespmem:s7+$0xB240]  }
0x105: {  	v18 =	vadd.f32 v19, v18;
	v17 =	vadd.f32 v44, v17;
	v19 =	vmul.f32 v44, v44  }
0x106: {  	v48 =	vld [tilespmem:s7+$0xD240]  }
0x107: {  	v18 =	vadd.f32 v19, v18;
	v17 =	vadd.f32 v46, v17;
	v19 =	vmul.f32 v46, v46  }
0x108: {  	v49 =	vld [tilespmem:s7+$0xF240]  }
0x109: {  	v18 =	vadd.f32 v19, v18;
	v17 =	vadd.f32 v47, v17;
	v19 =	vmul.f32 v47, v47  }
0x10a: {  	v50 =	vld [tilespmem:s7+$0x11240]  }
0x10b: {  	v18 =	vadd.f32 v19, v18;
	v17 =	vadd.f32 v48, v17;
	v19 =	vmul.f32 v48, v48;
	_ =	sdelay $0x1  }
0x10c: {  	v18 =	vadd.f32 v19, v18;
	v17 =	vadd.f32 v49, v17;
	v19 =	vmul.f32 v49, v49;
	_ =	sdelay $0x1  }
0x10d: {  	v18 =	vadd.f32 v19, v18;
	v17 =	vadd.f32 v50, v17;
	v19 =	vmul.f32 v50, v50;
	_ =	sdelay $0x1  }
0x10e: {  	v18 =	vadd.f32 v19, v18;
	v17 =	vmul.f32 v17, v17;
	_ =	sdelay $0x1  }
0x10f: {  	v17 =	vsub.f32 v17, v18;
	_ =	sdelay $0x1  }
0x110: {  	[tilespmem:$0x14C50] =	vst v17  }
0x111: {  	v17 =	vld [tilespmem:s7+$0x1250]  }
0x112: {  	v18 =	vld [tilespmem:s7+$0x3250];
	_ =	sdelay $0x1  }
0x113: {  	v19 =	vld [tilespmem:s7+$0x5250];
	_ =	sdelay $0x1  }
0x114: {  	v51 =	vld [tilespmem:s7+$0x7250]  }
0x115: {  	v52 =	vmul.f32 v17, v17;
	v17 =	vadd.f32 v18, v17;
	v18 =	vmul.f32 v18, v18  }
0x116: {  	v53 =	vld [tilespmem:s7+$0x9250]  }
0x117: {  	v18 =	vadd.f32 v18, v52;
	v17 =	vadd.f32 v19, v17;
	v19 =	vmul.f32 v19, v19  }
0x118: {  	v54 =	vld [tilespmem:s7+$0xB250]  }
0x119: {  	v18 =	vadd.f32 v19, v18;
	v17 =	vadd.f32 v51, v17;
	v19 =	vmul.f32 v51, v51  }
0x11a: {  	v55 =	vld [tilespmem:s7+$0xD250]  }
0x11b: {  	v18 =	vadd.f32 v19, v18;
	v17 =	vadd.f32 v53, v17;
	v19 =	vmul.f32 v53, v53  }
0x11c: {  	v56 =	vld [tilespmem:s7+$0xF250]  }
0x11d: {  	v18 =	vadd.f32 v19, v18;
	v17 =	vadd.f32 v54, v17;
	v19 =	vmul.f32 v54, v54  }
0x11e: {  	v57 =	vld [tilespmem:s7+$0x11250]  }
0x11f: {  	v18 =	vadd.f32 v19, v18;
	v17 =	vadd.f32 v55, v17;
	v19 =	vmul.f32 v55, v55;
	_ =	sdelay $0x1  }
0x120: {  	v18 =	vadd.f32 v19, v18;
	v17 =	vadd.f32 v56, v17;
	v19 =	vmul.f32 v56, v56;
	_ =	sdelay $0x1  }
0x121: {  	v18 =	vadd.f32 v19, v18;
	v17 =	vadd.f32 v57, v17;
	v19 =	vmul.f32 v57, v57;
	_ =	sdelay $0x1  }
0x122: {  	v18 =	vadd.f32 v19, v18;
	v17 =	vmul.f32 v17, v17;
	_ =	sdelay $0x1  }
0x123: {  	v17 =	vsub.f32 v17, v18;
	_ =	sdelay $0x1  }
0x124: {  	[tilespmem:$0x14C60] =	vst v17  }
0x125: {  	v17 =	vld [tilespmem:s7+$0x1260]  }
0x126: {  	v18 =	vld [tilespmem:s7+$0x3260];
	_ =	sdelay $0x1  }
0x127: {  	v19 =	vld [tilespmem:s7+$0x5260];
	_ =	sdelay $0x1  }
0x128: {  	v58 =	vld [tilespmem:s7+$0x7260]  }
0x129: {  	v59 =	vmul.f32 v17, v17;
	v17 =	vadd.f32 v18, v17;
	v18 =	vmul.f32 v18, v18  }
0x12a: {  	v60 =	vld [tilespmem:s7+$0x9260]  }
0x12b: {  	v18 =	vadd.f32 v18, v59;
	v17 =	vadd.f32 v19, v17;
	v19 =	vmul.f32 v19, v19  }
0x12c: {  	v61 =	vld [tilespmem:s7+$0xB260]  }
0x12d: {  	v18 =	vadd.f32 v19, v18;
	v17 =	vadd.f32 v58, v17;
	v19 =	vmul.f32 v58, v58  }
0x12e: {  	v62 =	vld [tilespmem:s7+$0xD260]  }
0x12f: {  	v18 =	vadd.f32 v19, v18;
	v17 =	vadd.f32 v60, v17;
	v19 =	vmul.f32 v60, v60  }
0x130: {  	v63 =	vld [tilespmem:s7+$0xF260]  }
0x131: {  	v18 =	vadd.f32 v19, v18;
	v17 =	vadd.f32 v61, v17;
	v19 =	vmul.f32 v61, v61  }
0x132: {  	v24 =	vld [tilespmem:s7+$0x11260]  }
0x133: {  	v18 =	vadd.f32 v19, v18;
	v17 =	vadd.f32 v62, v17;
	v19 =	vmul.f32 v62, v62;
	_ =	sdelay $0x1  }
0x134: {  	v18 =	vadd.f32 v19, v18;
	v17 =	vadd.f32 v63, v17;
	v19 =	vmul.f32 v63, v63;
	_ =	sdelay $0x1  }
0x135: {  	v18 =	vadd.f32 v19, v18;
	v17 =	vadd.f32 v24, v17;
	v19 =	vmul.f32 v24, v24;
	_ =	sdelay $0x1  }
0x136: {  	v18 =	vadd.f32 v19, v18;
	v17 =	vmul.f32 v17, v17;
	_ =	sdelay $0x1  }
0x137: {  	v17 =	vsub.f32 v17, v18;
	_ =	sdelay $0x1  }
0x138: {  	[tilespmem:$0x14C70] =	vst v17  }
0x139: {  	v17 =	vld [tilespmem:s7+$0x1270]  }
0x13a: {  	v18 =	vld [tilespmem:s7+$0x3270];
	_ =	sdelay $0x1  }
0x13b: {  	v19 =	vld [tilespmem:s7+$0x5270];
	_ =	sdelay $0x1  }
0x13c: {  	v25 =	vld [tilespmem:s7+$0x7270]  }
0x13d: {  	v26 =	vmul.f32 v17, v17;
	v17 =	vadd.f32 v18, v17;
	v18 =	vmul.f32 v18, v18  }
0x13e: {  	v27 =	vld [tilespmem:s7+$0x9270]  }
0x13f: {  	v18 =	vadd.f32 v18, v26;
	v17 =	vadd.f32 v19, v17;
	v19 =	vmul.f32 v19, v19  }
0x140: {  	v28 =	vld [tilespmem:s7+$0xB270]  }
0x141: {  	v18 =	vadd.f32 v19, v18;
	v17 =	vadd.f32 v25, v17;
	v19 =	vmul.f32 v25, v25  }
0x142: {  	v29 =	vld [tilespmem:s7+$0xD270]  }
0x143: {  	v18 =	vadd.f32 v19, v18;
	v17 =	vadd.f32 v27, v17;
	v19 =	vmul.f32 v27, v27  }
0x144: {  	v30 =	vld [tilespmem:s7+$0xF270]  }
0x145: {  	v18 =	vadd.f32 v19, v18;
	v17 =	vadd.f32 v28, v17;
	v19 =	vmul.f32 v28, v28  }
0x146: {  	v31 =	vld [tilespmem:s7+$0x11270]  }
0x147: {  	v18 =	vadd.f32 v19, v18;
	v17 =	vadd.f32 v29, v17;
	v19 =	vmul.f32 v29, v29;
	_ =	sdelay $0x1  }
0x148: {  	v18 =	vadd.f32 v19, v18;
	v17 =	vadd.f32 v30, v17;
	v19 =	vmul.f32 v30, v30;
	_ =	sdelay $0x1  }
0x149: {  	v18 =	vadd.f32 v19, v18;
	v17 =	vadd.f32 v31, v17;
	v19 =	vmul.f32 v31, v31;
	_ =	sdelay $0x1  }
0x14a: {  	v18 =	vadd.f32 v19, v18;
	v17 =	vmul.f32 v17, v17;
	_ =	sdelay $0x1  }
0x14b: {  	v17 =	vsub.f32 v17, v18;
	_ =	sdelay $0x1  }
0x14c: {  	[tilespmem:$0x14C80] =	vst v17  }
0x14d: {  	v17 =	vld [tilespmem:s7+$0x1280]  }
0x14e: {  	v18 =	vld [tilespmem:s7+$0x3280];
	_ =	sdelay $0x1  }
0x14f: {  	v19 =	vld [tilespmem:s7+$0x5280];
	_ =	sdelay $0x1  }
0x150: {  	v32 =	vld [tilespmem:s7+$0x7280]  }
0x151: {  	v33 =	vmul.f32 v17, v17;
	v17 =	vadd.f32 v18, v17;
	v18 =	vmul.f32 v18, v18  }
0x152: {  	v34 =	vld [tilespmem:s7+$0x9280]  }
0x153: {  	v18 =	vadd.f32 v18, v33;
	v17 =	vadd.f32 v19, v17;
	v19 =	vmul.f32 v19, v19  }
0x154: {  	v35 =	vld [tilespmem:s7+$0xB280]  }
0x155: {  	v18 =	vadd.f32 v19, v18;
	v17 =	vadd.f32 v32, v17;
	v19 =	vmul.f32 v32, v32  }
0x156: {  	v36 =	vld [tilespmem:s7+$0xD280]  }
0x157: {  	v18 =	vadd.f32 v19, v18;
	v17 =	vadd.f32 v34, v17;
	v19 =	vmul.f32 v34, v34  }
0x158: {  	v37 =	vld [tilespmem:s7+$0xF280]  }
0x159: {  	v18 =	vadd.f32 v19, v18;
	v17 =	vadd.f32 v35, v17;
	v19 =	vmul.f32 v35, v35  }
0x15a: {  	v38 =	vld [tilespmem:s7+$0x11280]  }
0x15b: {  	v18 =	vadd.f32 v19, v18;
	v17 =	vadd.f32 v36, v17;
	v19 =	vmul.f32 v36, v36;
	_ =	sdelay $0x1  }
0x15c: {  	v18 =	vadd.f32 v19, v18;
	v17 =	vadd.f32 v37, v17;
	v19 =	vmul.f32 v37, v37;
	_ =	sdelay $0x1  }
0x15d: {  	v18 =	vadd.f32 v19, v18;
	v17 =	vadd.f32 v38, v17;
	v19 =	vmul.f32 v38, v38;
	_ =	sdelay $0x1  }
0x15e: {  	v18 =	vadd.f32 v19, v18;
	v17 =	vmul.f32 v17, v17;
	_ =	sdelay $0x1  }
0x15f: {  	v17 =	vsub.f32 v17, v18;
	_ =	sdelay $0x1  }
0x160: {  	[tilespmem:$0x14C90] =	vst v17  }
0x161: {  	v17 =	vld [tilespmem:s7+$0x1290]  }
0x162: {  	v18 =	vld [tilespmem:s7+$0x3290];
	_ =	sdelay $0x1  }
0x163: {  	v19 =	vld [tilespmem:s7+$0x5290];
	_ =	sdelay $0x1  }
0x164: {  	v39 =	vld [tilespmem:s7+$0x7290]  }
0x165: {  	v40 =	vmul.f32 v17, v17;
	v17 =	vadd.f32 v18, v17;
	v18 =	vmul.f32 v18, v18  }
0x166: {  	v41 =	vld [tilespmem:s7+$0x9290]  }
0x167: {  	v18 =	vadd.f32 v18, v40;
	v17 =	vadd.f32 v19, v17;
	v19 =	vmul.f32 v19, v19  }
0x168: {  	v42 =	vld [tilespmem:s7+$0xB290]  }
0x169: {  	v18 =	vadd.f32 v19, v18;
	v17 =	vadd.f32 v39, v17;
	v19 =	vmul.f32 v39, v39  }
0x16a: {  	v43 =	vld [tilespmem:s7+$0xD290]  }
0x16b: {  	v18 =	vadd.f32 v19, v18;
	v17 =	vadd.f32 v41, v17;
	v19 =	vmul.f32 v41, v41  }
0x16c: {  	v44 =	vld [tilespmem:s7+$0xF290]  }
0x16d: {  	v18 =	vadd.f32 v19, v18;
	v17 =	vadd.f32 v42, v17;
	v19 =	vmul.f32 v42, v42  }
0x16e: {  	v45 =	vld [tilespmem:s7+$0x11290]  }
0x16f: {  	v18 =	vadd.f32 v19, v18;
	v17 =	vadd.f32 v43, v17;
	v19 =	vmul.f32 v43, v43;
	_ =	sdelay $0x1  }
0x170: {  	v18 =	vadd.f32 v19, v18;
	v17 =	vadd.f32 v44, v17;
	v19 =	vmul.f32 v44, v44;
	_ =	sdelay $0x1  }
0x171: {  	v18 =	vadd.f32 v19, v18;
	v17 =	vadd.f32 v45, v17;
	v19 =	vmul.f32 v45, v45;
	_ =	sdelay $0x1  }
0x172: {  	v18 =	vadd.f32 v19, v18;
	v17 =	vmul.f32 v17, v17;
	_ =	sdelay $0x1  }
0x173: {  	v17 =	vsub.f32 v17, v18;
	_ =	sdelay $0x1  }
0x174: {  	[tilespmem:$0x14CA0] =	vst v17  }
0x175: {  	v17 =	vld [tilespmem:s7+$0x12A0]  }
0x176: {  	v18 =	vld [tilespmem:s7+$0x32A0];
	_ =	sdelay $0x1  }
0x177: {  	v19 =	vld [tilespmem:s7+$0x52A0];
	_ =	sdelay $0x1  }
0x178: {  	v46 =	vld [tilespmem:s7+$0x72A0]  }
0x179: {  	v47 =	vmul.f32 v17, v17;
	v17 =	vadd.f32 v18, v17;
	v18 =	vmul.f32 v18, v18  }
0x17a: {  	v48 =	vld [tilespmem:s7+$0x92A0]  }
0x17b: {  	v18 =	vadd.f32 v18, v47;
	v17 =	vadd.f32 v19, v17;
	v19 =	vmul.f32 v19, v19  }
0x17c: {  	v49 =	vld [tilespmem:s7+$0xB2A0]  }
0x17d: {  	v18 =	vadd.f32 v19, v18;
	v17 =	vadd.f32 v46, v17;
	v19 =	vmul.f32 v46, v46  }
0x17e: {  	v50 =	vld [tilespmem:s7+$0xD2A0]  }
0x17f: {  	v18 =	vadd.f32 v19, v18;
	v17 =	vadd.f32 v48, v17;
	v19 =	vmul.f32 v48, v48  }
0x180: {  	v51 =	vld [tilespmem:s7+$0xF2A0]  }
0x181: {  	v18 =	vadd.f32 v19, v18;
	v17 =	vadd.f32 v49, v17;
	v19 =	vmul.f32 v49, v49  }
0x182: {  	v52 =	vld [tilespmem:s7+$0x112A0]  }
0x183: {  	v18 =	vadd.f32 v19, v18;
	v17 =	vadd.f32 v50, v17;
	v19 =	vmul.f32 v50, v50;
	_ =	sdelay $0x1  }
0x184: {  	v18 =	vadd.f32 v19, v18;
	v17 =	vadd.f32 v51, v17;
	v19 =	vmul.f32 v51, v51;
	_ =	sdelay $0x1  }
0x185: {  	v18 =	vadd.f32 v19, v18;
	v17 =	vadd.f32 v52, v17;
	v19 =	vmul.f32 v52, v52;
	_ =	sdelay $0x1  }
0x186: {  	v18 =	vadd.f32 v19, v18;
	v17 =	vmul.f32 v17, v17;
	_ =	sdelay $0x1  }
0x187: {  	v17 =	vsub.f32 v17, v18;
	_ =	sdelay $0x1  }
0x188: {  	[tilespmem:$0x14CB0] =	vst v17  }
0x189: {  	v17 =	vld [tilespmem:s7+$0x12B0]  }
0x18a: {  	v18 =	vld [tilespmem:s7+$0x32B0];
	_ =	sdelay $0x1  }
0x18b: {  	v19 =	vld [tilespmem:s7+$0x52B0];
	_ =	sdelay $0x1  }
0x18c: {  	v53 =	vld [tilespmem:s7+$0x72B0]  }
0x18d: {  	v54 =	vmul.f32 v17, v17;
	v17 =	vadd.f32 v18, v17;
	v18 =	vmul.f32 v18, v18  }
0x18e: {  	v55 =	vld [tilespmem:s7+$0x92B0]  }
0x18f: {  	v18 =	vadd.f32 v18, v54;
	v17 =	vadd.f32 v19, v17;
	v19 =	vmul.f32 v19, v19  }
0x190: {  	v56 =	vld [tilespmem:s7+$0xB2B0]  }
0x191: {  	v18 =	vadd.f32 v19, v18;
	v17 =	vadd.f32 v53, v17;
	v19 =	vmul.f32 v53, v53  }
0x192: {  	v57 =	vld [tilespmem:s7+$0xD2B0]  }
0x193: {  	v18 =	vadd.f32 v19, v18;
	v17 =	vadd.f32 v55, v17;
	v19 =	vmul.f32 v55, v55  }
0x194: {  	v58 =	vld [tilespmem:s7+$0xF2B0]  }
0x195: {  	v18 =	vadd.f32 v19, v18;
	v17 =	vadd.f32 v56, v17;
	v19 =	vmul.f32 v56, v56  }
0x196: {  	v59 =	vld [tilespmem:s7+$0x112B0]  }
0x197: {  	v18 =	vadd.f32 v19, v18;
	v17 =	vadd.f32 v57, v17;
	v19 =	vmul.f32 v57, v57;
	_ =	sdelay $0x1  }
0x198: {  	v18 =	vadd.f32 v19, v18;
	v17 =	vadd.f32 v58, v17;
	v19 =	vmul.f32 v58, v58;
	_ =	sdelay $0x1  }
0x199: {  	v18 =	vadd.f32 v19, v18;
	v17 =	vadd.f32 v59, v17;
	v19 =	vmul.f32 v59, v59;
	_ =	sdelay $0x1  }
0x19a: {  	v18 =	vadd.f32 v19, v18;
	v17 =	vmul.f32 v17, v17;
	_ =	sdelay $0x1  }
0x19b: {  	v17 =	vsub.f32 v17, v18;
	_ =	sdelay $0x1  }
0x19c: {  	[tilespmem:$0x14CC0] =	vst v17  }
0x19d: {  	v17 =	vld [tilespmem:s7+$0x12C0]  }
0x19e: {  	v18 =	vld [tilespmem:s7+$0x32C0];
	_ =	sdelay $0x1  }
0x19f: {  	v19 =	vld [tilespmem:s7+$0x52C0];
	_ =	sdelay $0x1  }
0x1a0: {  	v60 =	vld [tilespmem:s7+$0x72C0]  }
0x1a1: {  	v61 =	vmul.f32 v17, v17;
	v17 =	vadd.f32 v18, v17;
	v18 =	vmul.f32 v18, v18  }
0x1a2: {  	v62 =	vld [tilespmem:s7+$0x92C0]  }
0x1a3: {  	v18 =	vadd.f32 v18, v61;
	v17 =	vadd.f32 v19, v17;
	v19 =	vmul.f32 v19, v19  }
0x1a4: {  	v63 =	vld [tilespmem:s7+$0xB2C0]  }
0x1a5: {  	v18 =	vadd.f32 v19, v18;
	v17 =	vadd.f32 v60, v17;
	v19 =	vmul.f32 v60, v60  }
0x1a6: {  	v24 =	vld [tilespmem:s7+$0xD2C0]  }
0x1a7: {  	v18 =	vadd.f32 v19, v18;
	v17 =	vadd.f32 v62, v17;
	v19 =	vmul.f32 v62, v62  }
0x1a8: {  	v25 =	vld [tilespmem:s7+$0xF2C0]  }
0x1a9: {  	v18 =	vadd.f32 v19, v18;
	v17 =	vadd.f32 v63, v17;
	v19 =	vmul.f32 v63, v63  }
0x1aa: {  	v26 =	vld [tilespmem:s7+$0x112C0]  }
0x1ab: {  	v18 =	vadd.f32 v19, v18;
	v17 =	vadd.f32 v24, v17;
	v19 =	vmul.f32 v24, v24;
	_ =	sdelay $0x1  }
0x1ac: {  	v18 =	vadd.f32 v19, v18;
	v17 =	vadd.f32 v25, v17;
	v19 =	vmul.f32 v25, v25;
	_ =	sdelay $0x1  }
0x1ad: {  	v18 =	vadd.f32 v19, v18;
	v17 =	vadd.f32 v26, v17;
	v19 =	vmul.f32 v26, v26;
	_ =	sdelay $0x1  }
0x1ae: {  	v18 =	vadd.f32 v19, v18;
	v17 =	vmul.f32 v17, v17;
	_ =	sdelay $0x1  }
0x1af: {  	v17 =	vsub.f32 v17, v18;
	_ =	sdelay $0x1  }
0x1b0: {  	[tilespmem:$0x14CD0] =	vst v17  }
0x1b1: {  	v17 =	vld [tilespmem:s7+$0x12D0]  }
0x1b2: {  	v18 =	vld [tilespmem:s7+$0x32D0];
	_ =	sdelay $0x1  }
0x1b3: {  	v19 =	vld [tilespmem:s7+$0x52D0];
	_ =	sdelay $0x1  }
0x1b4: {  	v27 =	vld [tilespmem:s7+$0x72D0]  }
0x1b5: {  	v28 =	vmul.f32 v17, v17;
	v17 =	vadd.f32 v18, v17;
	v18 =	vmul.f32 v18, v18  }
0x1b6: {  	v29 =	vld [tilespmem:s7+$0x92D0]  }
0x1b7: {  	v18 =	vadd.f32 v18, v28;
	v17 =	vadd.f32 v19, v17;
	v19 =	vmul.f32 v19, v19  }
0x1b8: {  	v30 =	vld [tilespmem:s7+$0xB2D0]  }
0x1b9: {  	v18 =	vadd.f32 v19, v18;
	v17 =	vadd.f32 v27, v17;
	v19 =	vmul.f32 v27, v27  }
0x1ba: {  	v31 =	vld [tilespmem:s7+$0xD2D0]  }
0x1bb: {  	v18 =	vadd.f32 v19, v18;
	v17 =	vadd.f32 v29, v17;
	v19 =	vmul.f32 v29, v29  }
0x1bc: {  	v32 =	vld [tilespmem:s7+$0xF2D0]  }
0x1bd: {  	v18 =	vadd.f32 v19, v18;
	v17 =	vadd.f32 v30, v17;
	v19 =	vmul.f32 v30, v30  }
0x1be: {  	v33 =	vld [tilespmem:s7+$0x112D0]  }
0x1bf: {  	v18 =	vadd.f32 v19, v18;
	v17 =	vadd.f32 v31, v17;
	v19 =	vmul.f32 v31, v31;
	_ =	sdelay $0x1  }
0x1c0: {  	v18 =	vadd.f32 v19, v18;
	v17 =	vadd.f32 v32, v17;
	v19 =	vmul.f32 v32, v32;
	_ =	sdelay $0x1  }
0x1c1: {  	v18 =	vadd.f32 v19, v18;
	v17 =	vadd.f32 v33, v17;
	v19 =	vmul.f32 v33, v33;
	_ =	sdelay $0x1  }
0x1c2: {  	v18 =	vadd.f32 v19, v18;
	v17 =	vmul.f32 v17, v17;
	_ =	sdelay $0x1  }
0x1c3: {  	v17 =	vsub.f32 v17, v18;
	_ =	sdelay $0x1  }
0x1c4: {  	[tilespmem:$0x14CE0] =	vst v17  }
0x1c5: {  	v17 =	vld [tilespmem:s7+$0x12E0]  }
0x1c6: {  	v18 =	vld [tilespmem:s7+$0x32E0];
	_ =	sdelay $0x1  }
0x1c7: {  	v19 =	vld [tilespmem:s7+$0x52E0];
	_ =	sdelay $0x1  }
0x1c8: {  	v34 =	vld [tilespmem:s7+$0x72E0]  }
0x1c9: {  	v35 =	vmul.f32 v17, v17;
	v17 =	vadd.f32 v18, v17;
	v18 =	vmul.f32 v18, v18  }
0x1ca: {  	v36 =	vld [tilespmem:s7+$0x92E0]  }
0x1cb: {  	v18 =	vadd.f32 v18, v35;
	v17 =	vadd.f32 v19, v17;
	v19 =	vmul.f32 v19, v19  }
0x1cc: {  	v37 =	vld [tilespmem:s7+$0xB2E0]  }
0x1cd: {  	v18 =	vadd.f32 v19, v18;
	v17 =	vadd.f32 v34, v17;
	v19 =	vmul.f32 v34, v34  }
0x1ce: {  	v38 =	vld [tilespmem:s7+$0xD2E0]  }
0x1cf: {  	v18 =	vadd.f32 v19, v18;
	v17 =	vadd.f32 v36, v17;
	v19 =	vmul.f32 v36, v36  }
0x1d0: {  	v39 =	vld [tilespmem:s7+$0xF2E0]  }
0x1d1: {  	v18 =	vadd.f32 v19, v18;
	v17 =	vadd.f32 v37, v17;
	v19 =	vmul.f32 v37, v37  }
0x1d2: {  	v40 =	vld [tilespmem:s7+$0x112E0]  }
0x1d3: {  	v18 =	vadd.f32 v19, v18;
	v17 =	vadd.f32 v38, v17;
	v19 =	vmul.f32 v38, v38;
	_ =	sdelay $0x1  }
0x1d4: {  	v18 =	vadd.f32 v19, v18;
	v17 =	vadd.f32 v39, v17;
	v19 =	vmul.f32 v39, v39;
	_ =	sdelay $0x1  }
0x1d5: {  	v18 =	vadd.f32 v19, v18;
	v17 =	vadd.f32 v40, v17;
	v19 =	vmul.f32 v40, v40;
	_ =	sdelay $0x1  }
0x1d6: {  	v18 =	vadd.f32 v19, v18;
	v17 =	vmul.f32 v17, v17;
	_ =	sdelay $0x1  }
0x1d7: {  	v17 =	vsub.f32 v17, v18;
	_ =	sdelay $0x1  }
0x1d8: {  	[tilespmem:$0x14CF0] =	vst v17  }
0x1d9: {  	v17 =	vld [tilespmem:s7+$0x12F0]  }
0x1da: {  	v18 =	vld [tilespmem:s7+$0x32F0];
	_ =	sdelay $0x1  }
0x1db: {  	v19 =	vld [tilespmem:s7+$0x52F0];
	_ =	sdelay $0x1  }
0x1dc: {  	v41 =	vld [tilespmem:s7+$0x72F0]  }
0x1dd: {  	v42 =	vmul.f32 v17, v17;
	v17 =	vadd.f32 v18, v17;
	v18 =	vmul.f32 v18, v18  }
0x1de: {  	v43 =	vld [tilespmem:s7+$0x92F0]  }
0x1df: {  	v18 =	vadd.f32 v18, v42;
	v17 =	vadd.f32 v19, v17;
	v19 =	vmul.f32 v19, v19  }
0x1e0: {  	v44 =	vld [tilespmem:s7+$0xB2F0]  }
0x1e1: {  	v18 =	vadd.f32 v19, v18;
	v17 =	vadd.f32 v41, v17;
	v19 =	vmul.f32 v41, v41  }
0x1e2: {  	v45 =	vld [tilespmem:s7+$0xD2F0]  }
0x1e3: {  	v18 =	vadd.f32 v19, v18;
	v17 =	vadd.f32 v43, v17;
	v19 =	vmul.f32 v43, v43  }
0x1e4: {  	v46 =	vld [tilespmem:s7+$0xF2F0]  }
0x1e5: {  	v18 =	vadd.f32 v19, v18;
	v17 =	vadd.f32 v44, v17;
	v19 =	vmul.f32 v44, v44  }
0x1e6: {  	v47 =	vld [tilespmem:s7+$0x112F0]  }
0x1e7: {  	v18 =	vadd.f32 v19, v18;
	v17 =	vadd.f32 v45, v17;
	v19 =	vmul.f32 v45, v45;
	_ =	sdelay $0x1  }
0x1e8: {  	v18 =	vadd.f32 v19, v18;
	v17 =	vadd.f32 v46, v17;
	v19 =	vmul.f32 v46, v46;
	_ =	sdelay $0x1  }
0x1e9: {  	v18 =	vadd.f32 v19, v18;
	v17 =	vadd.f32 v47, v17;
	v19 =	vmul.f32 v47, v47;
	_ =	sdelay $0x1  }
0x1ea: {  	v18 =	vadd.f32 v19, v18;
	v17 =	vmul.f32 v17, v17;
	_ =	sdelay $0x1  }
0x1eb: {  	v17 =	vsub.f32 v17, v18;
	_ =	sdelay $0x1  }
0x1ec: {  	[tilespmem:$0x14D00] =	vst v17  }
0x1ed: {  	v17 =	vld.idx.msk [tilespmem:v0+s31+$0x0], $0xffff;
	_ =	sdelay $0x1  }
0x1ee: {  	v18 =	vld.idx.msk [tilespmem:v1+s31+$0x0], $0xffff;
	_ =	sdelay $0x1  }
0x1ef: {  	v19 =	vld.idx.msk [tilespmem:v2+s31+$0x0], $0xffff  }
0x1f0: {  	v17 =	vadd.f32 $0.0e+00, v17  }
0x1f1: {  	v48 =	vld.idx.msk [tilespmem:v3+s31+$0x0], $0xffff  }
0x1f2: {  	v49 =	vld.idx.msk [tilespmem:v5+s31+$0x0], $0xffff;
	v17 =	vadd.f32 v18, v17  }
0x1f3: {  	v18 =	vld.idx.msk [tilespmem:v4+s31+$0x0], $0xffff  }
0x1f4: {  	v50 =	vld.idx.msk [tilespmem:v7+s31+$0x0], $0xffff;
	v17 =	vadd.f32 v19, v17  }
0x1f5: {  	v51 =	vld.idx.msk [tilespmem:v8+s31+$0x0], $0xffff  }
0x1f6: {  	v23 =	vld.idx.msk [tilespmem:v9+s31+$0x0], $0xffff;
	v17 =	vadd.f32 v48, v17  }
0x1f7: {  	v19 =	vld.idx.msk [tilespmem:v6+s31+$0x0], $0xffff  }
0x1f8: {  	v24 =	vld.idx.msk [tilespmem:v11+s31+$0x0], $0xffff;
	v17 =	vadd.f32 v18, v17  }
0x1f9: {  	s7 =	sshra.s32 s0, $0x2;
	v52 =	vld.idx.msk [tilespmem:v12+s31+$0x0], $0xffff  }
0x1fa: {  	v25 =	vld [tilespmem:s7+$0x13200];
	v17 =	vadd.f32 v49, v17  }
0x1fb: {  	v26 =	vld [tilespmem:s7+$0x13400]  }
0x1fc: {  	v53 =	vld.idx.msk [tilespmem:v14+s31+$0x0], $0xffff;
	v17 =	vadd.f32 v19, v17  }
0x1fd: {  	v27 =	vld [tilespmem:s7+$0x13600]  }
0x1fe: {  	v54 =	vld.idx.msk [tilespmem:v15+s31+$0x0], $0xffff;
	v17 =	vadd.f32 v50, v17  }
0x1ff: {  	v18 =	vld.idx.msk [tilespmem:v10+s31+$0x0], $0xffff  }
0x200: {  	v28 =	vld [tilespmem:s7+$0x13800];
	v25 =	vadd.f32 v25, v16;
	v17 =	vadd.f32 v51, v17  }
0x201: {  	v56 =	vld [tilespmem:s7+$0x13A00]  }
0x202: {  	v57 =	vld [tilespmem:s7+$0x13C00];
	v55 =	vadd.f32 v26, v25;
	v17 =	vadd.f32 v23, v17  }
0x203: {  	v58 =	vld [tilespmem:s7+$0x13E00]  }
0x204: {  	v59 =	vld [tilespmem:s7+$0x14400];
	v17 =	vadd.f32 v18, v17;
	v18 =	vadd.f32 v27, v55  }
0x205: {  	v19 =	vld.idx.msk [tilespmem:v13+s31+$0x0], $0xffff  }
0x206: {  	v60 =	vld [tilespmem:s7+$0x14000];
	v17 =	vadd.f32 v24, v17;
	v18 =	vadd.f32 v28, v18  }
0x207: {  	v61 =	vld [tilespmem:s7+$0x14600]  }
0x208: {  	v62 =	vld [tilespmem:s7+$0x14200];
	v17 =	vadd.f32 v52, v17;
	v18 =	vadd.f32 v56, v18  }
0x209: {  	v63 =	vld [tilespmem:s7+$0x14800]  }
0x20a: {  	v17 =	vadd.f32 v19, v17;
	v18 =	vadd.f32 v57, v18;
	v19 =	vmul.f32 v59, v58;
	_ =	sdelay $0x1  }
0x20b: {  	v17 =	vadd.f32 v53, v17;
	v18 =	vadd.f32 v19, v18;
	v19 =	vmul.f32 v61, v60;
	_ =	sdelay $0x1  }
0x20c: {  	v17 =	vadd.f32 v54, v17;
	v18 =	vadd.f32 v19, v18;
	v19 =	vmul.f32 v63, v62;
	_ =	sdelay $0x1  }
0x20d: {  	v18 =	vadd.f32 v19, v18;
	v17 =	vmul.f32 $5.000000000e-01, v17;
	_ =	sdelay $0x1  }
0x20e: {  	v17 =	vadd.f32 v18, v17;
	_ =	sdelay $0x1  }
0x20f: {  	v17 =	vsub.f32 $0.0e+00, v17;
	_ =	sdelay $0x1  }
0x210: {  	v17 =	vmul.f32 $1.442695020e+00, v17;
	_ =	sdelay $0x1  }
0x211: {  	(erf) = vpow2.f32 v17;
	_ =	sdelay $0x8  }
0x212: {  	v17 =	vpop (erf)  }
0x213: {  	v17 =	vadd.f32 $1.000000000e+00, v17;
	_ =	sdelay $0x1  }
0x214: {  	(erf) = vrcp.f32 v17;
	_ =	sdelay $0x4  }
0x215: {  	p0 =	sne.s32 s5, $0x7C00  }
.Ltmp0:
0x216: {  	_ = 	snop;
	(pc) =	sbr.rel @p0 .LBB2_2-.Ltmp0, $3  }
0x217: {  	_ =	sdelay $0x1  }
0x218: {  	v17 =	vpop (erf)  }
0x219: {  	s5 =	sadd.s32 $0x400, s5;
	s0 =	sadd.s32 $0x40, s0;
	[tilespmem:s7+$0x14A00] =	vst v17  }
0x21a: {  	s30 =	sadd.s32 $0x1, s30  }
0x21b: {  	p0 =	sne.s32 s30, s19  }
.Ltmp1:
0x21c: {  	s0 =	simm.s32 $0x14A00;
	(pc) =	sbr.rel @p0 .LBB2_1-.Ltmp1, $4  }
0x21d: {  	[hbm4b:s18+s1] =	stream.linear.scatter [tilespmem:s0], [sflag:$0x2], $0x200, $0x38;
	[tilespmem:$0x14D10] =	vst v63  }
0x21e: {  	_ =	swait.ge [sflag:s29], $0x200  }
0x21f: {  	[sflag:s29] =	ssyncset.done $0x0  }
0x220: {  	[sflag:s29] =	ssyncadd.s32 $0xFFFFFE00  }
0x221: {  	_ =	sfence.sel $0x180000  }
0x222: {  	[bflag:$0x0] =	sbarrier.arrive $0xFFFF  }
0x223: {  	_ =	strace $0x90000047  }
0x224: {  	s0 =	stileid.u32;
	[bflag:$0x2] =	sbarrier.arrive $0xFFFF  }
0x225: {  	p0 =	sne.s32 s0, $0x0;
	s0 =	rddreg [dreg:$0x2]  }
0x226: {  	s0 =	sadd.s32 @!p0 $0x100000, s0  }
0x227: {  	[sflag:s0] =	ssyncadd.tile.s32 @!p0 $0x1;
	_ =	shalt  }
.Lfunc_end2:
_tile_overlayer_lowered:
.L_overlay_start_2:
0x228: {  	(tag) =	ssettag $0x2  }
0x229: {  	s0 =	rddreg [dreg:$0x0];
	s2 =	stileid.u32  }
0x22a: {  	s1 =	rddreg [dreg:$0x1];
	p0 =	sne.s32 s2, $0x0  }
0x22b: {  	s3 =	rddreg [dreg:$0x2];
	[bflag:$0x3] =	sbarrier.arrive $0xFFFF;
	s2 =	simm.s32 @!p0 $0x1C02  }
0x22c: {  	[timem:s3], [sflag:s2] =	dma.local @!p0 [hbm:s0], s1  }
0x22d: {  	s0 =	simm.s32 @!p0 $0x2  }
0x22e: {  	_ =	swait.ge @!p0 [sflag:s0], s1  }
0x22f: {  	s1 =	ssub.s32 @!p0 $0x0, s1;
	[sflag:s0] =	ssyncset.done @!p0 $0x0  }
0x230: {  	[sflag:s0] =	ssyncadd.s32 @!p0 s1  }
0x231: {  	[bflag:$0x3] =	sbarrier.arrive $0xFFFF  }
0x232: {  	_ =	shalt  }

</sc_bundles>
